<compile_context>
chip_gen: v7x
topology: tpu7x:2x2x1
jax: 0.10.2.dev20260603
libtpu: 0.0.44.dev20260713+nightly
codegen_flags: <defaults>
</compile_context>

<pallas_src>
import jax
import jax.numpy as jnp
from jax import lax
from jax.experimental import pallas as pl
from jax.experimental.pallas import tpu as pltpu
from jax.experimental.pallas import tpu_sc as plsc

N = 10000
E = 320000
D = 128

NC = 2
NS = 16
NW = NC * NS

CHUNK = 80
FULL_CHUNKS = 125
EDGES_PER_W = FULL_CHUNKS * CHUNK
NP_ = 10240
ROWS_PER_TILE = NP_ // NS
NB = 4


def _sc_body(h_hbm, src_hbm, dst_hbm, acc_out, deg_out,
         src0, src1, src2, src3, dst0, dst1, dst2, dst3,
         st0, st1, rows0, rows1, rows2, rows3, ones_v, deg_v,
         acc_sh, deg_sh,
         g0, g1, g2, g3, sc0, sc1, sc2, sc3, dg0, dg1, dg2, dg3,
         is0, is1, is2, is3, it0, it1):
    cid = lax.axis_index("c")
    tid = lax.axis_index("s")
    row0 = tid * ROWS_PER_TILE
    srcs = [src0, src1, src2, src3]
    dsts = [dst0, dst1, dst2, dst3]
    stages = [st0, st1]
    rows = [rows0, rows1, rows2, rows3]
    gs = [g0, g1, g2, g3]
    scs = [sc0, sc1, sc2, sc3]
    dgs = [dg0, dg1, dg2, dg3]
    iss = [is0, is1, is2, is3]
    its = [it0, it1]

    @pl.loop(0, CHUNK)
    def _z(r):
        for k in range(D // 16):
            rows0[r, pl.ds(k * 16, 16)] = jnp.zeros((16,), jnp.float32)

    @pl.loop(0, CHUNK // 16)
    def _o(r):
        ones_v[pl.ds(r * 16, 16)] = jnp.ones((16,), jnp.float32)

    @pl.loop(0, ROWS_PER_TILE // 16)
    def _d(r):
        deg_v[pl.ds(r * 16, 16)] = jnp.zeros((16,), jnp.float32)

    for i in range(ROWS_PER_TILE // CHUNK):
        pltpu.sync_copy(rows0, acc_sh.at[pl.ds(row0 + i * CHUNK, CHUNK)])
    pltpu.sync_copy(deg_v, deg_sh.at[pl.ds(row0, ROWS_PER_TILE)])

    plsc.subcore_barrier()

    base = (cid * NS + tid) * EDGES_PER_W

    def off(c):
        return base + c * CHUNK

    def pds(c):
        return pl.ds(off(c), CHUNK)

    def step(c, j, wait_sc2, start_gather, do_loads):
        j2, j3 = (j + 2) % NB, (j + 3) % NB
        p2 = (j + 2) % 2
        p3 = (j + 3) % 2
        pltpu.make_async_copy(h_hbm.at[srcs[j]], rows[j], gs[j]).wait()
        if wait_sc2:
            pltpu.make_async_copy(rows[j2], acc_sh.at[dsts[j2]],
                                  scs[j2]).wait()
            pltpu.make_async_copy(ones_v, deg_sh.at[dsts[j2]],
                                  dgs[j2]).wait()
        if start_gather:
            pltpu.make_async_copy(dst_hbm.at[pds(0)], stages[p2],
                                  its[p2]).wait()
            for kk in range(CHUNK // 16):
                dsts[j2][pl.ds(kk * 16, 16)] = stages[p2][pl.ds(kk * 16, 16)]
            pltpu.make_async_copy(src_hbm.at[pds(0)], srcs[j2],
                                  iss[j2]).wait()
            pltpu.async_copy(h_hbm.at[srcs[j2]], rows[j2], gs[j2])
        pltpu.async_copy(rows[j], acc_sh.at[dsts[j]], scs[j], add=True)
        pltpu.async_copy(ones_v, deg_sh.at[dsts[j]], dgs[j], add=True)
        if do_loads:
            pltpu.async_copy(dst_hbm.at[pds(c + 3)], stages[p3], its[p3])
            pltpu.async_copy(src_hbm.at[pds(c + 3)], srcs[j3], iss[j3])

    pltpu.sync_copy(src_hbm.at[pds(0)], src0)
    pltpu.sync_copy(dst_hbm.at[pds(0)], dst0)
    pltpu.async_copy(h_hbm.at[src0], rows0, g0)
    pltpu.sync_copy(src_hbm.at[pds(1)], src1)
    pltpu.sync_copy(dst_hbm.at[pds(1)], dst1)
    pltpu.async_copy(h_hbm.at[src1], rows1, g1)
    pltpu.async_copy(src_hbm.at[pds(2)], src2, is2)
    pltpu.async_copy(dst_hbm.at[pds(2)], st0, it0)

    step(0, 0, False, True, True)
    step(1, 1, False, True, True)

    @pl.loop(0, 30)
    def _quad(k):
        c = 2 + 4 * k
        step(c + 0, 2, True, True, True)
        step(c + 1, 3, True, True, True)
        step(c + 2, 0, True, True, True)
        step(c + 3, 1, True, True, True)

    step(122, 2, True, True, False)
    step(123, 3, True, False, False)
    step(124, 0, True, False, False)
    pltpu.make_async_copy(rows3, acc_sh.at[dst3], sc3).wait()
    pltpu.make_async_copy(ones_v, deg_sh.at[dst3], dg3).wait()
    pltpu.make_async_copy(rows0, acc_sh.at[dst0], sc0).wait()
    pltpu.make_async_copy(ones_v, deg_sh.at[dst0], dg0).wait()

    plsc.subcore_barrier()

    for i in range(ROWS_PER_TILE // CHUNK):
        r0 = row0 + i * CHUNK
        rbuf = rows[i % 2]
        pltpu.sync_copy(acc_sh.at[pl.ds(r0, CHUNK)], rbuf)

        @pl.when(cid == 0)
        def _():
            pltpu.sync_copy(rbuf, acc_out.at[0, pl.ds(r0, CHUNK)])

        @pl.when(cid == 1)
        def _():
            pltpu.sync_copy(rbuf, acc_out.at[1, pl.ds(r0, CHUNK)])

    pltpu.sync_copy(deg_sh.at[pl.ds(row0, ROWS_PER_TILE)], deg_v)

    @pl.when(cid == 0)
    def _():
        pltpu.sync_copy(deg_v, deg_out.at[0, pl.ds(row0, ROWS_PER_TILE)])

    @pl.when(cid == 1)
    def _():
        pltpu.sync_copy(deg_v, deg_out.at[1, pl.ds(row0, ROWS_PER_TILE)])


@jax.jit
def _sc_aggregate(h, src, dst):
    mesh = plsc.VectorSubcoreMesh(core_axis_name="c", subcore_axis_name="s",
                                  num_cores=NC, num_subcores=NS)
    return pl.kernel(
        _sc_body,
        out_type=[
            jax.ShapeDtypeStruct((NC, NP_, D), jnp.float32),
            jax.ShapeDtypeStruct((NC, NP_), jnp.float32),
        ],
        mesh=mesh,
        scratch_types=(
            [pltpu.VMEM((CHUNK,), jnp.int32)] * 10
            + [pltpu.VMEM((CHUNK, D), jnp.float32)] * 4
            + [
                pltpu.VMEM((CHUNK,), jnp.float32),
                pltpu.VMEM((ROWS_PER_TILE,), jnp.float32),
                pltpu.VMEM_SHARED((NP_, D), jnp.float32),
                pltpu.VMEM_SHARED((NP_,), jnp.float32),
            ]
            + [pltpu.SemaphoreType.DMA] * 18
        ),
    )(h, src, dst)


def _tc_pre_body(h_ref, w_ref, b_ref, o_ref):
    o_ref[...] = (jnp.dot(h_ref[...], w_ref[...],
                          preferred_element_type=jnp.float32) + b_ref[...])


@jax.jit
def _tc_pre(h, W1, b):
    R = 2000
    return pl.pallas_call(
        _tc_pre_body,
        grid=(N // R,),
        in_specs=[
            pl.BlockSpec((R, D), lambda i: (i, 0)),
            pl.BlockSpec((D, D), lambda i: (0, 0)),
            pl.BlockSpec((1, D), lambda i: (0, 0)),
        ],
        out_specs=pl.BlockSpec((R, D), lambda i: (i, 0)),
        out_shape=jax.ShapeDtypeStruct((N, D), jnp.float32),
    )(h, W1, b)


def _tc_body(p_ref, s_ref, d_ref, w_ref, g_ref, be_ref, o_ref):
    s = s_ref[0] + s_ref[1]
    ah = s / jnp.maximum(d_ref[...], 1.0)
    x = p_ref[...] + jnp.dot(ah, w_ref[...], preferred_element_type=jnp.float32)
    m = jnp.mean(x, axis=-1, keepdims=True)
    v = jnp.mean((x - m) * (x - m), axis=-1, keepdims=True)
    o_ref[...] = (x - m) * lax.rsqrt(v + 1e-5) * g_ref[...] + be_ref[...]


@jax.jit
def _tc_combine(pre, acc, deg, W2, gamma, beta):
    R = 2000
    grid = (N // R,)
    return pl.pallas_call(
        _tc_body,
        grid=grid,
        in_specs=[
            pl.BlockSpec((R, D), lambda i: (i, 0)),
            pl.BlockSpec((NC, R, D), lambda i: (0, i, 0)),
            pl.BlockSpec((R, 1), lambda i: (i, 0)),
            pl.BlockSpec((D, D), lambda i: (0, 0)),
            pl.BlockSpec((1, D), lambda i: (0, 0)),
            pl.BlockSpec((1, D), lambda i: (0, 0)),
        ],
        out_specs=pl.BlockSpec((R, D), lambda i: (i, 0)),
        out_shape=jax.ShapeDtypeStruct((N, D), jnp.float32),
    )(pre, acc, deg, W2, gamma, beta)


def kernel(h, edge_index, W, b, gamma, beta):
    src = edge_index[0]
    dst = edge_index[1]
    acc, deg = _sc_aggregate(h, src, dst)
    pre = _tc_pre(h, W[0:D, :], b.reshape(1, D))
    degt = (deg[0] + deg[1]).reshape(NP_, 1)
    return _tc_combine(pre, acc, degt, W[D:2 * D, :],
                       gamma.reshape(1, D), beta.reshape(1, D))

# --- scband reference (transcript-rebuilt; emitter-appended) ---
"""Pipeline reference for scband-graph-sagelayer-26044681683126 (READ-ONLY COPY).

The authoritative reference and input builder live on the scoring server;
editing this copy changes nothing except your own understanding.
"""

import jax, jax.numpy as jnp
import numpy as np

N = 10000
E = 320000
D_IN = 128
D_OUT = 128


def setup_inputs(seed: int = 0) -> dict:
    key = jax.random.key(seed)
    k1, k2, k3, k4 = jax.random.split(key, 4)
    h = jax.random.normal(k1, (N, D_IN), dtype=jnp.float32)
    edge_index = jax.random.randint(k2, (2, E), 0, N, dtype=jnp.int32)
    # Linear over concat(h, ah): weight [2*D_IN, D_OUT], bias [D_OUT]
    W = jax.random.normal(k3, (2 * D_IN, D_OUT), dtype=jnp.float32) * (1.0 / np.sqrt(2 * D_IN))
    b = jnp.zeros((D_OUT,), dtype=jnp.float32)
    # LayerNorm elementwise affine params
    gamma = jnp.ones((D_OUT,), dtype=jnp.float32)
    beta = jnp.zeros((D_OUT,), dtype=jnp.float32)
    return {"h": h, "edge_index": edge_index, "W": W, "b": b, "gamma": gamma, "beta": beta}


def reference(h, edge_index, W, b, gamma, beta):
    src = edge_index[0]
    dst = edge_index[1]
    # DGL: update_all(copy_src('h','m'), mean('m','h')) -> mean of src feats per dst node
    msg = jnp.take(h, src, axis=0)
    summed = jax.ops.segment_sum(msg, dst, num_segments=N)
    deg = jax.ops.segment_sum(jnp.ones((E,), dtype=h.dtype), dst, num_segments=N)
    ah = summed / jnp.maximum(deg, 1.0)[:, None]  # zero-degree nodes get 0
    # concat(h, ah) then linear
    hc = jnp.concatenate([h, ah], axis=1)
    out = hc @ W + b
    # LayerNorm (eps=1e-5, elementwise affine)
    mean = jnp.mean(out, axis=-1, keepdims=True)
    var = jnp.var(out, axis=-1, keepdims=True)
    out = (out - mean) / jnp.sqrt(var + 1e-5) * gamma + beta
    # activation=None, dropout=0.0 -> identity
    return out

if __name__ == "__main__":
    import jax
    _d = setup_inputs()
    print(jax.jit(kernel)(*tuple(_d.values())))

</pallas_src>

<mosaic_0001>
#map = affine_map<(d0, d1) -> (0, 0)>
#map1 = affine_map<(d0, d1) -> (0)>
#map2 = affine_map<(d0, d1) -> (0, 0, 0)>
module attributes {stable_mosaic.version = 14 : i64} {
  func.func @_sc_body(%arg0: i32, %arg1: i32, %arg2: memref<10000x128xf32, #tpu.memory_space<hbm>>, %arg3: memref<320000xi32, #tpu.memory_space<hbm>>, %arg4: memref<320000xi32, #tpu.memory_space<hbm>>, %arg5: memref<2x10240x128xf32, #tpu.memory_space<hbm>>, %arg6: memref<2x10240xf32, #tpu.memory_space<hbm>>, %arg7: memref<80xi32, #tpu.memory_space<vmem>>, %arg8: memref<80xi32, #tpu.memory_space<vmem>>, %arg9: memref<80xi32, #tpu.memory_space<vmem>>, %arg10: memref<80xi32, #tpu.memory_space<vmem>>, %arg11: memref<80xi32, #tpu.memory_space<vmem>>, %arg12: memref<80xi32, #tpu.memory_space<vmem>>, %arg13: memref<80xi32, #tpu.memory_space<vmem>>, %arg14: memref<80xi32, #tpu.memory_space<vmem>>, %arg15: memref<80xi32, #tpu.memory_space<vmem>>, %arg16: memref<80xi32, #tpu.memory_space<vmem>>, %arg17: memref<80x128xf32, #tpu.memory_space<vmem>>, %arg18: memref<80x128xf32, #tpu.memory_space<vmem>>, %arg19: memref<80x128xf32, #tpu.memory_space<vmem>>, %arg20: memref<80x128xf32, #tpu.memory_space<vmem>>, %arg21: memref<80xf32, #tpu.memory_space<vmem>>, %arg22: memref<640xf32, #tpu.memory_space<vmem>>, %arg23: memref<10240x128xf32, #tpu.memory_space<vmem_shared>>, %arg24: memref<10240xf32, #tpu.memory_space<vmem_shared>>, %arg25: memref<!tpu.dma_semaphore, #tpu.memory_space<semaphore_mem>>, %arg26: memref<!tpu.dma_semaphore, #tpu.memory_space<semaphore_mem>>, %arg27: memref<!tpu.dma_semaphore, #tpu.memory_space<semaphore_mem>>, %arg28: memref<!tpu.dma_semaphore, #tpu.memory_space<semaphore_mem>>, %arg29: memref<!tpu.dma_semaphore, #tpu.memory_space<semaphore_mem>>, %arg30: memref<!tpu.dma_semaphore, #tpu.memory_space<semaphore_mem>>, %arg31: memref<!tpu.dma_semaphore, #tpu.memory_space<semaphore_mem>>, %arg32: memref<!tpu.dma_semaphore, #tpu.memory_space<semaphore_mem>>, %arg33: memref<!tpu.dma_semaphore, #tpu.memory_space<semaphore_mem>>, %arg34: memref<!tpu.dma_semaphore, #tpu.memory_space<semaphore_mem>>, %arg35: memref<!tpu.dma_semaphore, #tpu.memory_space<semaphore_mem>>, %arg36: memref<!tpu.dma_semaphore, #tpu.memory_space<semaphore_mem>>, %arg37: memref<!tpu.dma_semaphore, #tpu.memory_space<semaphore_mem>>, %arg38: memref<!tpu.dma_semaphore, #tpu.memory_space<semaphore_mem>>, %arg39: memref<!tpu.dma_semaphore, #tpu.memory_space<semaphore_mem>>, %arg40: memref<!tpu.dma_semaphore, #tpu.memory_space<semaphore_mem>>, %arg41: memref<!tpu.dma_semaphore, #tpu.memory_space<semaphore_mem>>, %arg42: memref<!tpu.dma_semaphore, #tpu.memory_space<semaphore_mem>>) attributes {dimension_semantics = [#tpu.dimension_semantics<core_parallel>, #tpu.dimension_semantics<subcore_parallel>], iteration_bounds = array<i64: 2, 16>, scalar_prefetch = 0 : i64, scratch_operands = 36 : i64, tpu.core_type = #tpu.core_type<sc_vector_subcore>, window_params = [{transform_indices = #map}, {transform_indices = #map1}, {transform_indices = #map1}, {transform_indices = #map2}, {transform_indices = #map}]} {
    %mul3A = arith.constant 640 : i32
    %mul3A_0 = arith.muli %arg1, %mul3A : i32
    %scan3A = arith.constant 0 : i32
    %scan3A_1 = arith.constant 80 : i32
    %scan3A_2 = arith.addi %scan3A, %scan3A_1 : i32
    %scan3A_3 = arith.constant 1 : i32
    scf.for %scan3A_381 = %scan3A to %scan3A_2 step %scan3A_3  : i32 {
      %mul3A_382 = arith.constant 1 : i32
      %mul3A_383 = arith.muli %scan3A_381, %mul3A_382 : i32
      %add3A_384 = arith.constant 0 : i32
      %add3A_385 = arith.addi %add3A_384, %mul3A_383 : i32
      %broadcast_in_dim3A = arith.constant 0.000000e+00 : f32
      %broadcast_in_dim3A_386 = vector.broadcast %broadcast_in_dim3A : f32 to vector<16xf32>
      %swap3A_387 = arith.index_cast %add3A_385 : i32 to index
      %swap3A_388 = arith.constant 0 : index
      %swap3A_389 = tpu.vector_load %arg17[%swap3A_387, %swap3A_388] {strides = array<i32>} : memref<80x128xf32, #tpu.memory_space<vmem>>, vector<1x16xf32>,
      %swap3A_390 = vector.shape_cast %swap3A_389 : vector<1x16xf32> to vector<16xf32>
      %swap3A_391 = vector.shape_cast %broadcast_in_dim3A_386 : vector<16xf32> to vector<1x16xf32>
      tpu.vector_store %arg17[%swap3A_387, %swap3A_388], %swap3A_391 {strides = array<i32>} : memref<80x128xf32, #tpu.memory_space<vmem>>, vector<1x16xf32>,
      %broadcast_in_dim3A_392 = arith.constant 0.000000e+00 : f32
      %broadcast_in_dim3A_393 = vector.broadcast %broadcast_in_dim3A_392 : f32 to vector<16xf32>
      %swap3A_394 = arith.index_cast %add3A_385 : i32 to index
      %swap3A_395 = arith.constant 16 : index
      %swap3A_396 = tpu.vector_load %arg17[%swap3A_394, %swap3A_395] {strides = array<i32>} : memref<80x128xf32, #tpu.memory_space<vmem>>, vector<1x16xf32>,
      %swap3A_397 = vector.shape_cast %swap3A_396 : vector<1x16xf32> to vector<16xf32>
      %swap3A_398 = vector.shape_cast %broadcast_in_dim3A_393 : vector<16xf32> to vector<1x16xf32>
      tpu.vector_store %arg17[%swap3A_394, %swap3A_395], %swap3A_398 {strides = array<i32>} : memref<80x128xf32, #tpu.memory_space<vmem>>, vector<1x16xf32>,
      %broadcast_in_dim3A_399 = arith.constant 0.000000e+00 : f32
      %broadcast_in_dim3A_400 = vector.broadcast %broadcast_in_dim3A_399 : f32 to vector<16xf32>
      %swap3A_401 = arith.index_cast %add3A_385 : i32 to index
      %swap3A_402 = arith.constant 32 : index
      %swap3A_403 = tpu.vector_load %arg17[%swap3A_401, %swap3A_402] {strides = array<i32>} : memref<80x128xf32, #tpu.memory_space<vmem>>, vector<1x16xf32>,
      %swap3A_404 = vector.shape_cast %swap3A_403 : vector<1x16xf32> to vector<16xf32>
      %swap3A_405 = vector.shape_cast %broadcast_in_dim3A_400 : vector<16xf32> to vector<1x16xf32>
      tpu.vector_store %arg17[%swap3A_401, %swap3A_402], %swap3A_405 {strides = array<i32>} : memref<80x128xf32, #tpu.memory_space<vmem>>, vector<1x16xf32>,
      %broadcast_in_dim3A_406 = arith.constant 0.000000e+00 : f32
      %broadcast_in_dim3A_407 = vector.broadcast %broadcast_in_dim3A_406 : f32 to vector<16xf32>
      %swap3A_408 = arith.index_cast %add3A_385 : i32 to index
      %swap3A_409 = arith.constant 48 : index
      %swap3A_410 = tpu.vector_load %arg17[%swap3A_408, %swap3A_409] {strides = array<i32>} : memref<80x128xf32, #tpu.memory_space<vmem>>, vector<1x16xf32>,
      %swap3A_411 = vector.shape_cast %swap3A_410 : vector<1x16xf32> to vector<16xf32>
      %swap3A_412 = vector.shape_cast %broadcast_in_dim3A_407 : vector<16xf32> to vector<1x16xf32>
      tpu.vector_store %arg17[%swap3A_408, %swap3A_409], %swap3A_412 {strides = array<i32>} : memref<80x128xf32, #tpu.memory_space<vmem>>, vector<1x16xf32>,
      %broadcast_in_dim3A_413 = arith.constant 0.000000e+00 : f32
      %broadcast_in_dim3A_414 = vector.broadcast %broadcast_in_dim3A_413 : f32 to vector<16xf32>
      %swap3A_415 = arith.index_cast %add3A_385 : i32 to index
      %swap3A_416 = arith.constant 64 : index
      %swap3A_417 = tpu.vector_load %arg17[%swap3A_415, %swap3A_416] {strides = array<i32>} : memref<80x128xf32, #tpu.memory_space<vmem>>, vector<1x16xf32>,
      %swap3A_418 = vector.shape_cast %swap3A_417 : vector<1x16xf32> to vector<16xf32>
      %swap3A_419 = vector.shape_cast %broadcast_in_dim3A_414 : vector<16xf32> to vector<1x16xf32>
      tpu.vector_store %arg17[%swap3A_415, %swap3A_416], %swap3A_419 {strides = array<i32>} : memref<80x128xf32, #tpu.memory_space<vmem>>, vector<1x16xf32>,
      %broadcast_in_dim3A_420 = arith.constant 0.000000e+00 : f32
      %broadcast_in_dim3A_421 = vector.broadcast %broadcast_in_dim3A_420 : f32 to vector<16xf32>
      %swap3A_422 = arith.index_cast %add3A_385 : i32 to index
      %swap3A_423 = arith.constant 80 : index
      %swap3A_424 = tpu.vector_load %arg17[%swap3A_422, %swap3A_423] {strides = array<i32>} : memref<80x128xf32, #tpu.memory_space<vmem>>, vector<1x16xf32>,
      %swap3A_425 = vector.shape_cast %swap3A_424 : vector<1x16xf32> to vector<16xf32>
      %swap3A_426 = vector.shape_cast %broadcast_in_dim3A_421 : vector<16xf32> to vector<1x16xf32>
      tpu.vector_store %arg17[%swap3A_422, %swap3A_423], %swap3A_426 {strides = array<i32>} : memref<80x128xf32, #tpu.memory_space<vmem>>, vector<1x16xf32>,
      %broadcast_in_dim3A_427 = arith.constant 0.000000e+00 : f32
      %broadcast_in_dim3A_428 = vector.broadcast %broadcast_in_dim3A_427 : f32 to vector<16xf32>
      %swap3A_429 = arith.index_cast %add3A_385 : i32 to index
      %swap3A_430 = arith.constant 96 : index
      %swap3A_431 = tpu.vector_load %arg17[%swap3A_429, %swap3A_430] {strides = array<i32>} : memref<80x128xf32, #tpu.memory_space<vmem>>, vector<1x16xf32>,
      %swap3A_432 = vector.shape_cast %swap3A_431 : vector<1x16xf32> to vector<16xf32>
      %swap3A_433 = vector.shape_cast %broadcast_in_dim3A_428 : vector<16xf32> to vector<1x16xf32>
      tpu.vector_store %arg17[%swap3A_429, %swap3A_430], %swap3A_433 {strides = array<i32>} : memref<80x128xf32, #tpu.memory_space<vmem>>, vector<1x16xf32>,
      %broadcast_in_dim3A_434 = arith.constant 0.000000e+00 : f32
      %broadcast_in_dim3A_435 = vector.broadcast %broadcast_in_dim3A_434 : f32 to vector<16xf32>
      %swap3A_436 = arith.index_cast %add3A_385 : i32 to index
      %swap3A_437 = arith.constant 112 : index
      %swap3A_438 = tpu.vector_load %arg17[%swap3A_436, %swap3A_437] {strides = array<i32>} : memref<80x128xf32, #tpu.memory_space<vmem>>, vector<1x16xf32>,
      %swap3A_439 = vector.shape_cast %swap3A_438 : vector<1x16xf32> to vector<16xf32>
      %swap3A_440 = vector.shape_cast %broadcast_in_dim3A_435 : vector<16xf32> to vector<1x16xf32>
      tpu.vector_store %arg17[%swap3A_436, %swap3A_437], %swap3A_440 {strides = array<i32>} : memref<80x128xf32, #tpu.memory_space<vmem>>, vector<1x16xf32>,
    }
    %scan3A_4 = arith.constant 80 : i32
    %scan3A_5 = arith.constant 0 : i32
    %scan3A_6 = arith.constant 5 : i32
    %scan3A_7 = arith.addi %scan3A_5, %scan3A_6 : i32
    %scan3A_8 = arith.constant 1 : i32
    scf.for %scan3A_381 = %scan3A_5 to %scan3A_7 step %scan3A_8  : i32 {
      %mul3A_382 = arith.constant 1 : i32
      %mul3A_383 = arith.muli %scan3A_381, %mul3A_382 : i32
      %add3A_384 = arith.constant 0 : i32
      %add3A_385 = arith.addi %add3A_384, %mul3A_383 : i32
      %broadcast_in_dim3A = arith.constant 1.000000e+00 : f32
      %broadcast_in_dim3A_386 = vector.broadcast %broadcast_in_dim3A : f32 to vector<16xf32>
      %mul3A_387 = arith.constant 16 : i32
      %mul3A_388 = arith.muli %add3A_385, %mul3A_387 : i32
      %swap3A_389 = arith.index_cast %mul3A_388 : i32 to index
      %swap3A_390 = tpu.vector_load %arg21[%swap3A_389] {strides = array<i32>} : memref<80xf32, #tpu.memory_space<vmem>>, vector<16xf32>,
      %swap3A_391 = vector.shape_cast %swap3A_390 : vector<16xf32> to vector<16xf32>
      %swap3A_392 = vector.shape_cast %broadcast_in_dim3A_386 : vector<16xf32> to vector<16xf32>
      tpu.vector_store %arg21[%swap3A_389], %swap3A_392 {strides = array<i32>} : memref<80xf32, #tpu.memory_space<vmem>>, vector<16xf32>,
    }
    %scan3A_9 = arith.constant 5 : i32
    %scan3A_10 = arith.constant 0 : i32
    %scan3A_11 = arith.constant 40 : i32
    %scan3A_12 = arith.addi %scan3A_10, %scan3A_11 : i32
    %scan3A_13 = arith.constant 1 : i32
    scf.for %scan3A_381 = %scan3A_10 to %scan3A_12 step %scan3A_13  : i32 {
      %mul3A_382 = arith.constant 1 : i32
      %mul3A_383 = arith.muli %scan3A_381, %mul3A_382 : i32
      %add3A_384 = arith.constant 0 : i32
      %add3A_385 = arith.addi %add3A_384, %mul3A_383 : i32
      %broadcast_in_dim3A = arith.constant 0.000000e+00 : f32
      %broadcast_in_dim3A_386 = vector.broadcast %broadcast_in_dim3A : f32 to vector<16xf32>
      %mul3A_387 = arith.constant 16 : i32
      %mul3A_388 = arith.muli %add3A_385, %mul3A_387 : i32
      %swap3A_389 = arith.index_cast %mul3A_388 : i32 to index
      %swap3A_390 = tpu.vector_load %arg22[%swap3A_389] {strides = array<i32>} : memref<640xf32, #tpu.memory_space<vmem>>, vector<16xf32>,
      %swap3A_391 = vector.shape_cast %swap3A_390 : vector<16xf32> to vector<16xf32>
      %swap3A_392 = vector.shape_cast %broadcast_in_dim3A_386 : vector<16xf32> to vector<16xf32>
      tpu.vector_store %arg22[%swap3A_389], %swap3A_392 {strides = array<i32>} : memref<640xf32, #tpu.memory_space<vmem>>, vector<16xf32>,
    }
    %scan3A_14 = arith.constant 40 : i32
    %add3A = arith.constant 0 : i32
    %add3A_15 = arith.addi %mul3A_0, %add3A : i32
    "tpu.region"() ({
      %run_scoped3A = tpu.sem_alloc : memref<!tpu.dma_semaphore, #tpu.memory_space<semaphore_mem>>
      %dma_start3A_381 = arith.constant 0 : i32
      %dma_start3A_382 = tpu.memref_slice %arg23[%add3A_15, %dma_start3A_381] : memref<10240x128xf32, #tpu.memory_space<vmem_shared>> -> memref<80x128xf32, #tpu.memory_space<vmem_shared>>
      %dma_start3A_383 = arith.constant 0 : i32
      %dma_start3A_384 = tpu.memref_slice %arg23[%add3A_15, %dma_start3A_383] : memref<10240x128xf32, #tpu.memory_space<vmem_shared>> -> memref<80x128xf32, #tpu.memory_space<vmem_shared>>
      tpu.enqueue_dma source(%arg17 : memref<80x128xf32, #tpu.memory_space<vmem>>) target(%dma_start3A_384 : memref<80x128xf32, #tpu.memory_space<vmem_shared>>) target_semaphore(%run_scoped3A : memref<!tpu.dma_semaphore, #tpu.memory_space<semaphore_mem>>)
      %dma_wait3A_385 = arith.constant 0 : i32
      %dma_wait3A_386 = tpu.memref_slice %arg23[%add3A_15, %dma_wait3A_385] : memref<10240x128xf32, #tpu.memory_space<vmem_shared>> -> memref<80x128xf32, #tpu.memory_space<vmem_shared>>
      %dma_wait3A_387 = arith.constant 0 : i32
      %dma_wait3A_388 = tpu.memref_slice %arg23[%add3A_15, %dma_wait3A_387] : memref<10240x128xf32, #tpu.memory_space<vmem_shared>> -> memref<80x128xf32, #tpu.memory_space<vmem_shared>>
      tpu.wait_dma2 semaphore(%run_scoped3A : memref<!tpu.dma_semaphore, #tpu.memory_space<semaphore_mem>>) src(%arg17 : memref<80x128xf32, #tpu.memory_space<vmem>>) dst(%dma_wait3A_388 : memref<80x128xf32, #tpu.memory_space<vmem_shared>>)
      tpu.yield
    }) : () -> ()
    %add3A_16 = arith.constant 80 : i32
    %add3A_17 = arith.addi %mul3A_0, %add3A_16 : i32
    "tpu.region"() ({
      %run_scoped3A = tpu.sem_alloc : memref<!tpu.dma_semaphore, #tpu.memory_space<semaphore_mem>>
      %dma_start3A_381 = arith.constant 0 : i32
      %dma_start3A_382 = tpu.memref_slice %arg23[%add3A_17, %dma_start3A_381] : memref<10240x128xf32, #tpu.memory_space<vmem_shared>> -> memref<80x128xf32, #tpu.memory_space<vmem_shared>>
      %dma_start3A_383 = arith.constant 0 : i32
      %dma_start3A_384 = tpu.memref_slice %arg23[%add3A_17, %dma_start3A_383] : memref<10240x128xf32, #tpu.memory_space<vmem_shared>> -> memref<80x128xf32, #tpu.memory_space<vmem_shared>>
      tpu.enqueue_dma source(%arg17 : memref<80x128xf32, #tpu.memory_space<vmem>>) target(%dma_start3A_384 : memref<80x128xf32, #tpu.memory_space<vmem_shared>>) target_semaphore(%run_scoped3A : memref<!tpu.dma_semaphore, #tpu.memory_space<semaphore_mem>>)
      %dma_wait3A_385 = arith.constant 0 : i32
      %dma_wait3A_386 = tpu.memref_slice %arg23[%add3A_17, %dma_wait3A_385] : memref<10240x128xf32, #tpu.memory_space<vmem_shared>> -> memref<80x128xf32, #tpu.memory_space<vmem_shared>>
      %dma_wait3A_387 = arith.constant 0 : i32
      %dma_wait3A_388 = tpu.memref_slice %arg23[%add3A_17, %dma_wait3A_387] : memref<10240x128xf32, #tpu.memory_space<vmem_shared>> -> memref<80x128xf32, #tpu.memory_space<vmem_shared>>
      tpu.wait_dma2 semaphore(%run_scoped3A : memref<!tpu.dma_semaphore, #tpu.memory_space<semaphore_mem>>) src(%arg17 : memref<80x128xf32, #tpu.memory_space<vmem>>) dst(%dma_wait3A_388 : memref<80x128xf32, #tpu.memory_space<vmem_shared>>)
      tpu.yield
    }) : () -> ()
    %add3A_18 = arith.constant 160 : i32
    %add3A_19 = arith.addi %mul3A_0, %add3A_18 : i32
    "tpu.region"() ({
      %run_scoped3A = tpu.sem_alloc : memref<!tpu.dma_semaphore, #tpu.memory_space<semaphore_mem>>
      %dma_start3A_381 = arith.constant 0 : i32
      %dma_start3A_382 = tpu.memref_slice %arg23[%add3A_19, %dma_start3A_381] : memref<10240x128xf32, #tpu.memory_space<vmem_shared>> -> memref<80x128xf32, #tpu.memory_space<vmem_shared>>
      %dma_start3A_383 = arith.constant 0 : i32
      %dma_start3A_384 = tpu.memref_slice %arg23[%add3A_19, %dma_start3A_383] : memref<10240x128xf32, #tpu.memory_space<vmem_shared>> -> memref<80x128xf32, #tpu.memory_space<vmem_shared>>
      tpu.enqueue_dma source(%arg17 : memref<80x128xf32, #tpu.memory_space<vmem>>) target(%dma_start3A_384 : memref<80x128xf32, #tpu.memory_space<vmem_shared>>) target_semaphore(%run_scoped3A : memref<!tpu.dma_semaphore, #tpu.memory_space<semaphore_mem>>)
      %dma_wait3A_385 = arith.constant 0 : i32
      %dma_wait3A_386 = tpu.memref_slice %arg23[%add3A_19, %dma_wait3A_385] : memref<10240x128xf32, #tpu.memory_space<vmem_shared>> -> memref<80x128xf32, #tpu.memory_space<vmem_shared>>
      %dma_wait3A_387 = arith.constant 0 : i32
      %dma_wait3A_388 = tpu.memref_slice %arg23[%add3A_19, %dma_wait3A_387] : memref<10240x128xf32, #tpu.memory_space<vmem_shared>> -> memref<80x128xf32, #tpu.memory_space<vmem_shared>>
      tpu.wait_dma2 semaphore(%run_scoped3A : memref<!tpu.dma_semaphore, #tpu.memory_space<semaphore_mem>>) src(%arg17 : memref<80x128xf32, #tpu.memory_space<vmem>>) dst(%dma_wait3A_388 : memref<80x128xf32, #tpu.memory_space<vmem_shared>>)
      tpu.yield
    }) : () -> ()
    %add3A_20 = arith.constant 240 : i32
    %add3A_21 = arith.addi %mul3A_0, %add3A_20 : i32
    "tpu.region"() ({
      %run_scoped3A = tpu.sem_alloc : memref<!tpu.dma_semaphore, #tpu.memory_space<semaphore_mem>>
      %dma_start3A_381 = arith.constant 0 : i32
      %dma_start3A_382 = tpu.memref_slice %arg23[%add3A_21, %dma_start3A_381] : memref<10240x128xf32, #tpu.memory_space<vmem_shared>> -> memref<80x128xf32, #tpu.memory_space<vmem_shared>>
      %dma_start3A_383 = arith.constant 0 : i32
      %dma_start3A_384 = tpu.memref_slice %arg23[%add3A_21, %dma_start3A_383] : memref<10240x128xf32, #tpu.memory_space<vmem_shared>> -> memref<80x128xf32, #tpu.memory_space<vmem_shared>>
      tpu.enqueue_dma source(%arg17 : memref<80x128xf32, #tpu.memory_space<vmem>>) target(%dma_start3A_384 : memref<80x128xf32, #tpu.memory_space<vmem_shared>>) target_semaphore(%run_scoped3A : memref<!tpu.dma_semaphore, #tpu.memory_space<semaphore_mem>>)
      %dma_wait3A_385 = arith.constant 0 : i32
      %dma_wait3A_386 = tpu.memref_slice %arg23[%add3A_21, %dma_wait3A_385] : memref<10240x128xf32, #tpu.memory_space<vmem_shared>> -> memref<80x128xf32, #tpu.memory_space<vmem_shared>>
      %dma_wait3A_387 = arith.constant 0 : i32
      %dma_wait3A_388 = tpu.memref_slice %arg23[%add3A_21, %dma_wait3A_387] : memref<10240x128xf32, #tpu.memory_space<vmem_shared>> -> memref<80x128xf32, #tpu.memory_space<vmem_shared>>
      tpu.wait_dma2 semaphore(%run_scoped3A : memref<!tpu.dma_semaphore, #tpu.memory_space<semaphore_mem>>) src(%arg17 : memref<80x128xf32, #tpu.memory_space<vmem>>) dst(%dma_wait3A_388 : memref<80x128xf32, #tpu.memory_space<vmem_shared>>)
      tpu.yield
    }) : () -> ()
    %add3A_22 = arith.constant 320 : i32
    %add3A_23 = arith.addi %mul3A_0, %add3A_22 : i32
    "tpu.region"() ({
      %run_scoped3A = tpu.sem_alloc : memref<!tpu.dma_semaphore, #tpu.memory_space<semaphore_mem>>
      %dma_start3A_381 = arith.constant 0 : i32
      %dma_start3A_382 = tpu.memref_slice %arg23[%add3A_23, %dma_start3A_381] : memref<10240x128xf32, #tpu.memory_space<vmem_shared>> -> memref<80x128xf32, #tpu.memory_space<vmem_shared>>
      %dma_start3A_383 = arith.constant 0 : i32
      %dma_start3A_384 = tpu.memref_slice %arg23[%add3A_23, %dma_start3A_383] : memref<10240x128xf32, #tpu.memory_space<vmem_shared>> -> memref<80x128xf32, #tpu.memory_space<vmem_shared>>
      tpu.enqueue_dma source(%arg17 : memref<80x128xf32, #tpu.memory_space<vmem>>) target(%dma_start3A_384 : memref<80x128xf32, #tpu.memory_space<vmem_shared>>) target_semaphore(%run_scoped3A : memref<!tpu.dma_semaphore, #tpu.memory_space<semaphore_mem>>)
      %dma_wait3A_385 = arith.constant 0 : i32
      %dma_wait3A_386 = tpu.memref_slice %arg23[%add3A_23, %dma_wait3A_385] : memref<10240x128xf32, #tpu.memory_space<vmem_shared>> -> memref<80x128xf32, #tpu.memory_space<vmem_shared>>
      %dma_wait3A_387 = arith.constant 0 : i32
      %dma_wait3A_388 = tpu.memref_slice %arg23[%add3A_23, %dma_wait3A_387] : memref<10240x128xf32, #tpu.memory_space<vmem_shared>> -> memref<80x128xf32, #tpu.memory_space<vmem_shared>>
      tpu.wait_dma2 semaphore(%run_scoped3A : memref<!tpu.dma_semaphore, #tpu.memory_space<semaphore_mem>>) src(%arg17 : memref<80x128xf32, #tpu.memory_space<vmem>>) dst(%dma_wait3A_388 : memref<80x128xf32, #tpu.memory_space<vmem_shared>>)
      tpu.yield
    }) : () -> ()
    %add3A_24 = arith.constant 400 : i32
    %add3A_25 = arith.addi %mul3A_0, %add3A_24 : i32
    "tpu.region"() ({
      %run_scoped3A = tpu.sem_alloc : memref<!tpu.dma_semaphore, #tpu.memory_space<semaphore_mem>>
      %dma_start3A_381 = arith.constant 0 : i32
      %dma_start3A_382 = tpu.memref_slice %arg23[%add3A_25, %dma_start3A_381] : memref<10240x128xf32, #tpu.memory_space<vmem_shared>> -> memref<80x128xf32, #tpu.memory_space<vmem_shared>>
      %dma_start3A_383 = arith.constant 0 : i32
      %dma_start3A_384 = tpu.memref_slice %arg23[%add3A_25, %dma_start3A_383] : memref<10240x128xf32, #tpu.memory_space<vmem_shared>> -> memref<80x128xf32, #tpu.memory_space<vmem_shared>>
      tpu.enqueue_dma source(%arg17 : memref<80x128xf32, #tpu.memory_space<vmem>>) target(%dma_start3A_384 : memref<80x128xf32, #tpu.memory_space<vmem_shared>>) target_semaphore(%run_scoped3A : memref<!tpu.dma_semaphore, #tpu.memory_space<semaphore_mem>>)
      %dma_wait3A_385 = arith.constant 0 : i32
      %dma_wait3A_386 = tpu.memref_slice %arg23[%add3A_25, %dma_wait3A_385] : memref<10240x128xf32, #tpu.memory_space<vmem_shared>> -> memref<80x128xf32, #tpu.memory_space<vmem_shared>>
      %dma_wait3A_387 = arith.constant 0 : i32
      %dma_wait3A_388 = tpu.memref_slice %arg23[%add3A_25, %dma_wait3A_387] : memref<10240x128xf32, #tpu.memory_space<vmem_shared>> -> memref<80x128xf32, #tpu.memory_space<vmem_shared>>
      tpu.wait_dma2 semaphore(%run_scoped3A : memref<!tpu.dma_semaphore, #tpu.memory_space<semaphore_mem>>) src(%arg17 : memref<80x128xf32, #tpu.memory_space<vmem>>) dst(%dma_wait3A_388 : memref<80x128xf32, #tpu.memory_space<vmem_shared>>)
      tpu.yield
    }) : () -> ()
    %add3A_26 = arith.constant 480 : i32
    %add3A_27 = arith.addi %mul3A_0, %add3A_26 : i32
    "tpu.region"() ({
      %run_scoped3A = tpu.sem_alloc : memref<!tpu.dma_semaphore, #tpu.memory_space<semaphore_mem>>
      %dma_start3A_381 = arith.constant 0 : i32
      %dma_start3A_382 = tpu.memref_slice %arg23[%add3A_27, %dma_start3A_381] : memref<10240x128xf32, #tpu.memory_space<vmem_shared>> -> memref<80x128xf32, #tpu.memory_space<vmem_shared>>
      %dma_start3A_383 = arith.constant 0 : i32
      %dma_start3A_384 = tpu.memref_slice %arg23[%add3A_27, %dma_start3A_383] : memref<10240x128xf32, #tpu.memory_space<vmem_shared>> -> memref<80x128xf32, #tpu.memory_space<vmem_shared>>
      tpu.enqueue_dma source(%arg17 : memref<80x128xf32, #tpu.memory_space<vmem>>) target(%dma_start3A_384 : memref<80x128xf32, #tpu.memory_space<vmem_shared>>) target_semaphore(%run_scoped3A : memref<!tpu.dma_semaphore, #tpu.memory_space<semaphore_mem>>)
      %dma_wait3A_385 = arith.constant 0 : i32
      %dma_wait3A_386 = tpu.memref_slice %arg23[%add3A_27, %dma_wait3A_385] : memref<10240x128xf32, #tpu.memory_space<vmem_shared>> -> memref<80x128xf32, #tpu.memory_space<vmem_shared>>
      %dma_wait3A_387 = arith.constant 0 : i32
      %dma_wait3A_388 = tpu.memref_slice %arg23[%add3A_27, %dma_wait3A_387] : memref<10240x128xf32, #tpu.memory_space<vmem_shared>> -> memref<80x128xf32, #tpu.memory_space<vmem_shared>>
      tpu.wait_dma2 semaphore(%run_scoped3A : memref<!tpu.dma_semaphore, #tpu.memory_space<semaphore_mem>>) src(%arg17 : memref<80x128xf32, #tpu.memory_space<vmem>>) dst(%dma_wait3A_388 : memref<80x128xf32, #tpu.memory_space<vmem_shared>>)
      tpu.yield
    }) : () -> ()
    %add3A_28 = arith.constant 560 : i32
    %add3A_29 = arith.addi %mul3A_0, %add3A_28 : i32
    "tpu.region"() ({
      %run_scoped3A = tpu.sem_alloc : memref<!tpu.dma_semaphore, #tpu.memory_space<semaphore_mem>>
      %dma_start3A_381 = arith.constant 0 : i32
      %dma_start3A_382 = tpu.memref_slice %arg23[%add3A_29, %dma_start3A_381] : memref<10240x128xf32, #tpu.memory_space<vmem_shared>> -> memref<80x128xf32, #tpu.memory_space<vmem_shared>>
      %dma_start3A_383 = arith.constant 0 : i32
      %dma_start3A_384 = tpu.memref_slice %arg23[%add3A_29, %dma_start3A_383] : memref<10240x128xf32, #tpu.memory_space<vmem_shared>> -> memref<80x128xf32, #tpu.memory_space<vmem_shared>>
      tpu.enqueue_dma source(%arg17 : memref<80x128xf32, #tpu.memory_space<vmem>>) target(%dma_start3A_384 : memref<80x128xf32, #tpu.memory_space<vmem_shared>>) target_semaphore(%run_scoped3A : memref<!tpu.dma_semaphore, #tpu.memory_space<semaphore_mem>>)
      %dma_wait3A_385 = arith.constant 0 : i32
      %dma_wait3A_386 = tpu.memref_slice %arg23[%add3A_29, %dma_wait3A_385] : memref<10240x128xf32, #tpu.memory_space<vmem_shared>> -> memref<80x128xf32, #tpu.memory_space<vmem_shared>>
      %dma_wait3A_387 = arith.constant 0 : i32
      %dma_wait3A_388 = tpu.memref_slice %arg23[%add3A_29, %dma_wait3A_387] : memref<10240x128xf32, #tpu.memory_space<vmem_shared>> -> memref<80x128xf32, #tpu.memory_space<vmem_shared>>
      tpu.wait_dma2 semaphore(%run_scoped3A : memref<!tpu.dma_semaphore, #tpu.memory_space<semaphore_mem>>) src(%arg17 : memref<80x128xf32, #tpu.memory_space<vmem>>) dst(%dma_wait3A_388 : memref<80x128xf32, #tpu.memory_space<vmem_shared>>)
      tpu.yield
    }) : () -> ()
    "tpu.region"() ({
      %run_scoped3A = tpu.sem_alloc : memref<!tpu.dma_semaphore, #tpu.memory_space<semaphore_mem>>
      %dma_start3A_381 = tpu.memref_slice %arg24[%mul3A_0] : memref<10240xf32, #tpu.memory_space<vmem_shared>> -> memref<640xf32, #tpu.memory_space<vmem_shared>>
      %dma_start3A_382 = tpu.memref_slice %arg24[%mul3A_0] : memref<10240xf32, #tpu.memory_space<vmem_shared>> -> memref<640xf32, #tpu.memory_space<vmem_shared>>
      tpu.enqueue_dma source(%arg22 : memref<640xf32, #tpu.memory_space<vmem>>) target(%dma_start3A_382 : memref<640xf32, #tpu.memory_space<vmem_shared>>) target_semaphore(%run_scoped3A : memref<!tpu.dma_semaphore, #tpu.memory_space<semaphore_mem>>)
      %dma_wait3A_383 = tpu.memref_slice %arg24[%mul3A_0] : memref<10240xf32, #tpu.memory_space<vmem_shared>> -> memref<640xf32, #tpu.memory_space<vmem_shared>>
      %dma_wait3A_384 = tpu.memref_slice %arg24[%mul3A_0] : memref<10240xf32, #tpu.memory_space<vmem_shared>> -> memref<640xf32, #tpu.memory_space<vmem_shared>>
      tpu.wait_dma2 semaphore(%run_scoped3A : memref<!tpu.dma_semaphore, #tpu.memory_space<semaphore_mem>>) src(%arg22 : memref<640xf32, #tpu.memory_space<vmem>>) dst(%dma_wait3A_384 : memref<640xf32, #tpu.memory_space<vmem_shared>>)
      tpu.yield
    }) : () -> ()
    %barrier3A = arith.constant 0 : index
    tpu.barrier barrier_id(%barrier3A)
    %mul3A_30 = arith.constant 16 : i32
    %mul3A_31 = arith.muli %arg0, %mul3A_30 : i32
    %add3A_32 = arith.addi %mul3A_31, %arg1 : i32
    %mul3A_33 = arith.constant 10000 : i32
    %mul3A_34 = arith.muli %add3A_32, %mul3A_33 : i32
    %add3A_35 = arith.constant 0 : i32
    %add3A_36 = arith.addi %mul3A_34, %add3A_35 : i32
    "tpu.region"() ({
      %run_scoped3A = tpu.sem_alloc : memref<!tpu.dma_semaphore, #tpu.memory_space<semaphore_mem>>
      %dma_start3A_381 = tpu.memref_slice %arg3[%add3A_36] : memref<320000xi32, #tpu.memory_space<hbm>> -> memref<80xi32, #tpu.memory_space<hbm>>
      %dma_start3A_382 = tpu.memref_slice %arg3[%add3A_36] : memref<320000xi32, #tpu.memory_space<hbm>> -> memref<80xi32, #tpu.memory_space<hbm>>
      tpu.enqueue_dma source(%dma_start3A_382 : memref<80xi32, #tpu.memory_space<hbm>>) target(%arg7 : memref<80xi32, #tpu.memory_space<vmem>>) target_semaphore(%run_scoped3A : memref<!tpu.dma_semaphore, #tpu.memory_space<semaphore_mem>>)
      %dma_wait3A_383 = tpu.memref_slice %arg3[%add3A_36] : memref<320000xi32, #tpu.memory_space<hbm>> -> memref<80xi32, #tpu.memory_space<hbm>>
      %dma_wait3A_384 = tpu.memref_slice %arg3[%add3A_36] : memref<320000xi32, #tpu.memory_space<hbm>> -> memref<80xi32, #tpu.memory_space<hbm>>
      tpu.wait_dma2 semaphore(%run_scoped3A : memref<!tpu.dma_semaphore, #tpu.memory_space<semaphore_mem>>) src(%dma_wait3A_384 : memref<80xi32, #tpu.memory_space<hbm>>) dst(%arg7 : memref<80xi32, #tpu.memory_space<vmem>>)
      tpu.yield
    }) : () -> ()
    %add3A_37 = arith.constant 0 : i32
    %add3A_38 = arith.addi %mul3A_34, %add3A_37 : i32
    "tpu.region"() ({
      %run_scoped3A = tpu.sem_alloc : memref<!tpu.dma_semaphore, #tpu.memory_space<semaphore_mem>>
      %dma_start3A_381 = tpu.memref_slice %arg4[%add3A_38] : memref<320000xi32, #tpu.memory_space<hbm>> -> memref<80xi32, #tpu.memory_space<hbm>>
      %dma_start3A_382 = tpu.memref_slice %arg4[%add3A_38] : memref<320000xi32, #tpu.memory_space<hbm>> -> memref<80xi32, #tpu.memory_space<hbm>>
      tpu.enqueue_dma source(%dma_start3A_382 : memref<80xi32, #tpu.memory_space<hbm>>) target(%arg11 : memref<80xi32, #tpu.memory_space<vmem>>) target_semaphore(%run_scoped3A : memref<!tpu.dma_semaphore, #tpu.memory_space<semaphore_mem>>)
      %dma_wait3A_383 = tpu.memref_slice %arg4[%add3A_38] : memref<320000xi32, #tpu.memory_space<hbm>> -> memref<80xi32, #tpu.memory_space<hbm>>
      %dma_wait3A_384 = tpu.memref_slice %arg4[%add3A_38] : memref<320000xi32, #tpu.memory_space<hbm>> -> memref<80xi32, #tpu.memory_space<hbm>>
      tpu.wait_dma2 semaphore(%run_scoped3A : memref<!tpu.dma_semaphore, #tpu.memory_space<semaphore_mem>>) src(%dma_wait3A_384 : memref<80xi32, #tpu.memory_space<hbm>>) dst(%arg11 : memref<80xi32, #tpu.memory_space<vmem>>)
      tpu.yield
    }) : () -> ()
    %dma_start3A = arith.constant 0 : i32
    %dma_start3A_39 = arith.constant 0 : i32
    %dma_start3A_40 = tpu.memref_slice %arg2[%dma_start3A, %dma_start3A_39] : memref<10000x128xf32, #tpu.memory_space<hbm>> -> memref<10000x128xf32, #tpu.memory_space<hbm>>
    tpu.enqueue_indirect_dma source(%dma_start3A_40 : memref<10000x128xf32, #tpu.memory_space<hbm>>) target(%arg17 : memref<80x128xf32, #tpu.memory_space<vmem>>) offsets(%arg7 : memref<80xi32, #tpu.memory_space<vmem>>) semaphore(%arg25 : memref<!tpu.dma_semaphore, #tpu.memory_space<semaphore_mem>>)
    %add3A_41 = arith.constant 80 : i32
    %add3A_42 = arith.addi %mul3A_34, %add3A_41 : i32
    "tpu.region"() ({
      %run_scoped3A = tpu.sem_alloc : memref<!tpu.dma_semaphore, #tpu.memory_space<semaphore_mem>>
      %dma_start3A_381 = tpu.memref_slice %arg3[%add3A_42] : memref<320000xi32, #tpu.memory_space<hbm>> -> memref<80xi32, #tpu.memory_space<hbm>>
      %dma_start3A_382 = tpu.memref_slice %arg3[%add3A_42] : memref<320000xi32, #tpu.memory_space<hbm>> -> memref<80xi32, #tpu.memory_space<hbm>>
      tpu.enqueue_dma source(%dma_start3A_382 : memref<80xi32, #tpu.memory_space<hbm>>) target(%arg8 : memref<80xi32, #tpu.memory_space<vmem>>) target_semaphore(%run_scoped3A : memref<!tpu.dma_semaphore, #tpu.memory_space<semaphore_mem>>)
      %dma_wait3A_383 = tpu.memref_slice %arg3[%add3A_42] : memref<320000xi32, #tpu.memory_space<hbm>> -> memref<80xi32, #tpu.memory_space<hbm>>
      %dma_wait3A_384 = tpu.memref_slice %arg3[%add3A_42] : memref<320000xi32, #tpu.memory_space<hbm>> -> memref<80xi32, #tpu.memory_space<hbm>>
      tpu.wait_dma2 semaphore(%run_scoped3A : memref<!tpu.dma_semaphore, #tpu.memory_space<semaphore_mem>>) src(%dma_wait3A_384 : memref<80xi32, #tpu.memory_space<hbm>>) dst(%arg8 : memref<80xi32, #tpu.memory_space<vmem>>)
      tpu.yield
    }) : () -> ()
    %add3A_43 = arith.constant 80 : i32
    %add3A_44 = arith.addi %mul3A_34, %add3A_43 : i32
    "tpu.region"() ({
      %run_scoped3A = tpu.sem_alloc : memref<!tpu.dma_semaphore, #tpu.memory_space<semaphore_mem>>
      %dma_start3A_381 = tpu.memref_slice %arg4[%add3A_44] : memref<320000xi32, #tpu.memory_space<hbm>> -> memref<80xi32, #tpu.memory_space<hbm>>
      %dma_start3A_382 = tpu.memref_slice %arg4[%add3A_44] : memref<320000xi32, #tpu.memory_space<hbm>> -> memref<80xi32, #tpu.memory_space<hbm>>
      tpu.enqueue_dma source(%dma_start3A_382 : memref<80xi32, #tpu.memory_space<hbm>>) target(%arg12 : memref<80xi32, #tpu.memory_space<vmem>>) target_semaphore(%run_scoped3A : memref<!tpu.dma_semaphore, #tpu.memory_space<semaphore_mem>>)
      %dma_wait3A_383 = tpu.memref_slice %arg4[%add3A_44] : memref<320000xi32, #tpu.memory_space<hbm>> -> memref<80xi32, #tpu.memory_space<hbm>>
      %dma_wait3A_384 = tpu.memref_slice %arg4[%add3A_44] : memref<320000xi32, #tpu.memory_space<hbm>> -> memref<80xi32, #tpu.memory_space<hbm>>
      tpu.wait_dma2 semaphore(%run_scoped3A : memref<!tpu.dma_semaphore, #tpu.memory_space<semaphore_mem>>) src(%dma_wait3A_384 : memref<80xi32, #tpu.memory_space<hbm>>) dst(%arg12 : memref<80xi32, #tpu.memory_space<vmem>>)
      tpu.yield
    }) : () -> ()
    %dma_start3A_45 = arith.constant 0 : i32
    %dma_start3A_46 = arith.constant 0 : i32
    %dma_start3A_47 = tpu.memref_slice %arg2[%dma_start3A_45, %dma_start3A_46] : memref<10000x128xf32, #tpu.memory_space<hbm>> -> memref<10000x128xf32, #tpu.memory_space<hbm>>
    tpu.enqueue_indirect_dma source(%dma_start3A_47 : memref<10000x128xf32, #tpu.memory_space<hbm>>) target(%arg18 : memref<80x128xf32, #tpu.memory_space<vmem>>) offsets(%arg8 : memref<80xi32, #tpu.memory_space<vmem>>) semaphore(%arg26 : memref<!tpu.dma_semaphore, #tpu.memory_space<semaphore_mem>>)
    %add3A_48 = arith.constant 160 : i32
    %add3A_49 = arith.addi %mul3A_34, %add3A_48 : i32
    %dma_start3A_50 = tpu.memref_slice %arg3[%add3A_49] : memref<320000xi32, #tpu.memory_space<hbm>> -> memref<80xi32, #tpu.memory_space<hbm>>
    %dma_start3A_51 = tpu.memref_slice %arg3[%add3A_49] : memref<320000xi32, #tpu.memory_space<hbm>> -> memref<80xi32, #tpu.memory_space<hbm>>
    tpu.enqueue_dma source(%dma_start3A_51 : memref<80xi32, #tpu.memory_space<hbm>>) target(%arg9 : memref<80xi32, #tpu.memory_space<vmem>>) target_semaphore(%arg39 : memref<!tpu.dma_semaphore, #tpu.memory_space<semaphore_mem>>)
    %add3A_52 = arith.constant 160 : i32
    %add3A_53 = arith.addi %mul3A_34, %add3A_52 : i32
    %dma_start3A_54 = tpu.memref_slice %arg4[%add3A_53] : memref<320000xi32, #tpu.memory_space<hbm>> -> memref<80xi32, #tpu.memory_space<hbm>>
    %dma_start3A_55 = tpu.memref_slice %arg4[%add3A_53] : memref<320000xi32, #tpu.memory_space<hbm>> -> memref<80xi32, #tpu.memory_space<hbm>>
    tpu.enqueue_dma source(%dma_start3A_55 : memref<80xi32, #tpu.memory_space<hbm>>) target(%arg15 : memref<80xi32, #tpu.memory_space<vmem>>) target_semaphore(%arg41 : memref<!tpu.dma_semaphore, #tpu.memory_space<semaphore_mem>>)
    %dma_wait3A = arith.constant 0 : i32
    %dma_wait3A_56 = arith.constant 0 : i32
    %dma_wait3A_57 = tpu.memref_slice %arg2[%dma_wait3A, %dma_wait3A_56] : memref<10000x128xf32, #tpu.memory_space<hbm>> -> memref<10000x128xf32, #tpu.memory_space<hbm>>
    tpu.wait_indirect_dma semaphore(%arg25 : memref<!tpu.dma_semaphore, #tpu.memory_space<semaphore_mem>>) src(%dma_wait3A_57 : memref<10000x128xf32, #tpu.memory_space<hbm>>) dst(%arg17 : memref<80x128xf32, #tpu.memory_space<vmem>>)
    %add3A_58 = arith.constant 0 : i32
    %add3A_59 = arith.addi %mul3A_34, %add3A_58 : i32
    %dma_wait3A_60 = tpu.memref_slice %arg4[%add3A_59] : memref<320000xi32, #tpu.memory_space<hbm>> -> memref<80xi32, #tpu.memory_space<hbm>>
    %dma_wait3A_61 = tpu.memref_slice %arg4[%add3A_59] : memref<320000xi32, #tpu.memory_space<hbm>> -> memref<80xi32, #tpu.memory_space<hbm>>
    tpu.wait_dma2 semaphore(%arg41 : memref<!tpu.dma_semaphore, #tpu.memory_space<semaphore_mem>>) src(%dma_wait3A_61 : memref<80xi32, #tpu.memory_space<hbm>>) dst(%arg15 : memref<80xi32, #tpu.memory_space<vmem>>)
    %get3A = arith.constant 0 : index
    %get3A_62 = tpu.vector_load %arg15[%get3A] {strides = array<i32>} : memref<80xi32, #tpu.memory_space<vmem>>, vector<16xi32>,
    %get3A_63 = vector.shape_cast %get3A_62 : vector<16xi32> to vector<16xi32>
    %swap3A = arith.constant 0 : index
    %swap3A_64 = tpu.vector_load %arg13[%swap3A] {strides = array<i32>} : memref<80xi32, #tpu.memory_space<vmem>>, vector<16xi32>,
    %swap3A_65 = vector.shape_cast %swap3A_64 : vector<16xi32> to vector<16xi32>
    %swap3A_66 = vector.shape_cast %get3A_63 : vector<16xi32> to vector<16xi32>
    tpu.vector_store %arg13[%swap3A], %swap3A_66 {strides = array<i32>} : memref<80xi32, #tpu.memory_space<vmem>>, vector<16xi32>,
    %get3A_67 = arith.constant 16 : index
    %get3A_68 = tpu.vector_load %arg15[%get3A_67] {strides = array<i32>} : memref<80xi32, #tpu.memory_space<vmem>>, vector<16xi32>,
    %get3A_69 = vector.shape_cast %get3A_68 : vector<16xi32> to vector<16xi32>
    %swap3A_70 = arith.constant 16 : index
    %swap3A_71 = tpu.vector_load %arg13[%swap3A_70] {strides = array<i32>} : memref<80xi32, #tpu.memory_space<vmem>>, vector<16xi32>,
    %swap3A_72 = vector.shape_cast %swap3A_71 : vector<16xi32> to vector<16xi32>
    %swap3A_73 = vector.shape_cast %get3A_69 : vector<16xi32> to vector<16xi32>
    tpu.vector_store %arg13[%swap3A_70], %swap3A_73 {strides = array<i32>} : memref<80xi32, #tpu.memory_space<vmem>>, vector<16xi32>,
    %get3A_74 = arith.constant 32 : index
    %get3A_75 = tpu.vector_load %arg15[%get3A_74] {strides = array<i32>} : memref<80xi32, #tpu.memory_space<vmem>>, vector<16xi32>,
    %get3A_76 = vector.shape_cast %get3A_75 : vector<16xi32> to vector<16xi32>
    %swap3A_77 = arith.constant 32 : index
    %swap3A_78 = tpu.vector_load %arg13[%swap3A_77] {strides = array<i32>} : memref<80xi32, #tpu.memory_space<vmem>>, vector<16xi32>,
    %swap3A_79 = vector.shape_cast %swap3A_78 : vector<16xi32> to vector<16xi32>
    %swap3A_80 = vector.shape_cast %get3A_76 : vector<16xi32> to vector<16xi32>
    tpu.vector_store %arg13[%swap3A_77], %swap3A_80 {strides = array<i32>} : memref<80xi32, #tpu.memory_space<vmem>>, vector<16xi32>,
    %get3A_81 = arith.constant 48 : index
    %get3A_82 = tpu.vector_load %arg15[%get3A_81] {strides = array<i32>} : memref<80xi32, #tpu.memory_space<vmem>>, vector<16xi32>,
    %get3A_83 = vector.shape_cast %get3A_82 : vector<16xi32> to vector<16xi32>
    %swap3A_84 = arith.constant 48 : index
    %swap3A_85 = tpu.vector_load %arg13[%swap3A_84] {strides = array<i32>} : memref<80xi32, #tpu.memory_space<vmem>>, vector<16xi32>,
    %swap3A_86 = vector.shape_cast %swap3A_85 : vector<16xi32> to vector<16xi32>
    %swap3A_87 = vector.shape_cast %get3A_83 : vector<16xi32> to vector<16xi32>
    tpu.vector_store %arg13[%swap3A_84], %swap3A_87 {strides = array<i32>} : memref<80xi32, #tpu.memory_space<vmem>>, vector<16xi32>,
    %get3A_88 = arith.constant 64 : index
    %get3A_89 = tpu.vector_load %arg15[%get3A_88] {strides = array<i32>} : memref<80xi32, #tpu.memory_space<vmem>>, vector<16xi32>,
    %get3A_90 = vector.shape_cast %get3A_89 : vector<16xi32> to vector<16xi32>
    %swap3A_91 = arith.constant 64 : index
    %swap3A_92 = tpu.vector_load %arg13[%swap3A_91] {strides = array<i32>} : memref<80xi32, #tpu.memory_space<vmem>>, vector<16xi32>,
    %swap3A_93 = vector.shape_cast %swap3A_92 : vector<16xi32> to vector<16xi32>
    %swap3A_94 = vector.shape_cast %get3A_90 : vector<16xi32> to vector<16xi32>
    tpu.vector_store %arg13[%swap3A_91], %swap3A_94 {strides = array<i32>} : memref<80xi32, #tpu.memory_space<vmem>>, vector<16xi32>,
    %add3A_95 = arith.constant 0 : i32
    %add3A_96 = arith.addi %mul3A_34, %add3A_95 : i32
    %dma_wait3A_97 = tpu.memref_slice %arg3[%add3A_96] : memref<320000xi32, #tpu.memory_space<hbm>> -> memref<80xi32, #tpu.memory_space<hbm>>
    %dma_wait3A_98 = tpu.memref_slice %arg3[%add3A_96] : memref<320000xi32, #tpu.memory_space<hbm>> -> memref<80xi32, #tpu.memory_space<hbm>>
    tpu.wait_dma2 semaphore(%arg39 : memref<!tpu.dma_semaphore, #tpu.memory_space<semaphore_mem>>) src(%dma_wait3A_98 : memref<80xi32, #tpu.memory_space<hbm>>) dst(%arg9 : memref<80xi32, #tpu.memory_space<vmem>>)
    %dma_start3A_99 = arith.constant 0 : i32
    %dma_start3A_100 = arith.constant 0 : i32
    %dma_start3A_101 = tpu.memref_slice %arg2[%dma_start3A_99, %dma_start3A_100] : memref<10000x128xf32, #tpu.memory_space<hbm>> -> memref<10000x128xf32, #tpu.memory_space<hbm>>
    tpu.enqueue_indirect_dma source(%dma_start3A_101 : memref<10000x128xf32, #tpu.memory_space<hbm>>) target(%arg19 : memref<80x128xf32, #tpu.memory_space<vmem>>) offsets(%arg9 : memref<80xi32, #tpu.memory_space<vmem>>) semaphore(%arg27 : memref<!tpu.dma_semaphore, #tpu.memory_space<semaphore_mem>>)
    %dma_start3A_102 = arith.constant 0 : i32
    %dma_start3A_103 = arith.constant 0 : i32
    %dma_start3A_104 = tpu.memref_slice %arg23[%dma_start3A_102, %dma_start3A_103] : memref<10240x128xf32, #tpu.memory_space<vmem_shared>> -> memref<10240x128xf32, #tpu.memory_space<vmem_shared>>
    tpu.enqueue_indirect_dma source(%arg17 : memref<80x128xf32, #tpu.memory_space<vmem>>) target(%dma_start3A_104 : memref<10240x128xf32, #tpu.memory_space<vmem_shared>>) offsets(%arg11 : memref<80xi32, #tpu.memory_space<vmem>>) semaphore(%arg29 : memref<!tpu.dma_semaphore, #tpu.memory_space<semaphore_mem>>) {add = true}
    %dma_start3A_105 = arith.constant 0 : i32
    %dma_start3A_106 = tpu.memref_slice %arg24[%dma_start3A_105] : memref<10240xf32, #tpu.memory_space<vmem_shared>> -> memref<10240xf32, #tpu.memory_space<vmem_shared>>
    tpu.enqueue_indirect_dma source(%arg21 : memref<80xf32, #tpu.memory_space<vmem>>) target(%dma_start3A_106 : memref<10240xf32, #tpu.memory_space<vmem_shared>>) offsets(%arg11 : memref<80xi32, #tpu.memory_space<vmem>>) semaphore(%arg33 : memref<!tpu.dma_semaphore, #tpu.memory_space<semaphore_mem>>) {add = true}
    %add3A_107 = arith.constant 240 : i32
    %add3A_108 = arith.addi %mul3A_34, %add3A_107 : i32
    %dma_start3A_109 = tpu.memref_slice %arg4[%add3A_108] : memref<320000xi32, #tpu.memory_space<hbm>> -> memref<80xi32, #tpu.memory_space<hbm>>
    %dma_start3A_110 = tpu.memref_slice %arg4[%add3A_108] : memref<320000xi32, #tpu.memory_space<hbm>> -> memref<80xi32, #tpu.memory_space<hbm>>
    tpu.enqueue_dma source(%dma_start3A_110 : memref<80xi32, #tpu.memory_space<hbm>>) target(%arg16 : memref<80xi32, #tpu.memory_space<vmem>>) target_semaphore(%arg42 : memref<!tpu.dma_semaphore, #tpu.memory_space<semaphore_mem>>)
    %add3A_111 = arith.constant 240 : i32
    %add3A_112 = arith.addi %mul3A_34, %add3A_111 : i32
    %dma_start3A_113 = tpu.memref_slice %arg3[%add3A_112] : memref<320000xi32, #tpu.memory_space<hbm>> -> memref<80xi32, #tpu.memory_space<hbm>>
    %dma_start3A_114 = tpu.memref_slice %arg3[%add3A_112] : memref<320000xi32, #tpu.memory_space<hbm>> -> memref<80xi32, #tpu.memory_space<hbm>>
    tpu.enqueue_dma source(%dma_start3A_114 : memref<80xi32, #tpu.memory_space<hbm>>) target(%arg10 : memref<80xi32, #tpu.memory_space<vmem>>) target_semaphore(%arg40 : memref<!tpu.dma_semaphore, #tpu.memory_space<semaphore_mem>>)
    %dma_wait3A_115 = arith.constant 0 : i32
    %dma_wait3A_116 = arith.constant 0 : i32
    %dma_wait3A_117 = tpu.memref_slice %arg2[%dma_wait3A_115, %dma_wait3A_116] : memref<10000x128xf32, #tpu.memory_space<hbm>> -> memref<10000x128xf32, #tpu.memory_space<hbm>>
    tpu.wait_indirect_dma semaphore(%arg26 : memref<!tpu.dma_semaphore, #tpu.memory_space<semaphore_mem>>) src(%dma_wait3A_117 : memref<10000x128xf32, #tpu.memory_space<hbm>>) dst(%arg18 : memref<80x128xf32, #tpu.memory_space<vmem>>)
    %add3A_118 = arith.constant 0 : i32
    %add3A_119 = arith.addi %mul3A_34, %add3A_118 : i32
    %dma_wait3A_120 = tpu.memref_slice %arg4[%add3A_119] : memref<320000xi32, #tpu.memory_space<hbm>> -> memref<80xi32, #tpu.memory_space<hbm>>
    %dma_wait3A_121 = tpu.memref_slice %arg4[%add3A_119] : memref<320000xi32, #tpu.memory_space<hbm>> -> memref<80xi32, #tpu.memory_space<hbm>>
    tpu.wait_dma2 semaphore(%arg42 : memref<!tpu.dma_semaphore, #tpu.memory_space<semaphore_mem>>) src(%dma_wait3A_121 : memref<80xi32, #tpu.memory_space<hbm>>) dst(%arg16 : memref<80xi32, #tpu.memory_space<vmem>>)
    %get3A_122 = arith.constant 0 : index
    %get3A_123 = tpu.vector_load %arg16[%get3A_122] {strides = array<i32>} : memref<80xi32, #tpu.memory_space<vmem>>, vector<16xi32>,
    %get3A_124 = vector.shape_cast %get3A_123 : vector<16xi32> to vector<16xi32>
    %swap3A_125 = arith.constant 0 : index
    %swap3A_126 = tpu.vector_load %arg14[%swap3A_125] {strides = array<i32>} : memref<80xi32, #tpu.memory_space<vmem>>, vector<16xi32>,
    %swap3A_127 = vector.shape_cast %swap3A_126 : vector<16xi32> to vector<16xi32>
    %swap3A_128 = vector.shape_cast %get3A_124 : vector<16xi32> to vector<16xi32>
    tpu.vector_store %arg14[%swap3A_125], %swap3A_128 {strides = array<i32>} : memref<80xi32, #tpu.memory_space<vmem>>, vector<16xi32>,
    %get3A_129 = arith.constant 16 : index
    %get3A_130 = tpu.vector_load %arg16[%get3A_129] {strides = array<i32>} : memref<80xi32, #tpu.memory_space<vmem>>, vector<16xi32>,
    %get3A_131 = vector.shape_cast %get3A_130 : vector<16xi32> to vector<16xi32>
    %swap3A_132 = arith.constant 16 : index
    %swap3A_133 = tpu.vector_load %arg14[%swap3A_132] {strides = array<i32>} : memref<80xi32, #tpu.memory_space<vmem>>, vector<16xi32>,
    %swap3A_134 = vector.shape_cast %swap3A_133 : vector<16xi32> to vector<16xi32>
    %swap3A_135 = vector.shape_cast %get3A_131 : vector<16xi32> to vector<16xi32>
    tpu.vector_store %arg14[%swap3A_132], %swap3A_135 {strides = array<i32>} : memref<80xi32, #tpu.memory_space<vmem>>, vector<16xi32>,
    %get3A_136 = arith.constant 32 : index
    %get3A_137 = tpu.vector_load %arg16[%get3A_136] {strides = array<i32>} : memref<80xi32, #tpu.memory_space<vmem>>, vector<16xi32>,
    %get3A_138 = vector.shape_cast %get3A_137 : vector<16xi32> to vector<16xi32>
    %swap3A_139 = arith.constant 32 : index
    %swap3A_140 = tpu.vector_load %arg14[%swap3A_139] {strides = array<i32>} : memref<80xi32, #tpu.memory_space<vmem>>, vector<16xi32>,
    %swap3A_141 = vector.shape_cast %swap3A_140 : vector<16xi32> to vector<16xi32>
    %swap3A_142 = vector.shape_cast %get3A_138 : vector<16xi32> to vector<16xi32>
    tpu.vector_store %arg14[%swap3A_139], %swap3A_142 {strides = array<i32>} : memref<80xi32, #tpu.memory_space<vmem>>, vector<16xi32>,
    %get3A_143 = arith.constant 48 : index
    %get3A_144 = tpu.vector_load %arg16[%get3A_143] {strides = array<i32>} : memref<80xi32, #tpu.memory_space<vmem>>, vector<16xi32>,
    %get3A_145 = vector.shape_cast %get3A_144 : vector<16xi32> to vector<16xi32>
    %swap3A_146 = arith.constant 48 : index
    %swap3A_147 = tpu.vector_load %arg14[%swap3A_146] {strides = array<i32>} : memref<80xi32, #tpu.memory_space<vmem>>, vector<16xi32>,
    %swap3A_148 = vector.shape_cast %swap3A_147 : vector<16xi32> to vector<16xi32>
    %swap3A_149 = vector.shape_cast %get3A_145 : vector<16xi32> to vector<16xi32>
    tpu.vector_store %arg14[%swap3A_146], %swap3A_149 {strides = array<i32>} : memref<80xi32, #tpu.memory_space<vmem>>, vector<16xi32>,
    %get3A_150 = arith.constant 64 : index
    %get3A_151 = tpu.vector_load %arg16[%get3A_150] {strides = array<i32>} : memref<80xi32, #tpu.memory_space<vmem>>, vector<16xi32>,
    %get3A_152 = vector.shape_cast %get3A_151 : vector<16xi32> to vector<16xi32>
    %swap3A_153 = arith.constant 64 : index
    %swap3A_154 = tpu.vector_load %arg14[%swap3A_153] {strides = array<i32>} : memref<80xi32, #tpu.memory_space<vmem>>, vector<16xi32>,
    %swap3A_155 = vector.shape_cast %swap3A_154 : vector<16xi32> to vector<16xi32>
    %swap3A_156 = vector.shape_cast %get3A_152 : vector<16xi32> to vector<16xi32>
    tpu.vector_store %arg14[%swap3A_153], %swap3A_156 {strides = array<i32>} : memref<80xi32, #tpu.memory_space<vmem>>, vector<16xi32>,
    %add3A_157 = arith.constant 0 : i32
    %add3A_158 = arith.addi %mul3A_34, %add3A_157 : i32
    %dma_wait3A_159 = tpu.memref_slice %arg3[%add3A_158] : memref<320000xi32, #tpu.memory_space<hbm>> -> memref<80xi32, #tpu.memory_space<hbm>>
    %dma_wait3A_160 = tpu.memref_slice %arg3[%add3A_158] : memref<320000xi32, #tpu.memory_space<hbm>> -> memref<80xi32, #tpu.memory_space<hbm>>
    tpu.wait_dma2 semaphore(%arg40 : memref<!tpu.dma_semaphore, #tpu.memory_space<semaphore_mem>>) src(%dma_wait3A_160 : memref<80xi32, #tpu.memory_space<hbm>>) dst(%arg10 : memref<80xi32, #tpu.memory_space<vmem>>)
    %dma_start3A_161 = arith.constant 0 : i32
    %dma_start3A_162 = arith.constant 0 : i32
    %dma_start3A_163 = tpu.memref_slice %arg2[%dma_start3A_161, %dma_start3A_162] : memref<10000x128xf32, #tpu.memory_space<hbm>> -> memref<10000x128xf32, #tpu.memory_space<hbm>>
    tpu.enqueue_indirect_dma source(%dma_start3A_163 : memref<10000x128xf32, #tpu.memory_space<hbm>>) target(%arg20 : memref<80x128xf32, #tpu.memory_space<vmem>>) offsets(%arg10 : memref<80xi32, #tpu.memory_space<vmem>>) semaphore(%arg28 : memref<!tpu.dma_semaphore, #tpu.memory_space<semaphore_mem>>)
    %dma_start3A_164 = arith.constant 0 : i32
    %dma_start3A_165 = arith.constant 0 : i32
    %dma_start3A_166 = tpu.memref_slice %arg23[%dma_start3A_164, %dma_start3A_165] : memref<10240x128xf32, #tpu.memory_space<vmem_shared>> -> memref<10240x128xf32, #tpu.memory_space<vmem_shared>>
    tpu.enqueue_indirect_dma source(%arg18 : memref<80x128xf32, #tpu.memory_space<vmem>>) target(%dma_start3A_166 : memref<10240x128xf32, #tpu.memory_space<vmem_shared>>) offsets(%arg12 : memref<80xi32, #tpu.memory_space<vmem>>) semaphore(%arg30 : memref<!tpu.dma_semaphore, #tpu.memory_space<semaphore_mem>>) {add = true}
    %dma_start3A_167 = arith.constant 0 : i32
    %dma_start3A_168 = tpu.memref_slice %arg24[%dma_start3A_167] : memref<10240xf32, #tpu.memory_space<vmem_shared>> -> memref<10240xf32, #tpu.memory_space<vmem_shared>>
    tpu.enqueue_indirect_dma source(%arg21 : memref<80xf32, #tpu.memory_space<vmem>>) target(%dma_start3A_168 : memref<10240xf32, #tpu.memory_space<vmem_shared>>) offsets(%arg12 : memref<80xi32, #tpu.memory_space<vmem>>) semaphore(%arg34 : memref<!tpu.dma_semaphore, #tpu.memory_space<semaphore_mem>>) {add = true}
    %add3A_169 = arith.constant 320 : i32
    %add3A_170 = arith.addi %mul3A_34, %add3A_169 : i32
    %dma_start3A_171 = tpu.memref_slice %arg4[%add3A_170] : memref<320000xi32, #tpu.memory_space<hbm>> -> memref<80xi32, #tpu.memory_space<hbm>>
    %dma_start3A_172 = tpu.memref_slice %arg4[%add3A_170] : memref<320000xi32, #tpu.memory_space<hbm>> -> memref<80xi32, #tpu.memory_space<hbm>>
    tpu.enqueue_dma source(%dma_start3A_172 : memref<80xi32, #tpu.memory_space<hbm>>) target(%arg15 : memref<80xi32, #tpu.memory_space<vmem>>) target_semaphore(%arg41 : memref<!tpu.dma_semaphore, #tpu.memory_space<semaphore_mem>>)
    %add3A_173 = arith.constant 320 : i32
    %add3A_174 = arith.addi %mul3A_34, %add3A_173 : i32
    %dma_start3A_175 = tpu.memref_slice %arg3[%add3A_174] : memref<320000xi32, #tpu.memory_space<hbm>> -> memref<80xi32, #tpu.memory_space<hbm>>
    %dma_start3A_176 = tpu.memref_slice %arg3[%add3A_174] : memref<320000xi32, #tpu.memory_space<hbm>> -> memref<80xi32, #tpu.memory_space<hbm>>
    tpu.enqueue_dma source(%dma_start3A_176 : memref<80xi32, #tpu.memory_space<hbm>>) target(%arg7 : memref<80xi32, #tpu.memory_space<vmem>>) target_semaphore(%arg37 : memref<!tpu.dma_semaphore, #tpu.memory_space<semaphore_mem>>)
    %scan3A_177 = arith.constant 0 : i32
    %scan3A_178 = arith.constant 30 : i32
    %scan3A_179 = arith.addi %scan3A_177, %scan3A_178 : i32
    %scan3A_180 = arith.constant 1 : i32
    scf.for %scan3A_381 = %scan3A_177 to %scan3A_179 step %scan3A_180  : i32 {
      %mul3A_382 = arith.constant 1 : i32
      %mul3A_383 = arith.muli %scan3A_381, %mul3A_382 : i32
      %add3A_384 = arith.constant 0 : i32
      %add3A_385 = arith.addi %add3A_384, %mul3A_383 : i32
      %mul3A_386 = arith.constant 4 : i32
      %mul3A_387 = arith.muli %mul3A_386, %add3A_385 : i32
      %add3A_388 = arith.constant 2 : i32
      %add3A_389 = arith.addi %add3A_388, %mul3A_387 : i32
      %add3A_390 = arith.constant 0 : i32
      %add3A_391 = arith.addi %add3A_389, %add3A_390 : i32
      %dma_wait3A_392 = arith.constant 0 : i32
      %dma_wait3A_393 = arith.constant 0 : i32
      %dma_wait3A_394 = tpu.memref_slice %arg2[%dma_wait3A_392, %dma_wait3A_393] : memref<10000x128xf32, #tpu.memory_space<hbm>> -> memref<10000x128xf32, #tpu.memory_space<hbm>>
      tpu.wait_indirect_dma semaphore(%arg27 : memref<!tpu.dma_semaphore, #tpu.memory_space<semaphore_mem>>) src(%dma_wait3A_394 : memref<10000x128xf32, #tpu.memory_space<hbm>>) dst(%arg19 : memref<80x128xf32, #tpu.memory_space<vmem>>)
      %dma_wait3A_395 = arith.constant 0 : i32
      %dma_wait3A_396 = arith.constant 0 : i32
      %dma_wait3A_397 = tpu.memref_slice %arg23[%dma_wait3A_395, %dma_wait3A_396] : memref<10240x128xf32, #tpu.memory_space<vmem_shared>> -> memref<10240x128xf32, #tpu.memory_space<vmem_shared>>
      tpu.wait_indirect_dma semaphore(%arg29 : memref<!tpu.dma_semaphore, #tpu.memory_space<semaphore_mem>>) src(%arg17 : memref<80x128xf32, #tpu.memory_space<vmem>>) dst(%dma_wait3A_397 : memref<10240x128xf32, #tpu.memory_space<vmem_shared>>)
      %dma_wait3A_398 = arith.constant 0 : i32
      %dma_wait3A_399 = tpu.memref_slice %arg24[%dma_wait3A_398] : memref<10240xf32, #tpu.memory_space<vmem_shared>> -> memref<10240xf32, #tpu.memory_space<vmem_shared>>
      tpu.wait_indirect_dma semaphore(%arg33 : memref<!tpu.dma_semaphore, #tpu.memory_space<semaphore_mem>>) src(%arg21 : memref<80xf32, #tpu.memory_space<vmem>>) dst(%dma_wait3A_399 : memref<10240xf32, #tpu.memory_space<vmem_shared>>)
      %add3A_400 = arith.constant 0 : i32
      %add3A_401 = arith.addi %mul3A_34, %add3A_400 : i32
      %dma_wait3A_402 = tpu.memref_slice %arg4[%add3A_401] : memref<320000xi32, #tpu.memory_space<hbm>> -> memref<80xi32, #tpu.memory_space<hbm>>
      %dma_wait3A_403 = tpu.memref_slice %arg4[%add3A_401] : memref<320000xi32, #tpu.memory_space<hbm>> -> memref<80xi32, #tpu.memory_space<hbm>>
      tpu.wait_dma2 semaphore(%arg41 : memref<!tpu.dma_semaphore, #tpu.memory_space<semaphore_mem>>) src(%dma_wait3A_403 : memref<80xi32, #tpu.memory_space<hbm>>) dst(%arg15 : memref<80xi32, #tpu.memory_space<vmem>>)
      %get3A_404 = arith.constant 0 : index
      %get3A_405 = tpu.vector_load %arg15[%get3A_404] {strides = array<i32>} : memref<80xi32, #tpu.memory_space<vmem>>, vector<16xi32>,
      %get3A_406 = vector.shape_cast %get3A_405 : vector<16xi32> to vector<16xi32>
      %swap3A_407 = arith.constant 0 : index
      %swap3A_408 = tpu.vector_load %arg11[%swap3A_407] {strides = array<i32>} : memref<80xi32, #tpu.memory_space<vmem>>, vector<16xi32>,
      %swap3A_409 = vector.shape_cast %swap3A_408 : vector<16xi32> to vector<16xi32>
      %swap3A_410 = vector.shape_cast %get3A_406 : vector<16xi32> to vector<16xi32>
      tpu.vector_store %arg11[%swap3A_407], %swap3A_410 {strides = array<i32>} : memref<80xi32, #tpu.memory_space<vmem>>, vector<16xi32>,
      %get3A_411 = arith.constant 16 : index
      %get3A_412 = tpu.vector_load %arg15[%get3A_411] {strides = array<i32>} : memref<80xi32, #tpu.memory_space<vmem>>, vector<16xi32>,
      %get3A_413 = vector.shape_cast %get3A_412 : vector<16xi32> to vector<16xi32>
      %swap3A_414 = arith.constant 16 : index
      %swap3A_415 = tpu.vector_load %arg11[%swap3A_414] {strides = array<i32>} : memref<80xi32, #tpu.memory_space<vmem>>, vector<16xi32>,
      %swap3A_416 = vector.shape_cast %swap3A_415 : vector<16xi32> to vector<16xi32>
      %swap3A_417 = vector.shape_cast %get3A_413 : vector<16xi32> to vector<16xi32>
      tpu.vector_store %arg11[%swap3A_414], %swap3A_417 {strides = array<i32>} : memref<80xi32, #tpu.memory_space<vmem>>, vector<16xi32>,
      %get3A_418 = arith.constant 32 : index
      %get3A_419 = tpu.vector_load %arg15[%get3A_418] {strides = array<i32>} : memref<80xi32, #tpu.memory_space<vmem>>, vector<16xi32>,
      %get3A_420 = vector.shape_cast %get3A_419 : vector<16xi32> to vector<16xi32>
      %swap3A_421 = arith.constant 32 : index
      %swap3A_422 = tpu.vector_load %arg11[%swap3A_421] {strides = array<i32>} : memref<80xi32, #tpu.memory_space<vmem>>, vector<16xi32>,
      %swap3A_423 = vector.shape_cast %swap3A_422 : vector<16xi32> to vector<16xi32>
      %swap3A_424 = vector.shape_cast %get3A_420 : vector<16xi32> to vector<16xi32>
      tpu.vector_store %arg11[%swap3A_421], %swap3A_424 {strides = array<i32>} : memref<80xi32, #tpu.memory_space<vmem>>, vector<16xi32>,
      %get3A_425 = arith.constant 48 : index
      %get3A_426 = tpu.vector_load %arg15[%get3A_425] {strides = array<i32>} : memref<80xi32, #tpu.memory_space<vmem>>, vector<16xi32>,
      %get3A_427 = vector.shape_cast %get3A_426 : vector<16xi32> to vector<16xi32>
      %swap3A_428 = arith.constant 48 : index
      %swap3A_429 = tpu.vector_load %arg11[%swap3A_428] {strides = array<i32>} : memref<80xi32, #tpu.memory_space<vmem>>, vector<16xi32>,
      %swap3A_430 = vector.shape_cast %swap3A_429 : vector<16xi32> to vector<16xi32>
      %swap3A_431 = vector.shape_cast %get3A_427 : vector<16xi32> to vector<16xi32>
      tpu.vector_store %arg11[%swap3A_428], %swap3A_431 {strides = array<i32>} : memref<80xi32, #tpu.memory_space<vmem>>, vector<16xi32>,
      %get3A_432 = arith.constant 64 : index
      %get3A_433 = tpu.vector_load %arg15[%get3A_432] {strides = array<i32>} : memref<80xi32, #tpu.memory_space<vmem>>, vector<16xi32>,
      %get3A_434 = vector.shape_cast %get3A_433 : vector<16xi32> to vector<16xi32>
      %swap3A_435 = arith.constant 64 : index
      %swap3A_436 = tpu.vector_load %arg11[%swap3A_435] {strides = array<i32>} : memref<80xi32, #tpu.memory_space<vmem>>, vector<16xi32>,
      %swap3A_437 = vector.shape_cast %swap3A_436 : vector<16xi32> to vector<16xi32>
      %swap3A_438 = vector.shape_cast %get3A_434 : vector<16xi32> to vector<16xi32>
      tpu.vector_store %arg11[%swap3A_435], %swap3A_438 {strides = array<i32>} : memref<80xi32, #tpu.memory_space<vmem>>, vector<16xi32>,
      %add3A_439 = arith.constant 0 : i32
      %add3A_440 = arith.addi %mul3A_34, %add3A_439 : i32
      %dma_wait3A_441 = tpu.memref_slice %arg3[%add3A_440] : memref<320000xi32, #tpu.memory_space<hbm>> -> memref<80xi32, #tpu.memory_space<hbm>>
      %dma_wait3A_442 = tpu.memref_slice %arg3[%add3A_440] : memref<320000xi32, #tpu.memory_space<hbm>> -> memref<80xi32, #tpu.memory_space<hbm>>
      tpu.wait_dma2 semaphore(%arg37 : memref<!tpu.dma_semaphore, #tpu.memory_space<semaphore_mem>>) src(%dma_wait3A_442 : memref<80xi32, #tpu.memory_space<hbm>>) dst(%arg7 : memref<80xi32, #tpu.memory_space<vmem>>)
      %dma_start3A_443 = arith.constant 0 : i32
      %dma_start3A_444 = arith.constant 0 : i32
      %dma_start3A_445 = tpu.memref_slice %arg2[%dma_start3A_443, %dma_start3A_444] : memref<10000x128xf32, #tpu.memory_space<hbm>> -> memref<10000x128xf32, #tpu.memory_space<hbm>>
      tpu.enqueue_indirect_dma source(%dma_start3A_445 : memref<10000x128xf32, #tpu.memory_space<hbm>>) target(%arg17 : memref<80x128xf32, #tpu.memory_space<vmem>>) offsets(%arg7 : memref<80xi32, #tpu.memory_space<vmem>>) semaphore(%arg25 : memref<!tpu.dma_semaphore, #tpu.memory_space<semaphore_mem>>)
      %dma_start3A_446 = arith.constant 0 : i32
      %dma_start3A_447 = arith.constant 0 : i32
      %dma_start3A_448 = tpu.memref_slice %arg23[%dma_start3A_446, %dma_start3A_447] : memref<10240x128xf32, #tpu.memory_space<vmem_shared>> -> memref<10240x128xf32, #tpu.memory_space<vmem_shared>>
      tpu.enqueue_indirect_dma source(%arg19 : memref<80x128xf32, #tpu.memory_space<vmem>>) target(%dma_start3A_448 : memref<10240x128xf32, #tpu.memory_space<vmem_shared>>) offsets(%arg13 : memref<80xi32, #tpu.memory_space<vmem>>) semaphore(%arg31 : memref<!tpu.dma_semaphore, #tpu.memory_space<semaphore_mem>>) {add = true}
      %dma_start3A_449 = arith.constant 0 : i32
      %dma_start3A_450 = tpu.memref_slice %arg24[%dma_start3A_449] : memref<10240xf32, #tpu.memory_space<vmem_shared>> -> memref<10240xf32, #tpu.memory_space<vmem_shared>>
      tpu.enqueue_indirect_dma source(%arg21 : memref<80xf32, #tpu.memory_space<vmem>>) target(%dma_start3A_450 : memref<10240xf32, #tpu.memory_space<vmem_shared>>) offsets(%arg13 : memref<80xi32, #tpu.memory_space<vmem>>) semaphore(%arg35 : memref<!tpu.dma_semaphore, #tpu.memory_space<semaphore_mem>>) {add = true}
      %add3A_451 = arith.constant 3 : i32
      %add3A_452 = arith.addi %add3A_391, %add3A_451 : i32
      %mul3A_453 = arith.constant 80 : i32
      %mul3A_454 = arith.muli %add3A_452, %mul3A_453 : i32
      %add3A_455 = arith.addi %mul3A_34, %mul3A_454 : i32
      %dma_start3A_456 = tpu.memref_slice %arg4[%add3A_455] : memref<320000xi32, #tpu.memory_space<hbm>> -> memref<80xi32, #tpu.memory_space<hbm>>
      %dma_start3A_457 = tpu.memref_slice %arg4[%add3A_455] : memref<320000xi32, #tpu.memory_space<hbm>> -> memref<80xi32, #tpu.memory_space<hbm>>
      tpu.enqueue_dma source(%dma_start3A_457 : memref<80xi32, #tpu.memory_space<hbm>>) target(%arg16 : memref<80xi32, #tpu.memory_space<vmem>>) target_semaphore(%arg42 : memref<!tpu.dma_semaphore, #tpu.memory_space<semaphore_mem>>)
      %add3A_458 = arith.constant 3 : i32
      %add3A_459 = arith.addi %add3A_391, %add3A_458 : i32
      %mul3A_460 = arith.constant 80 : i32
      %mul3A_461 = arith.muli %add3A_459, %mul3A_460 : i32
      %add3A_462 = arith.addi %mul3A_34, %mul3A_461 : i32
      %dma_start3A_463 = tpu.memref_slice %arg3[%add3A_462] : memref<320000xi32, #tpu.memory_space<hbm>> -> memref<80xi32, #tpu.memory_space<hbm>>
      %dma_start3A_464 = tpu.memref_slice %arg3[%add3A_462] : memref<320000xi32, #tpu.memory_space<hbm>> -> memref<80xi32, #tpu.memory_space<hbm>>
      tpu.enqueue_dma source(%dma_start3A_464 : memref<80xi32, #tpu.memory_space<hbm>>) target(%arg8 : memref<80xi32, #tpu.memory_space<vmem>>) target_semaphore(%arg38 : memref<!tpu.dma_semaphore, #tpu.memory_space<semaphore_mem>>)
      %add3A_465 = arith.constant 1 : i32
      %add3A_466 = arith.addi %add3A_389, %add3A_465 : i32
      %dma_wait3A_467 = arith.constant 0 : i32
      %dma_wait3A_468 = arith.constant 0 : i32
      %dma_wait3A_469 = tpu.memref_slice %arg2[%dma_wait3A_467, %dma_wait3A_468] : memref<10000x128xf32, #tpu.memory_space<hbm>> -> memref<10000x128xf32, #tpu.memory_space<hbm>>
      tpu.wait_indirect_dma semaphore(%arg28 : memref<!tpu.dma_semaphore, #tpu.memory_space<semaphore_mem>>) src(%dma_wait3A_469 : memref<10000x128xf32, #tpu.memory_space<hbm>>) dst(%arg20 : memref<80x128xf32, #tpu.memory_space<vmem>>)
      %dma_wait3A_470 = arith.constant 0 : i32
      %dma_wait3A_471 = arith.constant 0 : i32
      %dma_wait3A_472 = tpu.memref_slice %arg23[%dma_wait3A_470, %dma_wait3A_471] : memref<10240x128xf32, #tpu.memory_space<vmem_shared>> -> memref<10240x128xf32, #tpu.memory_space<vmem_shared>>
      tpu.wait_indirect_dma semaphore(%arg30 : memref<!tpu.dma_semaphore, #tpu.memory_space<semaphore_mem>>) src(%arg18 : memref<80x128xf32, #tpu.memory_space<vmem>>) dst(%dma_wait3A_472 : memref<10240x128xf32, #tpu.memory_space<vmem_shared>>)
      %dma_wait3A_473 = arith.constant 0 : i32
      %dma_wait3A_474 = tpu.memref_slice %arg24[%dma_wait3A_473] : memref<10240xf32, #tpu.memory_space<vmem_shared>> -> memref<10240xf32, #tpu.memory_space<vmem_shared>>
      tpu.wait_indirect_dma semaphore(%arg34 : memref<!tpu.dma_semaphore, #tpu.memory_space<semaphore_mem>>) src(%arg21 : memref<80xf32, #tpu.memory_space<vmem>>) dst(%dma_wait3A_474 : memref<10240xf32, #tpu.memory_space<vmem_shared>>)
      %add3A_475 = arith.constant 0 : i32
      %add3A_476 = arith.addi %mul3A_34, %add3A_475 : i32
      %dma_wait3A_477 = tpu.memref_slice %arg4[%add3A_476] : memref<320000xi32, #tpu.memory_space<hbm>> -> memref<80xi32, #tpu.memory_space<hbm>>
      %dma_wait3A_478 = tpu.memref_slice %arg4[%add3A_476] : memref<320000xi32, #tpu.memory_space<hbm>> -> memref<80xi32, #tpu.memory_space<hbm>>
      tpu.wait_dma2 semaphore(%arg42 : memref<!tpu.dma_semaphore, #tpu.memory_space<semaphore_mem>>) src(%dma_wait3A_478 : memref<80xi32, #tpu.memory_space<hbm>>) dst(%arg16 : memref<80xi32, #tpu.memory_space<vmem>>)
      %get3A_479 = arith.constant 0 : index
      %get3A_480 = tpu.vector_load %arg16[%get3A_479] {strides = array<i32>} : memref<80xi32, #tpu.memory_space<vmem>>, vector<16xi32>,
      %get3A_481 = vector.shape_cast %get3A_480 : vector<16xi32> to vector<16xi32>
      %swap3A_482 = arith.constant 0 : index
      %swap3A_483 = tpu.vector_load %arg12[%swap3A_482] {strides = array<i32>} : memref<80xi32, #tpu.memory_space<vmem>>, vector<16xi32>,
      %swap3A_484 = vector.shape_cast %swap3A_483 : vector<16xi32> to vector<16xi32>
      %swap3A_485 = vector.shape_cast %get3A_481 : vector<16xi32> to vector<16xi32>
      tpu.vector_store %arg12[%swap3A_482], %swap3A_485 {strides = array<i32>} : memref<80xi32, #tpu.memory_space<vmem>>, vector<16xi32>,
      %get3A_486 = arith.constant 16 : index
      %get3A_487 = tpu.vector_load %arg16[%get3A_486] {strides = array<i32>} : memref<80xi32, #tpu.memory_space<vmem>>, vector<16xi32>,
      %get3A_488 = vector.shape_cast %get3A_487 : vector<16xi32> to vector<16xi32>
      %swap3A_489 = arith.constant 16 : index
      %swap3A_490 = tpu.vector_load %arg12[%swap3A_489] {strides = array<i32>} : memref<80xi32, #tpu.memory_space<vmem>>, vector<16xi32>,
      %swap3A_491 = vector.shape_cast %swap3A_490 : vector<16xi32> to vector<16xi32>
      %swap3A_492 = vector.shape_cast %get3A_488 : vector<16xi32> to vector<16xi32>
      tpu.vector_store %arg12[%swap3A_489], %swap3A_492 {strides = array<i32>} : memref<80xi32, #tpu.memory_space<vmem>>, vector<16xi32>,
      %get3A_493 = arith.constant 32 : index
      %get3A_494 = tpu.vector_load %arg16[%get3A_493] {strides = array<i32>} : memref<80xi32, #tpu.memory_space<vmem>>, vector<16xi32>,
      %get3A_495 = vector.shape_cast %get3A_494 : vector<16xi32> to vector<16xi32>
      %swap3A_496 = arith.constant 32 : index
      %swap3A_497 = tpu.vector_load %arg12[%swap3A_496] {strides = array<i32>} : memref<80xi32, #tpu.memory_space<vmem>>, vector<16xi32>,
      %swap3A_498 = vector.shape_cast %swap3A_497 : vector<16xi32> to vector<16xi32>
      %swap3A_499 = vector.shape_cast %get3A_495 : vector<16xi32> to vector<16xi32>
      tpu.vector_store %arg12[%swap3A_496], %swap3A_499 {strides = array<i32>} : memref<80xi32, #tpu.memory_space<vmem>>, vector<16xi32>,
      %get3A_500 = arith.constant 48 : index
      %get3A_501 = tpu.vector_load %arg16[%get3A_500] {strides = array<i32>} : memref<80xi32, #tpu.memory_space<vmem>>, vector<16xi32>,
      %get3A_502 = vector.shape_cast %get3A_501 : vector<16xi32> to vector<16xi32>
      %swap3A_503 = arith.constant 48 : index
      %swap3A_504 = tpu.vector_load %arg12[%swap3A_503] {strides = array<i32>} : memref<80xi32, #tpu.memory_space<vmem>>, vector<16xi32>,
      %swap3A_505 = vector.shape_cast %swap3A_504 : vector<16xi32> to vector<16xi32>
      %swap3A_506 = vector.shape_cast %get3A_502 : vector<16xi32> to vector<16xi32>
      tpu.vector_store %arg12[%swap3A_503], %swap3A_506 {strides = array<i32>} : memref<80xi32, #tpu.memory_space<vmem>>, vector<16xi32>,
      %get3A_507 = arith.constant 64 : index
      %get3A_508 = tpu.vector_load %arg16[%get3A_507] {strides = array<i32>} : memref<80xi32, #tpu.memory_space<vmem>>, vector<16xi32>,
      %get3A_509 = vector.shape_cast %get3A_508 : vector<16xi32> to vector<16xi32>
      %swap3A_510 = arith.constant 64 : index
      %swap3A_511 = tpu.vector_load %arg12[%swap3A_510] {strides = array<i32>} : memref<80xi32, #tpu.memory_space<vmem>>, vector<16xi32>,
      %swap3A_512 = vector.shape_cast %swap3A_511 : vector<16xi32> to vector<16xi32>
      %swap3A_513 = vector.shape_cast %get3A_509 : vector<16xi32> to vector<16xi32>
      tpu.vector_store %arg12[%swap3A_510], %swap3A_513 {strides = array<i32>} : memref<80xi32, #tpu.memory_space<vmem>>, vector<16xi32>,
      %add3A_514 = arith.constant 0 : i32
      %add3A_515 = arith.addi %mul3A_34, %add3A_514 : i32
      %dma_wait3A_516 = tpu.memref_slice %arg3[%add3A_515] : memref<320000xi32, #tpu.memory_space<hbm>> -> memref<80xi32, #tpu.memory_space<hbm>>
      %dma_wait3A_517 = tpu.memref_slice %arg3[%add3A_515] : memref<320000xi32, #tpu.memory_space<hbm>> -> memref<80xi32, #tpu.memory_space<hbm>>
      tpu.wait_dma2 semaphore(%arg38 : memref<!tpu.dma_semaphore, #tpu.memory_space<semaphore_mem>>) src(%dma_wait3A_517 : memref<80xi32, #tpu.memory_space<hbm>>) dst(%arg8 : memref<80xi32, #tpu.memory_space<vmem>>)
      %dma_start3A_518 = arith.constant 0 : i32
      %dma_start3A_519 = arith.constant 0 : i32
      %dma_start3A_520 = tpu.memref_slice %arg2[%dma_start3A_518, %dma_start3A_519] : memref<10000x128xf32, #tpu.memory_space<hbm>> -> memref<10000x128xf32, #tpu.memory_space<hbm>>
      tpu.enqueue_indirect_dma source(%dma_start3A_520 : memref<10000x128xf32, #tpu.memory_space<hbm>>) target(%arg18 : memref<80x128xf32, #tpu.memory_space<vmem>>) offsets(%arg8 : memref<80xi32, #tpu.memory_space<vmem>>) semaphore(%arg26 : memref<!tpu.dma_semaphore, #tpu.memory_space<semaphore_mem>>)
      %dma_start3A_521 = arith.constant 0 : i32
      %dma_start3A_522 = arith.constant 0 : i32
      %dma_start3A_523 = tpu.memref_slice %arg23[%dma_start3A_521, %dma_start3A_522] : memref<10240x128xf32, #tpu.memory_space<vmem_shared>> -> memref<10240x128xf32, #tpu.memory_space<vmem_shared>>
      tpu.enqueue_indirect_dma source(%arg20 : memref<80x128xf32, #tpu.memory_space<vmem>>) target(%dma_start3A_523 : memref<10240x128xf32, #tpu.memory_space<vmem_shared>>) offsets(%arg14 : memref<80xi32, #tpu.memory_space<vmem>>) semaphore(%arg32 : memref<!tpu.dma_semaphore, #tpu.memory_space<semaphore_mem>>) {add = true}
      %dma_start3A_524 = arith.constant 0 : i32
      %dma_start3A_525 = tpu.memref_slice %arg24[%dma_start3A_524] : memref<10240xf32, #tpu.memory_space<vmem_shared>> -> memref<10240xf32, #tpu.memory_space<vmem_shared>>
      tpu.enqueue_indirect_dma source(%arg21 : memref<80xf32, #tpu.memory_space<vmem>>) target(%dma_start3A_525 : memref<10240xf32, #tpu.memory_space<vmem_shared>>) offsets(%arg14 : memref<80xi32, #tpu.memory_space<vmem>>) semaphore(%arg36 : memref<!tpu.dma_semaphore, #tpu.memory_space<semaphore_mem>>) {add = true}
      %add3A_526 = arith.constant 3 : i32
      %add3A_527 = arith.addi %add3A_466, %add3A_526 : i32
      %mul3A_528 = arith.constant 80 : i32
      %mul3A_529 = arith.muli %add3A_527, %mul3A_528 : i32
      %add3A_530 = arith.addi %mul3A_34, %mul3A_529 : i32
      %dma_start3A_531 = tpu.memref_slice %arg4[%add3A_530] : memref<320000xi32, #tpu.memory_space<hbm>> -> memref<80xi32, #tpu.memory_space<hbm>>
      %dma_start3A_532 = tpu.memref_slice %arg4[%add3A_530] : memref<320000xi32, #tpu.memory_space<hbm>> -> memref<80xi32, #tpu.memory_space<hbm>>
      tpu.enqueue_dma source(%dma_start3A_532 : memref<80xi32, #tpu.memory_space<hbm>>) target(%arg15 : memref<80xi32, #tpu.memory_space<vmem>>) target_semaphore(%arg41 : memref<!tpu.dma_semaphore, #tpu.memory_space<semaphore_mem>>)
      %add3A_533 = arith.constant 3 : i32
      %add3A_534 = arith.addi %add3A_466, %add3A_533 : i32
      %mul3A_535 = arith.constant 80 : i32
      %mul3A_536 = arith.muli %add3A_534, %mul3A_535 : i32
      %add3A_537 = arith.addi %mul3A_34, %mul3A_536 : i32
      %dma_start3A_538 = tpu.memref_slice %arg3[%add3A_537] : memref<320000xi32, #tpu.memory_space<hbm>> -> memref<80xi32, #tpu.memory_space<hbm>>
      %dma_start3A_539 = tpu.memref_slice %arg3[%add3A_537] : memref<320000xi32, #tpu.memory_space<hbm>> -> memref<80xi32, #tpu.memory_space<hbm>>
      tpu.enqueue_dma source(%dma_start3A_539 : memref<80xi32, #tpu.memory_space<hbm>>) target(%arg9 : memref<80xi32, #tpu.memory_space<vmem>>) target_semaphore(%arg39 : memref<!tpu.dma_semaphore, #tpu.memory_space<semaphore_mem>>)
      %add3A_540 = arith.constant 2 : i32
      %add3A_541 = arith.addi %add3A_389, %add3A_540 : i32
      %dma_wait3A_542 = arith.constant 0 : i32
      %dma_wait3A_543 = arith.constant 0 : i32
      %dma_wait3A_544 = tpu.memref_slice %arg2[%dma_wait3A_542, %dma_wait3A_543] : memref<10000x128xf32, #tpu.memory_space<hbm>> -> memref<10000x128xf32, #tpu.memory_space<hbm>>
      tpu.wait_indirect_dma semaphore(%arg25 : memref<!tpu.dma_semaphore, #tpu.memory_space<semaphore_mem>>) src(%dma_wait3A_544 : memref<10000x128xf32, #tpu.memory_space<hbm>>) dst(%arg17 : memref<80x128xf32, #tpu.memory_space<vmem>>)
      %dma_wait3A_545 = arith.constant 0 : i32
      %dma_wait3A_546 = arith.constant 0 : i32
      %dma_wait3A_547 = tpu.memref_slice %arg23[%dma_wait3A_545, %dma_wait3A_546] : memref<10240x128xf32, #tpu.memory_space<vmem_shared>> -> memref<10240x128xf32, #tpu.memory_space<vmem_shared>>
      tpu.wait_indirect_dma semaphore(%arg31 : memref<!tpu.dma_semaphore, #tpu.memory_space<semaphore_mem>>) src(%arg19 : memref<80x128xf32, #tpu.memory_space<vmem>>) dst(%dma_wait3A_547 : memref<10240x128xf32, #tpu.memory_space<vmem_shared>>)
      %dma_wait3A_548 = arith.constant 0 : i32
      %dma_wait3A_549 = tpu.memref_slice %arg24[%dma_wait3A_548] : memref<10240xf32, #tpu.memory_space<vmem_shared>> -> memref<10240xf32, #tpu.memory_space<vmem_shared>>
      tpu.wait_indirect_dma semaphore(%arg35 : memref<!tpu.dma_semaphore, #tpu.memory_space<semaphore_mem>>) src(%arg21 : memref<80xf32, #tpu.memory_space<vmem>>) dst(%dma_wait3A_549 : memref<10240xf32, #tpu.memory_space<vmem_shared>>)
      %add3A_550 = arith.constant 0 : i32
      %add3A_551 = arith.addi %mul3A_34, %add3A_550 : i32
      %dma_wait3A_552 = tpu.memref_slice %arg4[%add3A_551] : memref<320000xi32, #tpu.memory_space<hbm>> -> memref<80xi32, #tpu.memory_space<hbm>>
      %dma_wait3A_553 = tpu.memref_slice %arg4[%add3A_551] : memref<320000xi32, #tpu.memory_space<hbm>> -> memref<80xi32, #tpu.memory_space<hbm>>
      tpu.wait_dma2 semaphore(%arg41 : memref<!tpu.dma_semaphore, #tpu.memory_space<semaphore_mem>>) src(%dma_wait3A_553 : memref<80xi32, #tpu.memory_space<hbm>>) dst(%arg15 : memref<80xi32, #tpu.memory_space<vmem>>)
      %get3A_554 = arith.constant 0 : index
      %get3A_555 = tpu.vector_load %arg15[%get3A_554] {strides = array<i32>} : memref<80xi32, #tpu.memory_space<vmem>>, vector<16xi32>,
      %get3A_556 = vector.shape_cast %get3A_555 : vector<16xi32> to vector<16xi32>
      %swap3A_557 = arith.constant 0 : index
      %swap3A_558 = tpu.vector_load %arg13[%swap3A_557] {strides = array<i32>} : memref<80xi32, #tpu.memory_space<vmem>>, vector<16xi32>,
      %swap3A_559 = vector.shape_cast %swap3A_558 : vector<16xi32> to vector<16xi32>
      %swap3A_560 = vector.shape_cast %get3A_556 : vector<16xi32> to vector<16xi32>
      tpu.vector_store %arg13[%swap3A_557], %swap3A_560 {strides = array<i32>} : memref<80xi32, #tpu.memory_space<vmem>>, vector<16xi32>,
      %get3A_561 = arith.constant 16 : index
      %get3A_562 = tpu.vector_load %arg15[%get3A_561] {strides = array<i32>} : memref<80xi32, #tpu.memory_space<vmem>>, vector<16xi32>,
      %get3A_563 = vector.shape_cast %get3A_562 : vector<16xi32> to vector<16xi32>
      %swap3A_564 = arith.constant 16 : index
      %swap3A_565 = tpu.vector_load %arg13[%swap3A_564] {strides = array<i32>} : memref<80xi32, #tpu.memory_space<vmem>>, vector<16xi32>,
      %swap3A_566 = vector.shape_cast %swap3A_565 : vector<16xi32> to vector<16xi32>
      %swap3A_567 = vector.shape_cast %get3A_563 : vector<16xi32> to vector<16xi32>
      tpu.vector_store %arg13[%swap3A_564], %swap3A_567 {strides = array<i32>} : memref<80xi32, #tpu.memory_space<vmem>>, vector<16xi32>,
      %get3A_568 = arith.constant 32 : index
      %get3A_569 = tpu.vector_load %arg15[%get3A_568] {strides = array<i32>} : memref<80xi32, #tpu.memory_space<vmem>>, vector<16xi32>,
      %get3A_570 = vector.shape_cast %get3A_569 : vector<16xi32> to vector<16xi32>
      %swap3A_571 = arith.constant 32 : index
      %swap3A_572 = tpu.vector_load %arg13[%swap3A_571] {strides = array<i32>} : memref<80xi32, #tpu.memory_space<vmem>>, vector<16xi32>,
      %swap3A_573 = vector.shape_cast %swap3A_572 : vector<16xi32> to vector<16xi32>
      %swap3A_574 = vector.shape_cast %get3A_570 : vector<16xi32> to vector<16xi32>
      tpu.vector_store %arg13[%swap3A_571], %swap3A_574 {strides = array<i32>} : memref<80xi32, #tpu.memory_space<vmem>>, vector<16xi32>,
      %get3A_575 = arith.constant 48 : index
      %get3A_576 = tpu.vector_load %arg15[%get3A_575] {strides = array<i32>} : memref<80xi32, #tpu.memory_space<vmem>>, vector<16xi32>,
      %get3A_577 = vector.shape_cast %get3A_576 : vector<16xi32> to vector<16xi32>
      %swap3A_578 = arith.constant 48 : index
      %swap3A_579 = tpu.vector_load %arg13[%swap3A_578] {strides = array<i32>} : memref<80xi32, #tpu.memory_space<vmem>>, vector<16xi32>,
      %swap3A_580 = vector.shape_cast %swap3A_579 : vector<16xi32> to vector<16xi32>
      %swap3A_581 = vector.shape_cast %get3A_577 : vector<16xi32> to vector<16xi32>
      tpu.vector_store %arg13[%swap3A_578], %swap3A_581 {strides = array<i32>} : memref<80xi32, #tpu.memory_space<vmem>>, vector<16xi32>,
      %get3A_582 = arith.constant 64 : index
      %get3A_583 = tpu.vector_load %arg15[%get3A_582] {strides = array<i32>} : memref<80xi32, #tpu.memory_space<vmem>>, vector<16xi32>,
      %get3A_584 = vector.shape_cast %get3A_583 : vector<16xi32> to vector<16xi32>
      %swap3A_585 = arith.constant 64 : index
      %swap3A_586 = tpu.vector_load %arg13[%swap3A_585] {strides = array<i32>} : memref<80xi32, #tpu.memory_space<vmem>>, vector<16xi32>,
      %swap3A_587 = vector.shape_cast %swap3A_586 : vector<16xi32> to vector<16xi32>
      %swap3A_588 = vector.shape_cast %get3A_584 : vector<16xi32> to vector<16xi32>
      tpu.vector_store %arg13[%swap3A_585], %swap3A_588 {strides = array<i32>} : memref<80xi32, #tpu.memory_space<vmem>>, vector<16xi32>,
      %add3A_589 = arith.constant 0 : i32
      %add3A_590 = arith.addi %mul3A_34, %add3A_589 : i32
      %dma_wait3A_591 = tpu.memref_slice %arg3[%add3A_590] : memref<320000xi32, #tpu.memory_space<hbm>> -> memref<80xi32, #tpu.memory_space<hbm>>
      %dma_wait3A_592 = tpu.memref_slice %arg3[%add3A_590] : memref<320000xi32, #tpu.memory_space<hbm>> -> memref<80xi32, #tpu.memory_space<hbm>>
      tpu.wait_dma2 semaphore(%arg39 : memref<!tpu.dma_semaphore, #tpu.memory_space<semaphore_mem>>) src(%dma_wait3A_592 : memref<80xi32, #tpu.memory_space<hbm>>) dst(%arg9 : memref<80xi32, #tpu.memory_space<vmem>>)
      %dma_start3A_593 = arith.constant 0 : i32
      %dma_start3A_594 = arith.constant 0 : i32
      %dma_start3A_595 = tpu.memref_slice %arg2[%dma_start3A_593, %dma_start3A_594] : memref<10000x128xf32, #tpu.memory_space<hbm>> -> memref<10000x128xf32, #tpu.memory_space<hbm>>
      tpu.enqueue_indirect_dma source(%dma_start3A_595 : memref<10000x128xf32, #tpu.memory_space<hbm>>) target(%arg19 : memref<80x128xf32, #tpu.memory_space<vmem>>) offsets(%arg9 : memref<80xi32, #tpu.memory_space<vmem>>) semaphore(%arg27 : memref<!tpu.dma_semaphore, #tpu.memory_space<semaphore_mem>>)
      %dma_start3A_596 = arith.constant 0 : i32
      %dma_start3A_597 = arith.constant 0 : i32
      %dma_start3A_598 = tpu.memref_slice %arg23[%dma_start3A_596, %dma_start3A_597] : memref<10240x128xf32, #tpu.memory_space<vmem_shared>> -> memref<10240x128xf32, #tpu.memory_space<vmem_shared>>
      tpu.enqueue_indirect_dma source(%arg17 : memref<80x128xf32, #tpu.memory_space<vmem>>) target(%dma_start3A_598 : memref<10240x128xf32, #tpu.memory_space<vmem_shared>>) offsets(%arg11 : memref<80xi32, #tpu.memory_space<vmem>>) semaphore(%arg29 : memref<!tpu.dma_semaphore, #tpu.memory_space<semaphore_mem>>) {add = true}
      %dma_start3A_599 = arith.constant 0 : i32
      %dma_start3A_600 = tpu.memref_slice %arg24[%dma_start3A_599] : memref<10240xf32, #tpu.memory_space<vmem_shared>> -> memref<10240xf32, #tpu.memory_space<vmem_shared>>
      tpu.enqueue_indirect_dma source(%arg21 : memref<80xf32, #tpu.memory_space<vmem>>) target(%dma_start3A_600 : memref<10240xf32, #tpu.memory_space<vmem_shared>>) offsets(%arg11 : memref<80xi32, #tpu.memory_space<vmem>>) semaphore(%arg33 : memref<!tpu.dma_semaphore, #tpu.memory_space<semaphore_mem>>) {add = true}
      %add3A_601 = arith.constant 3 : i32
      %add3A_602 = arith.addi %add3A_541, %add3A_601 : i32
      %mul3A_603 = arith.constant 80 : i32
      %mul3A_604 = arith.muli %add3A_602, %mul3A_603 : i32
      %add3A_605 = arith.addi %mul3A_34, %mul3A_604 : i32
      %dma_start3A_606 = tpu.memref_slice %arg4[%add3A_605] : memref<320000xi32, #tpu.memory_space<hbm>> -> memref<80xi32, #tpu.memory_space<hbm>>
      %dma_start3A_607 = tpu.memref_slice %arg4[%add3A_605] : memref<320000xi32, #tpu.memory_space<hbm>> -> memref<80xi32, #tpu.memory_space<hbm>>
      tpu.enqueue_dma source(%dma_start3A_607 : memref<80xi32, #tpu.memory_space<hbm>>) target(%arg16 : memref<80xi32, #tpu.memory_space<vmem>>) target_semaphore(%arg42 : memref<!tpu.dma_semaphore, #tpu.memory_space<semaphore_mem>>)
      %add3A_608 = arith.constant 3 : i32
      %add3A_609 = arith.addi %add3A_541, %add3A_608 : i32
      %mul3A_610 = arith.constant 80 : i32
      %mul3A_611 = arith.muli %add3A_609, %mul3A_610 : i32
      %add3A_612 = arith.addi %mul3A_34, %mul3A_611 : i32
      %dma_start3A_613 = tpu.memref_slice %arg3[%add3A_612] : memref<320000xi32, #tpu.memory_space<hbm>> -> memref<80xi32, #tpu.memory_space<hbm>>
      %dma_start3A_614 = tpu.memref_slice %arg3[%add3A_612] : memref<320000xi32, #tpu.memory_space<hbm>> -> memref<80xi32, #tpu.memory_space<hbm>>
      tpu.enqueue_dma source(%dma_start3A_614 : memref<80xi32, #tpu.memory_space<hbm>>) target(%arg10 : memref<80xi32, #tpu.memory_space<vmem>>) target_semaphore(%arg40 : memref<!tpu.dma_semaphore, #tpu.memory_space<semaphore_mem>>)
      %add3A_615 = arith.constant 3 : i32
      %add3A_616 = arith.addi %add3A_389, %add3A_615 : i32
      %dma_wait3A_617 = arith.constant 0 : i32
      %dma_wait3A_618 = arith.constant 0 : i32
      %dma_wait3A_619 = tpu.memref_slice %arg2[%dma_wait3A_617, %dma_wait3A_618] : memref<10000x128xf32, #tpu.memory_space<hbm>> -> memref<10000x128xf32, #tpu.memory_space<hbm>>
      tpu.wait_indirect_dma semaphore(%arg26 : memref<!tpu.dma_semaphore, #tpu.memory_space<semaphore_mem>>) src(%dma_wait3A_619 : memref<10000x128xf32, #tpu.memory_space<hbm>>) dst(%arg18 : memref<80x128xf32, #tpu.memory_space<vmem>>)
      %dma_wait3A_620 = arith.constant 0 : i32
      %dma_wait3A_621 = arith.constant 0 : i32
      %dma_wait3A_622 = tpu.memref_slice %arg23[%dma_wait3A_620, %dma_wait3A_621] : memref<10240x128xf32, #tpu.memory_space<vmem_shared>> -> memref<10240x128xf32, #tpu.memory_space<vmem_shared>>
      tpu.wait_indirect_dma semaphore(%arg32 : memref<!tpu.dma_semaphore, #tpu.memory_space<semaphore_mem>>) src(%arg20 : memref<80x128xf32, #tpu.memory_space<vmem>>) dst(%dma_wait3A_622 : memref<10240x128xf32, #tpu.memory_space<vmem_shared>>)
      %dma_wait3A_623 = arith.constant 0 : i32
      %dma_wait3A_624 = tpu.memref_slice %arg24[%dma_wait3A_623] : memref<10240xf32, #tpu.memory_space<vmem_shared>> -> memref<10240xf32, #tpu.memory_space<vmem_shared>>
      tpu.wait_indirect_dma semaphore(%arg36 : memref<!tpu.dma_semaphore, #tpu.memory_space<semaphore_mem>>) src(%arg21 : memref<80xf32, #tpu.memory_space<vmem>>) dst(%dma_wait3A_624 : memref<10240xf32, #tpu.memory_space<vmem_shared>>)
      %add3A_625 = arith.constant 0 : i32
      %add3A_626 = arith.addi %mul3A_34, %add3A_625 : i32
      %dma_wait3A_627 = tpu.memref_slice %arg4[%add3A_626] : memref<320000xi32, #tpu.memory_space<hbm>> -> memref<80xi32, #tpu.memory_space<hbm>>
      %dma_wait3A_628 = tpu.memref_slice %arg4[%add3A_626] : memref<320000xi32, #tpu.memory_space<hbm>> -> memref<80xi32, #tpu.memory_space<hbm>>
      tpu.wait_dma2 semaphore(%arg42 : memref<!tpu.dma_semaphore, #tpu.memory_space<semaphore_mem>>) src(%dma_wait3A_628 : memref<80xi32, #tpu.memory_space<hbm>>) dst(%arg16 : memref<80xi32, #tpu.memory_space<vmem>>)
      %get3A_629 = arith.constant 0 : index
      %get3A_630 = tpu.vector_load %arg16[%get3A_629] {strides = array<i32>} : memref<80xi32, #tpu.memory_space<vmem>>, vector<16xi32>,
      %get3A_631 = vector.shape_cast %get3A_630 : vector<16xi32> to vector<16xi32>
      %swap3A_632 = arith.constant 0 : index
      %swap3A_633 = tpu.vector_load %arg14[%swap3A_632] {strides = array<i32>} : memref<80xi32, #tpu.memory_space<vmem>>, vector<16xi32>,
      %swap3A_634 = vector.shape_cast %swap3A_633 : vector<16xi32> to vector<16xi32>
      %swap3A_635 = vector.shape_cast %get3A_631 : vector<16xi32> to vector<16xi32>
      tpu.vector_store %arg14[%swap3A_632], %swap3A_635 {strides = array<i32>} : memref<80xi32, #tpu.memory_space<vmem>>, vector<16xi32>,
      %get3A_636 = arith.constant 16 : index
      %get3A_637 = tpu.vector_load %arg16[%get3A_636] {strides = array<i32>} : memref<80xi32, #tpu.memory_space<vmem>>, vector<16xi32>,
      %get3A_638 = vector.shape_cast %get3A_637 : vector<16xi32> to vector<16xi32>
      %swap3A_639 = arith.constant 16 : index
      %swap3A_640 = tpu.vector_load %arg14[%swap3A_639] {strides = array<i32>} : memref<80xi32, #tpu.memory_space<vmem>>, vector<16xi32>,
      %swap3A_641 = vector.shape_cast %swap3A_640 : vector<16xi32> to vector<16xi32>
      %swap3A_642 = vector.shape_cast %get3A_638 : vector<16xi32> to vector<16xi32>
      tpu.vector_store %arg14[%swap3A_639], %swap3A_642 {strides = array<i32>} : memref<80xi32, #tpu.memory_space<vmem>>, vector<16xi32>,
      %get3A_643 = arith.constant 32 : index
      %get3A_644 = tpu.vector_load %arg16[%get3A_643] {strides = array<i32>} : memref<80xi32, #tpu.memory_space<vmem>>, vector<16xi32>,
      %get3A_645 = vector.shape_cast %get3A_644 : vector<16xi32> to vector<16xi32>
      %swap3A_646 = arith.constant 32 : index
      %swap3A_647 = tpu.vector_load %arg14[%swap3A_646] {strides = array<i32>} : memref<80xi32, #tpu.memory_space<vmem>>, vector<16xi32>,
      %swap3A_648 = vector.shape_cast %swap3A_647 : vector<16xi32> to vector<16xi32>
      %swap3A_649 = vector.shape_cast %get3A_645 : vector<16xi32> to vector<16xi32>
      tpu.vector_store %arg14[%swap3A_646], %swap3A_649 {strides = array<i32>} : memref<80xi32, #tpu.memory_space<vmem>>, vector<16xi32>,
      %get3A_650 = arith.constant 48 : index
      %get3A_651 = tpu.vector_load %arg16[%get3A_650] {strides = array<i32>} : memref<80xi32, #tpu.memory_space<vmem>>, vector<16xi32>,
      %get3A_652 = vector.shape_cast %get3A_651 : vector<16xi32> to vector<16xi32>
      %swap3A_653 = arith.constant 48 : index
      %swap3A_654 = tpu.vector_load %arg14[%swap3A_653] {strides = array<i32>} : memref<80xi32, #tpu.memory_space<vmem>>, vector<16xi32>,
      %swap3A_655 = vector.shape_cast %swap3A_654 : vector<16xi32> to vector<16xi32>
      %swap3A_656 = vector.shape_cast %get3A_652 : vector<16xi32> to vector<16xi32>
      tpu.vector_store %arg14[%swap3A_653], %swap3A_656 {strides = array<i32>} : memref<80xi32, #tpu.memory_space<vmem>>, vector<16xi32>,
      %get3A_657 = arith.constant 64 : index
      %get3A_658 = tpu.vector_load %arg16[%get3A_657] {strides = array<i32>} : memref<80xi32, #tpu.memory_space<vmem>>, vector<16xi32>,
      %get3A_659 = vector.shape_cast %get3A_658 : vector<16xi32> to vector<16xi32>
      %swap3A_660 = arith.constant 64 : index
      %swap3A_661 = tpu.vector_load %arg14[%swap3A_660] {strides = array<i32>} : memref<80xi32, #tpu.memory_space<vmem>>, vector<16xi32>,
      %swap3A_662 = vector.shape_cast %swap3A_661 : vector<16xi32> to vector<16xi32>
      %swap3A_663 = vector.shape_cast %get3A_659 : vector<16xi32> to vector<16xi32>
      tpu.vector_store %arg14[%swap3A_660], %swap3A_663 {strides = array<i32>} : memref<80xi32, #tpu.memory_space<vmem>>, vector<16xi32>,
      %add3A_664 = arith.constant 0 : i32
      %add3A_665 = arith.addi %mul3A_34, %add3A_664 : i32
      %dma_wait3A_666 = tpu.memref_slice %arg3[%add3A_665] : memref<320000xi32, #tpu.memory_space<hbm>> -> memref<80xi32, #tpu.memory_space<hbm>>
      %dma_wait3A_667 = tpu.memref_slice %arg3[%add3A_665] : memref<320000xi32, #tpu.memory_space<hbm>> -> memref<80xi32, #tpu.memory_space<hbm>>
      tpu.wait_dma2 semaphore(%arg40 : memref<!tpu.dma_semaphore, #tpu.memory_space<semaphore_mem>>) src(%dma_wait3A_667 : memref<80xi32, #tpu.memory_space<hbm>>) dst(%arg10 : memref<80xi32, #tpu.memory_space<vmem>>)
      %dma_start3A_668 = arith.constant 0 : i32
      %dma_start3A_669 = arith.constant 0 : i32
      %dma_start3A_670 = tpu.memref_slice %arg2[%dma_start3A_668, %dma_start3A_669] : memref<10000x128xf32, #tpu.memory_space<hbm>> -> memref<10000x128xf32, #tpu.memory_space<hbm>>
      tpu.enqueue_indirect_dma source(%dma_start3A_670 : memref<10000x128xf32, #tpu.memory_space<hbm>>) target(%arg20 : memref<80x128xf32, #tpu.memory_space<vmem>>) offsets(%arg10 : memref<80xi32, #tpu.memory_space<vmem>>) semaphore(%arg28 : memref<!tpu.dma_semaphore, #tpu.memory_space<semaphore_mem>>)
      %dma_start3A_671 = arith.constant 0 : i32
      %dma_start3A_672 = arith.constant 0 : i32
      %dma_start3A_673 = tpu.memref_slice %arg23[%dma_start3A_671, %dma_start3A_672] : memref<10240x128xf32, #tpu.memory_space<vmem_shared>> -> memref<10240x128xf32, #tpu.memory_space<vmem_shared>>
      tpu.enqueue_indirect_dma source(%arg18 : memref<80x128xf32, #tpu.memory_space<vmem>>) target(%dma_start3A_673 : memref<10240x128xf32, #tpu.memory_space<vmem_shared>>) offsets(%arg12 : memref<80xi32, #tpu.memory_space<vmem>>) semaphore(%arg30 : memref<!tpu.dma_semaphore, #tpu.memory_space<semaphore_mem>>) {add = true}
      %dma_start3A_674 = arith.constant 0 : i32
      %dma_start3A_675 = tpu.memref_slice %arg24[%dma_start3A_674] : memref<10240xf32, #tpu.memory_space<vmem_shared>> -> memref<10240xf32, #tpu.memory_space<vmem_shared>>
      tpu.enqueue_indirect_dma source(%arg21 : memref<80xf32, #tpu.memory_space<vmem>>) target(%dma_start3A_675 : memref<10240xf32, #tpu.memory_space<vmem_shared>>) offsets(%arg12 : memref<80xi32, #tpu.memory_space<vmem>>) semaphore(%arg34 : memref<!tpu.dma_semaphore, #tpu.memory_space<semaphore_mem>>) {add = true}
      %add3A_676 = arith.constant 3 : i32
      %add3A_677 = arith.addi %add3A_616, %add3A_676 : i32
      %mul3A_678 = arith.constant 80 : i32
      %mul3A_679 = arith.muli %add3A_677, %mul3A_678 : i32
      %add3A_680 = arith.addi %mul3A_34, %mul3A_679 : i32
      %dma_start3A_681 = tpu.memref_slice %arg4[%add3A_680] : memref<320000xi32, #tpu.memory_space<hbm>> -> memref<80xi32, #tpu.memory_space<hbm>>
      %dma_start3A_682 = tpu.memref_slice %arg4[%add3A_680] : memref<320000xi32, #tpu.memory_space<hbm>> -> memref<80xi32, #tpu.memory_space<hbm>>
      tpu.enqueue_dma source(%dma_start3A_682 : memref<80xi32, #tpu.memory_space<hbm>>) target(%arg15 : memref<80xi32, #tpu.memory_space<vmem>>) target_semaphore(%arg41 : memref<!tpu.dma_semaphore, #tpu.memory_space<semaphore_mem>>)
      %add3A_683 = arith.constant 3 : i32
      %add3A_684 = arith.addi %add3A_616, %add3A_683 : i32
      %mul3A_685 = arith.constant 80 : i32
      %mul3A_686 = arith.muli %add3A_684, %mul3A_685 : i32
      %add3A_687 = arith.addi %mul3A_34, %mul3A_686 : i32
      %dma_start3A_688 = tpu.memref_slice %arg3[%add3A_687] : memref<320000xi32, #tpu.memory_space<hbm>> -> memref<80xi32, #tpu.memory_space<hbm>>
      %dma_start3A_689 = tpu.memref_slice %arg3[%add3A_687] : memref<320000xi32, #tpu.memory_space<hbm>> -> memref<80xi32, #tpu.memory_space<hbm>>
      tpu.enqueue_dma source(%dma_start3A_689 : memref<80xi32, #tpu.memory_space<hbm>>) target(%arg7 : memref<80xi32, #tpu.memory_space<vmem>>) target_semaphore(%arg37 : memref<!tpu.dma_semaphore, #tpu.memory_space<semaphore_mem>>)
    }
    %scan3A_181 = arith.constant 30 : i32
    %dma_wait3A_182 = arith.constant 0 : i32
    %dma_wait3A_183 = arith.constant 0 : i32
    %dma_wait3A_184 = tpu.memref_slice %arg2[%dma_wait3A_182, %dma_wait3A_183] : memref<10000x128xf32, #tpu.memory_space<hbm>> -> memref<10000x128xf32, #tpu.memory_space<hbm>>
    tpu.wait_indirect_dma semaphore(%arg27 : memref<!tpu.dma_semaphore, #tpu.memory_space<semaphore_mem>>) src(%dma_wait3A_184 : memref<10000x128xf32, #tpu.memory_space<hbm>>) dst(%arg19 : memref<80x128xf32, #tpu.memory_space<vmem>>)
    %dma_wait3A_185 = arith.constant 0 : i32
    %dma_wait3A_186 = arith.constant 0 : i32
    %dma_wait3A_187 = tpu.memref_slice %arg23[%dma_wait3A_185, %dma_wait3A_186] : memref<10240x128xf32, #tpu.memory_space<vmem_shared>> -> memref<10240x128xf32, #tpu.memory_space<vmem_shared>>
    tpu.wait_indirect_dma semaphore(%arg29 : memref<!tpu.dma_semaphore, #tpu.memory_space<semaphore_mem>>) src(%arg17 : memref<80x128xf32, #tpu.memory_space<vmem>>) dst(%dma_wait3A_187 : memref<10240x128xf32, #tpu.memory_space<vmem_shared>>)
    %dma_wait3A_188 = arith.constant 0 : i32
    %dma_wait3A_189 = tpu.memref_slice %arg24[%dma_wait3A_188] : memref<10240xf32, #tpu.memory_space<vmem_shared>> -> memref<10240xf32, #tpu.memory_space<vmem_shared>>
    tpu.wait_indirect_dma semaphore(%arg33 : memref<!tpu.dma_semaphore, #tpu.memory_space<semaphore_mem>>) src(%arg21 : memref<80xf32, #tpu.memory_space<vmem>>) dst(%dma_wait3A_189 : memref<10240xf32, #tpu.memory_space<vmem_shared>>)
    %add3A_190 = arith.constant 0 : i32
    %add3A_191 = arith.addi %mul3A_34, %add3A_190 : i32
    %dma_wait3A_192 = tpu.memref_slice %arg4[%add3A_191] : memref<320000xi32, #tpu.memory_space<hbm>> -> memref<80xi32, #tpu.memory_space<hbm>>
    %dma_wait3A_193 = tpu.memref_slice %arg4[%add3A_191] : memref<320000xi32, #tpu.memory_space<hbm>> -> memref<80xi32, #tpu.memory_space<hbm>>
    tpu.wait_dma2 semaphore(%arg41 : memref<!tpu.dma_semaphore, #tpu.memory_space<semaphore_mem>>) src(%dma_wait3A_193 : memref<80xi32, #tpu.memory_space<hbm>>) dst(%arg15 : memref<80xi32, #tpu.memory_space<vmem>>)
    %get3A_194 = arith.constant 0 : index
    %get3A_195 = tpu.vector_load %arg15[%get3A_194] {strides = array<i32>} : memref<80xi32, #tpu.memory_space<vmem>>, vector<16xi32>,
    %get3A_196 = vector.shape_cast %get3A_195 : vector<16xi32> to vector<16xi32>
    %swap3A_197 = arith.constant 0 : index
    %swap3A_198 = tpu.vector_load %arg11[%swap3A_197] {strides = array<i32>} : memref<80xi32, #tpu.memory_space<vmem>>, vector<16xi32>,
    %swap3A_199 = vector.shape_cast %swap3A_198 : vector<16xi32> to vector<16xi32>
    %swap3A_200 = vector.shape_cast %get3A_196 : vector<16xi32> to vector<16xi32>
    tpu.vector_store %arg11[%swap3A_197], %swap3A_200 {strides = array<i32>} : memref<80xi32, #tpu.memory_space<vmem>>, vector<16xi32>,
    %get3A_201 = arith.constant 16 : index
    %get3A_202 = tpu.vector_load %arg15[%get3A_201] {strides = array<i32>} : memref<80xi32, #tpu.memory_space<vmem>>, vector<16xi32>,
    %get3A_203 = vector.shape_cast %get3A_202 : vector<16xi32> to vector<16xi32>
    %swap3A_204 = arith.constant 16 : index
    %swap3A_205 = tpu.vector_load %arg11[%swap3A_204] {strides = array<i32>} : memref<80xi32, #tpu.memory_space<vmem>>, vector<16xi32>,
    %swap3A_206 = vector.shape_cast %swap3A_205 : vector<16xi32> to vector<16xi32>
    %swap3A_207 = vector.shape_cast %get3A_203 : vector<16xi32> to vector<16xi32>
    tpu.vector_store %arg11[%swap3A_204], %swap3A_207 {strides = array<i32>} : memref<80xi32, #tpu.memory_space<vmem>>, vector<16xi32>,
    %get3A_208 = arith.constant 32 : index
    %get3A_209 = tpu.vector_load %arg15[%get3A_208] {strides = array<i32>} : memref<80xi32, #tpu.memory_space<vmem>>, vector<16xi32>,
    %get3A_210 = vector.shape_cast %get3A_209 : vector<16xi32> to vector<16xi32>
    %swap3A_211 = arith.constant 32 : index
    %swap3A_212 = tpu.vector_load %arg11[%swap3A_211] {strides = array<i32>} : memref<80xi32, #tpu.memory_space<vmem>>, vector<16xi32>,
    %swap3A_213 = vector.shape_cast %swap3A_212 : vector<16xi32> to vector<16xi32>
    %swap3A_214 = vector.shape_cast %get3A_210 : vector<16xi32> to vector<16xi32>
    tpu.vector_store %arg11[%swap3A_211], %swap3A_214 {strides = array<i32>} : memref<80xi32, #tpu.memory_space<vmem>>, vector<16xi32>,
    %get3A_215 = arith.constant 48 : index
    %get3A_216 = tpu.vector_load %arg15[%get3A_215] {strides = array<i32>} : memref<80xi32, #tpu.memory_space<vmem>>, vector<16xi32>,
    %get3A_217 = vector.shape_cast %get3A_216 : vector<16xi32> to vector<16xi32>
    %swap3A_218 = arith.constant 48 : index
    %swap3A_219 = tpu.vector_load %arg11[%swap3A_218] {strides = array<i32>} : memref<80xi32, #tpu.memory_space<vmem>>, vector<16xi32>,
    %swap3A_220 = vector.shape_cast %swap3A_219 : vector<16xi32> to vector<16xi32>
    %swap3A_221 = vector.shape_cast %get3A_217 : vector<16xi32> to vector<16xi32>
    tpu.vector_store %arg11[%swap3A_218], %swap3A_221 {strides = array<i32>} : memref<80xi32, #tpu.memory_space<vmem>>, vector<16xi32>,
    %get3A_222 = arith.constant 64 : index
    %get3A_223 = tpu.vector_load %arg15[%get3A_222] {strides = array<i32>} : memref<80xi32, #tpu.memory_space<vmem>>, vector<16xi32>,
    %get3A_224 = vector.shape_cast %get3A_223 : vector<16xi32> to vector<16xi32>
    %swap3A_225 = arith.constant 64 : index
    %swap3A_226 = tpu.vector_load %arg11[%swap3A_225] {strides = array<i32>} : memref<80xi32, #tpu.memory_space<vmem>>, vector<16xi32>,
    %swap3A_227 = vector.shape_cast %swap3A_226 : vector<16xi32> to vector<16xi32>
    %swap3A_228 = vector.shape_cast %get3A_224 : vector<16xi32> to vector<16xi32>
    tpu.vector_store %arg11[%swap3A_225], %swap3A_228 {strides = array<i32>} : memref<80xi32, #tpu.memory_space<vmem>>, vector<16xi32>,
    %add3A_229 = arith.constant 0 : i32
    %add3A_230 = arith.addi %mul3A_34, %add3A_229 : i32
    %dma_wait3A_231 = tpu.memref_slice %arg3[%add3A_230] : memref<320000xi32, #tpu.memory_space<hbm>> -> memref<80xi32, #tpu.memory_space<hbm>>
    %dma_wait3A_232 = tpu.memref_slice %arg3[%add3A_230] : memref<320000xi32, #tpu.memory_space<hbm>> -> memref<80xi32, #tpu.memory_space<hbm>>
    tpu.wait_dma2 semaphore(%arg37 : memref<!tpu.dma_semaphore, #tpu.memory_space<semaphore_mem>>) src(%dma_wait3A_232 : memref<80xi32, #tpu.memory_space<hbm>>) dst(%arg7 : memref<80xi32, #tpu.memory_space<vmem>>)
    %dma_start3A_233 = arith.constant 0 : i32
    %dma_start3A_234 = arith.constant 0 : i32
    %dma_start3A_235 = tpu.memref_slice %arg2[%dma_start3A_233, %dma_start3A_234] : memref<10000x128xf32, #tpu.memory_space<hbm>> -> memref<10000x128xf32, #tpu.memory_space<hbm>>
    tpu.enqueue_indirect_dma source(%dma_start3A_235 : memref<10000x128xf32, #tpu.memory_space<hbm>>) target(%arg17 : memref<80x128xf32, #tpu.memory_space<vmem>>) offsets(%arg7 : memref<80xi32, #tpu.memory_space<vmem>>) semaphore(%arg25 : memref<!tpu.dma_semaphore, #tpu.memory_space<semaphore_mem>>)
    %dma_start3A_236 = arith.constant 0 : i32
    %dma_start3A_237 = arith.constant 0 : i32
    %dma_start3A_238 = tpu.memref_slice %arg23[%dma_start3A_236, %dma_start3A_237] : memref<10240x128xf32, #tpu.memory_space<vmem_shared>> -> memref<10240x128xf32, #tpu.memory_space<vmem_shared>>
    tpu.enqueue_indirect_dma source(%arg19 : memref<80x128xf32, #tpu.memory_space<vmem>>) target(%dma_start3A_238 : memref<10240x128xf32, #tpu.memory_space<vmem_shared>>) offsets(%arg13 : memref<80xi32, #tpu.memory_space<vmem>>) semaphore(%arg31 : memref<!tpu.dma_semaphore, #tpu.memory_space<semaphore_mem>>) {add = true}
    %dma_start3A_239 = arith.constant 0 : i32
    %dma_start3A_240 = tpu.memref_slice %arg24[%dma_start3A_239] : memref<10240xf32, #tpu.memory_space<vmem_shared>> -> memref<10240xf32, #tpu.memory_space<vmem_shared>>
    tpu.enqueue_indirect_dma source(%arg21 : memref<80xf32, #tpu.memory_space<vmem>>) target(%dma_start3A_240 : memref<10240xf32, #tpu.memory_space<vmem_shared>>) offsets(%arg13 : memref<80xi32, #tpu.memory_space<vmem>>) semaphore(%arg35 : memref<!tpu.dma_semaphore, #tpu.memory_space<semaphore_mem>>) {add = true}
    %dma_wait3A_241 = arith.constant 0 : i32
    %dma_wait3A_242 = arith.constant 0 : i32
    %dma_wait3A_243 = tpu.memref_slice %arg2[%dma_wait3A_241, %dma_wait3A_242] : memref<10000x128xf32, #tpu.memory_space<hbm>> -> memref<10000x128xf32, #tpu.memory_space<hbm>>
    tpu.wait_indirect_dma semaphore(%arg28 : memref<!tpu.dma_semaphore, #tpu.memory_space<semaphore_mem>>) src(%dma_wait3A_243 : memref<10000x128xf32, #tpu.memory_space<hbm>>) dst(%arg20 : memref<80x128xf32, #tpu.memory_space<vmem>>)
    %dma_wait3A_244 = arith.constant 0 : i32
    %dma_wait3A_245 = arith.constant 0 : i32
    %dma_wait3A_246 = tpu.memref_slice %arg23[%dma_wait3A_244, %dma_wait3A_245] : memref<10240x128xf32, #tpu.memory_space<vmem_shared>> -> memref<10240x128xf32, #tpu.memory_space<vmem_shared>>
    tpu.wait_indirect_dma semaphore(%arg30 : memref<!tpu.dma_semaphore, #tpu.memory_space<semaphore_mem>>) src(%arg18 : memref<80x128xf32, #tpu.memory_space<vmem>>) dst(%dma_wait3A_246 : memref<10240x128xf32, #tpu.memory_space<vmem_shared>>)
    %dma_wait3A_247 = arith.constant 0 : i32
    %dma_wait3A_248 = tpu.memref_slice %arg24[%dma_wait3A_247] : memref<10240xf32, #tpu.memory_space<vmem_shared>> -> memref<10240xf32, #tpu.memory_space<vmem_shared>>
    tpu.wait_indirect_dma semaphore(%arg34 : memref<!tpu.dma_semaphore, #tpu.memory_space<semaphore_mem>>) src(%arg21 : memref<80xf32, #tpu.memory_space<vmem>>) dst(%dma_wait3A_248 : memref<10240xf32, #tpu.memory_space<vmem_shared>>)
    %dma_start3A_249 = arith.constant 0 : i32
    %dma_start3A_250 = arith.constant 0 : i32
    %dma_start3A_251 = tpu.memref_slice %arg23[%dma_start3A_249, %dma_start3A_250] : memref<10240x128xf32, #tpu.memory_space<vmem_shared>> -> memref<10240x128xf32, #tpu.memory_space<vmem_shared>>
    tpu.enqueue_indirect_dma source(%arg20 : memref<80x128xf32, #tpu.memory_space<vmem>>) target(%dma_start3A_251 : memref<10240x128xf32, #tpu.memory_space<vmem_shared>>) offsets(%arg14 : memref<80xi32, #tpu.memory_space<vmem>>) semaphore(%arg32 : memref<!tpu.dma_semaphore, #tpu.memory_space<semaphore_mem>>) {add = true}
    %dma_start3A_252 = arith.constant 0 : i32
    %dma_start3A_253 = tpu.memref_slice %arg24[%dma_start3A_252] : memref<10240xf32, #tpu.memory_space<vmem_shared>> -> memref<10240xf32, #tpu.memory_space<vmem_shared>>
    tpu.enqueue_indirect_dma source(%arg21 : memref<80xf32, #tpu.memory_space<vmem>>) target(%dma_start3A_253 : memref<10240xf32, #tpu.memory_space<vmem_shared>>) offsets(%arg14 : memref<80xi32, #tpu.memory_space<vmem>>) semaphore(%arg36 : memref<!tpu.dma_semaphore, #tpu.memory_space<semaphore_mem>>) {add = true}
    %dma_wait3A_254 = arith.constant 0 : i32
    %dma_wait3A_255 = arith.constant 0 : i32
    %dma_wait3A_256 = tpu.memref_slice %arg2[%dma_wait3A_254, %dma_wait3A_255] : memref<10000x128xf32, #tpu.memory_space<hbm>> -> memref<10000x128xf32, #tpu.memory_space<hbm>>
    tpu.wait_indirect_dma semaphore(%arg25 : memref<!tpu.dma_semaphore, #tpu.memory_space<semaphore_mem>>) src(%dma_wait3A_256 : memref<10000x128xf32, #tpu.memory_space<hbm>>) dst(%arg17 : memref<80x128xf32, #tpu.memory_space<vmem>>)
    %dma_wait3A_257 = arith.constant 0 : i32
    %dma_wait3A_258 = arith.constant 0 : i32
    %dma_wait3A_259 = tpu.memref_slice %arg23[%dma_wait3A_257, %dma_wait3A_258] : memref<10240x128xf32, #tpu.memory_space<vmem_shared>> -> memref<10240x128xf32, #tpu.memory_space<vmem_shared>>
    tpu.wait_indirect_dma semaphore(%arg31 : memref<!tpu.dma_semaphore, #tpu.memory_space<semaphore_mem>>) src(%arg19 : memref<80x128xf32, #tpu.memory_space<vmem>>) dst(%dma_wait3A_259 : memref<10240x128xf32, #tpu.memory_space<vmem_shared>>)
    %dma_wait3A_260 = arith.constant 0 : i32
    %dma_wait3A_261 = tpu.memref_slice %arg24[%dma_wait3A_260] : memref<10240xf32, #tpu.memory_space<vmem_shared>> -> memref<10240xf32, #tpu.memory_space<vmem_shared>>
    tpu.wait_indirect_dma semaphore(%arg35 : memref<!tpu.dma_semaphore, #tpu.memory_space<semaphore_mem>>) src(%arg21 : memref<80xf32, #tpu.memory_space<vmem>>) dst(%dma_wait3A_261 : memref<10240xf32, #tpu.memory_space<vmem_shared>>)
    %dma_start3A_262 = arith.constant 0 : i32
    %dma_start3A_263 = arith.constant 0 : i32
    %dma_start3A_264 = tpu.memref_slice %arg23[%dma_start3A_262, %dma_start3A_263] : memref<10240x128xf32, #tpu.memory_space<vmem_shared>> -> memref<10240x128xf32, #tpu.memory_space<vmem_shared>>
    tpu.enqueue_indirect_dma source(%arg17 : memref<80x128xf32, #tpu.memory_space<vmem>>) target(%dma_start3A_264 : memref<10240x128xf32, #tpu.memory_space<vmem_shared>>) offsets(%arg11 : memref<80xi32, #tpu.memory_space<vmem>>) semaphore(%arg29 : memref<!tpu.dma_semaphore, #tpu.memory_space<semaphore_mem>>) {add = true}
    %dma_start3A_265 = arith.constant 0 : i32
    %dma_start3A_266 = tpu.memref_slice %arg24[%dma_start3A_265] : memref<10240xf32, #tpu.memory_space<vmem_shared>> -> memref<10240xf32, #tpu.memory_space<vmem_shared>>
    tpu.enqueue_indirect_dma source(%arg21 : memref<80xf32, #tpu.memory_space<vmem>>) target(%dma_start3A_266 : memref<10240xf32, #tpu.memory_space<vmem_shared>>) offsets(%arg11 : memref<80xi32, #tpu.memory_space<vmem>>) semaphore(%arg33 : memref<!tpu.dma_semaphore, #tpu.memory_space<semaphore_mem>>) {add = true}
    %dma_wait3A_267 = arith.constant 0 : i32
    %dma_wait3A_268 = arith.constant 0 : i32
    %dma_wait3A_269 = tpu.memref_slice %arg23[%dma_wait3A_267, %dma_wait3A_268] : memref<10240x128xf32, #tpu.memory_space<vmem_shared>> -> memref<10240x128xf32, #tpu.memory_space<vmem_shared>>
    tpu.wait_indirect_dma semaphore(%arg32 : memref<!tpu.dma_semaphore, #tpu.memory_space<semaphore_mem>>) src(%arg20 : memref<80x128xf32, #tpu.memory_space<vmem>>) dst(%dma_wait3A_269 : memref<10240x128xf32, #tpu.memory_space<vmem_shared>>)
    %dma_wait3A_270 = arith.constant 0 : i32
    %dma_wait3A_271 = tpu.memref_slice %arg24[%dma_wait3A_270] : memref<10240xf32, #tpu.memory_space<vmem_shared>> -> memref<10240xf32, #tpu.memory_space<vmem_shared>>
    tpu.wait_indirect_dma semaphore(%arg36 : memref<!tpu.dma_semaphore, #tpu.memory_space<semaphore_mem>>) src(%arg21 : memref<80xf32, #tpu.memory_space<vmem>>) dst(%dma_wait3A_271 : memref<10240xf32, #tpu.memory_space<vmem_shared>>)
    %dma_wait3A_272 = arith.constant 0 : i32
    %dma_wait3A_273 = arith.constant 0 : i32
    %dma_wait3A_274 = tpu.memref_slice %arg23[%dma_wait3A_272, %dma_wait3A_273] : memref<10240x128xf32, #tpu.memory_space<vmem_shared>> -> memref<10240x128xf32, #tpu.memory_space<vmem_shared>>
    tpu.wait_indirect_dma semaphore(%arg29 : memref<!tpu.dma_semaphore, #tpu.memory_space<semaphore_mem>>) src(%arg17 : memref<80x128xf32, #tpu.memory_space<vmem>>) dst(%dma_wait3A_274 : memref<10240x128xf32, #tpu.memory_space<vmem_shared>>)
    %dma_wait3A_275 = arith.constant 0 : i32
    %dma_wait3A_276 = tpu.memref_slice %arg24[%dma_wait3A_275] : memref<10240xf32, #tpu.memory_space<vmem_shared>> -> memref<10240xf32, #tpu.memory_space<vmem_shared>>
    tpu.wait_indirect_dma semaphore(%arg33 : memref<!tpu.dma_semaphore, #tpu.memory_space<semaphore_mem>>) src(%arg21 : memref<80xf32, #tpu.memory_space<vmem>>) dst(%dma_wait3A_276 : memref<10240xf32, #tpu.memory_space<vmem_shared>>)
    %barrier3A_277 = arith.constant 0 : index
    tpu.barrier barrier_id(%barrier3A_277)
    %add3A_278 = arith.constant 0 : i32
    %add3A_279 = arith.addi %mul3A_0, %add3A_278 : i32
    "tpu.region"() ({
      %run_scoped3A = tpu.sem_alloc : memref<!tpu.dma_semaphore, #tpu.memory_space<semaphore_mem>>
      %dma_start3A_381 = arith.constant 0 : i32
      %dma_start3A_382 = tpu.memref_slice %arg23[%add3A_279, %dma_start3A_381] : memref<10240x128xf32, #tpu.memory_space<vmem_shared>> -> memref<80x128xf32, #tpu.memory_space<vmem_shared>>
      %dma_start3A_383 = arith.constant 0 : i32
      %dma_start3A_384 = tpu.memref_slice %arg23[%add3A_279, %dma_start3A_383] : memref<10240x128xf32, #tpu.memory_space<vmem_shared>> -> memref<80x128xf32, #tpu.memory_space<vmem_shared>>
      tpu.enqueue_dma source(%dma_start3A_384 : memref<80x128xf32, #tpu.memory_space<vmem_shared>>) target(%arg17 : memref<80x128xf32, #tpu.memory_space<vmem>>) target_semaphore(%run_scoped3A : memref<!tpu.dma_semaphore, #tpu.memory_space<semaphore_mem>>)
      %dma_wait3A_385 = arith.constant 0 : i32
      %dma_wait3A_386 = tpu.memref_slice %arg23[%add3A_279, %dma_wait3A_385] : memref<10240x128xf32, #tpu.memory_space<vmem_shared>> -> memref<80x128xf32, #tpu.memory_space<vmem_shared>>
      %dma_wait3A_387 = arith.constant 0 : i32
      %dma_wait3A_388 = tpu.memref_slice %arg23[%add3A_279, %dma_wait3A_387] : memref<10240x128xf32, #tpu.memory_space<vmem_shared>> -> memref<80x128xf32, #tpu.memory_space<vmem_shared>>
      tpu.wait_dma2 semaphore(%run_scoped3A : memref<!tpu.dma_semaphore, #tpu.memory_space<semaphore_mem>>) src(%dma_wait3A_388 : memref<80x128xf32, #tpu.memory_space<vmem_shared>>) dst(%arg17 : memref<80x128xf32, #tpu.memory_space<vmem>>)
      tpu.yield
    }) : () -> ()
    %eq3A = arith.constant 0 : i32
    %eq3A_280 = arith.cmpi eq, %arg0, %eq3A : i32
    %convert_element_type3A = arith.extui %eq3A_280 : i1 to i32
    %cond3A = arith.constant 0 : i32
    %cond3A_281 = arith.cmpi ne, %convert_element_type3A, %cond3A : i32
    scf.if %cond3A_281 {
      %run_scoped3A = arith.constant 0 : i32
      "tpu.region"() ({
        %run_scoped3A_381 = tpu.sem_alloc : memref<!tpu.dma_semaphore, #tpu.memory_space<semaphore_mem>>
        %dma_start3A_382 = arith.constant 0 : i32
        %dma_start3A_383 = tpu.memref_slice %arg5[%run_scoped3A, %add3A_279, %dma_start3A_382] : memref<2x10240x128xf32, #tpu.memory_space<hbm>> -> memref<1x80x128xf32, #tpu.memory_space<hbm>>
        %dma_start3A_384 = tpu.memref_squeeze %dma_start3A_383 : memref<1x80x128xf32, #tpu.memory_space<hbm>> -> memref<80x128xf32, #tpu.memory_space<hbm>>
        %dma_start3A_385 = arith.constant 0 : i32
        %dma_start3A_386 = tpu.memref_slice %arg5[%run_scoped3A, %add3A_279, %dma_start3A_385] : memref<2x10240x128xf32, #tpu.memory_space<hbm>> -> memref<1x80x128xf32, #tpu.memory_space<hbm>>
        %dma_start3A_387 = tpu.memref_squeeze %dma_start3A_386 : memref<1x80x128xf32, #tpu.memory_space<hbm>> -> memref<80x128xf32, #tpu.memory_space<hbm>>
        tpu.enqueue_dma source(%arg17 : memref<80x128xf32, #tpu.memory_space<vmem>>) target(%dma_start3A_387 : memref<80x128xf32, #tpu.memory_space<hbm>>) target_semaphore(%run_scoped3A_381 : memref<!tpu.dma_semaphore, #tpu.memory_space<semaphore_mem>>)
        %dma_wait3A_388 = arith.constant 0 : i32
        %dma_wait3A_389 = tpu.memref_slice %arg5[%run_scoped3A, %add3A_279, %dma_wait3A_388] : memref<2x10240x128xf32, #tpu.memory_space<hbm>> -> memref<1x80x128xf32, #tpu.memory_space<hbm>>
        %dma_wait3A_390 = tpu.memref_squeeze %dma_wait3A_389 : memref<1x80x128xf32, #tpu.memory_space<hbm>> -> memref<80x128xf32, #tpu.memory_space<hbm>>
        %dma_wait3A_391 = arith.constant 0 : i32
        %dma_wait3A_392 = tpu.memref_slice %arg5[%run_scoped3A, %add3A_279, %dma_wait3A_391] : memref<2x10240x128xf32, #tpu.memory_space<hbm>> -> memref<1x80x128xf32, #tpu.memory_space<hbm>>
        %dma_wait3A_393 = tpu.memref_squeeze %dma_wait3A_392 : memref<1x80x128xf32, #tpu.memory_space<hbm>> -> memref<80x128xf32, #tpu.memory_space<hbm>>
        tpu.wait_dma2 semaphore(%run_scoped3A_381 : memref<!tpu.dma_semaphore, #tpu.memory_space<semaphore_mem>>) src(%arg17 : memref<80x128xf32, #tpu.memory_space<vmem>>) dst(%dma_wait3A_393 : memref<80x128xf32, #tpu.memory_space<hbm>>)
        tpu.yield
      }) : () -> ()
    } else {
    }
    %eq3A_282 = arith.constant 1 : i32
    %eq3A_283 = arith.cmpi eq, %arg0, %eq3A_282 : i32
    %convert_element_type3A_284 = arith.extui %eq3A_283 : i1 to i32
    %cond3A_285 = arith.constant 0 : i32
    %cond3A_286 = arith.cmpi ne, %convert_element_type3A_284, %cond3A_285 : i32
    scf.if %cond3A_286 {
      %run_scoped3A = arith.constant 1 : i32
      "tpu.region"() ({
        %run_scoped3A_381 = tpu.sem_alloc : memref<!tpu.dma_semaphore, #tpu.memory_space<semaphore_mem>>
        %dma_start3A_382 = arith.constant 0 : i32
        %dma_start3A_383 = tpu.memref_slice %arg5[%run_scoped3A, %add3A_279, %dma_start3A_382] : memref<2x10240x128xf32, #tpu.memory_space<hbm>> -> memref<1x80x128xf32, #tpu.memory_space<hbm>>
        %dma_start3A_384 = tpu.memref_squeeze %dma_start3A_383 : memref<1x80x128xf32, #tpu.memory_space<hbm>> -> memref<80x128xf32, #tpu.memory_space<hbm>>
        %dma_start3A_385 = arith.constant 0 : i32
        %dma_start3A_386 = tpu.memref_slice %arg5[%run_scoped3A, %add3A_279, %dma_start3A_385] : memref<2x10240x128xf32, #tpu.memory_space<hbm>> -> memref<1x80x128xf32, #tpu.memory_space<hbm>>
        %dma_start3A_387 = tpu.memref_squeeze %dma_start3A_386 : memref<1x80x128xf32, #tpu.memory_space<hbm>> -> memref<80x128xf32, #tpu.memory_space<hbm>>
        tpu.enqueue_dma source(%arg17 : memref<80x128xf32, #tpu.memory_space<vmem>>) target(%dma_start3A_387 : memref<80x128xf32, #tpu.memory_space<hbm>>) target_semaphore(%run_scoped3A_381 : memref<!tpu.dma_semaphore, #tpu.memory_space<semaphore_mem>>)
        %dma_wait3A_388 = arith.constant 0 : i32
        %dma_wait3A_389 = tpu.memref_slice %arg5[%run_scoped3A, %add3A_279, %dma_wait3A_388] : memref<2x10240x128xf32, #tpu.memory_space<hbm>> -> memref<1x80x128xf32, #tpu.memory_space<hbm>>
        %dma_wait3A_390 = tpu.memref_squeeze %dma_wait3A_389 : memref<1x80x128xf32, #tpu.memory_space<hbm>> -> memref<80x128xf32, #tpu.memory_space<hbm>>
        %dma_wait3A_391 = arith.constant 0 : i32
        %dma_wait3A_392 = tpu.memref_slice %arg5[%run_scoped3A, %add3A_279, %dma_wait3A_391] : memref<2x10240x128xf32, #tpu.memory_space<hbm>> -> memref<1x80x128xf32, #tpu.memory_space<hbm>>
        %dma_wait3A_393 = tpu.memref_squeeze %dma_wait3A_392 : memref<1x80x128xf32, #tpu.memory_space<hbm>> -> memref<80x128xf32, #tpu.memory_space<hbm>>
        tpu.wait_dma2 semaphore(%run_scoped3A_381 : memref<!tpu.dma_semaphore, #tpu.memory_space<semaphore_mem>>) src(%arg17 : memref<80x128xf32, #tpu.memory_space<vmem>>) dst(%dma_wait3A_393 : memref<80x128xf32, #tpu.memory_space<hbm>>)
        tpu.yield
      }) : () -> ()
    } else {
    }
    %add3A_287 = arith.constant 80 : i32
    %add3A_288 = arith.addi %mul3A_0, %add3A_287 : i32
    "tpu.region"() ({
      %run_scoped3A = tpu.sem_alloc : memref<!tpu.dma_semaphore, #tpu.memory_space<semaphore_mem>>
      %dma_start3A_381 = arith.constant 0 : i32
      %dma_start3A_382 = tpu.memref_slice %arg23[%add3A_288, %dma_start3A_381] : memref<10240x128xf32, #tpu.memory_space<vmem_shared>> -> memref<80x128xf32, #tpu.memory_space<vmem_shared>>
      %dma_start3A_383 = arith.constant 0 : i32
      %dma_start3A_384 = tpu.memref_slice %arg23[%add3A_288, %dma_start3A_383] : memref<10240x128xf32, #tpu.memory_space<vmem_shared>> -> memref<80x128xf32, #tpu.memory_space<vmem_shared>>
      tpu.enqueue_dma source(%dma_start3A_384 : memref<80x128xf32, #tpu.memory_space<vmem_shared>>) target(%arg18 : memref<80x128xf32, #tpu.memory_space<vmem>>) target_semaphore(%run_scoped3A : memref<!tpu.dma_semaphore, #tpu.memory_space<semaphore_mem>>)
      %dma_wait3A_385 = arith.constant 0 : i32
      %dma_wait3A_386 = tpu.memref_slice %arg23[%add3A_288, %dma_wait3A_385] : memref<10240x128xf32, #tpu.memory_space<vmem_shared>> -> memref<80x128xf32, #tpu.memory_space<vmem_shared>>
      %dma_wait3A_387 = arith.constant 0 : i32
      %dma_wait3A_388 = tpu.memref_slice %arg23[%add3A_288, %dma_wait3A_387] : memref<10240x128xf32, #tpu.memory_space<vmem_shared>> -> memref<80x128xf32, #tpu.memory_space<vmem_shared>>
      tpu.wait_dma2 semaphore(%run_scoped3A : memref<!tpu.dma_semaphore, #tpu.memory_space<semaphore_mem>>) src(%dma_wait3A_388 : memref<80x128xf32, #tpu.memory_space<vmem_shared>>) dst(%arg18 : memref<80x128xf32, #tpu.memory_space<vmem>>)
      tpu.yield
    }) : () -> ()
    %eq3A_289 = arith.constant 0 : i32
    %eq3A_290 = arith.cmpi eq, %arg0, %eq3A_289 : i32
    %convert_element_type3A_291 = arith.extui %eq3A_290 : i1 to i32
    %cond3A_292 = arith.constant 0 : i32
    %cond3A_293 = arith.cmpi ne, %convert_element_type3A_291, %cond3A_292 : i32
    scf.if %cond3A_293 {
      %run_scoped3A = arith.constant 0 : i32
      "tpu.region"() ({
        %run_scoped3A_381 = tpu.sem_alloc : memref<!tpu.dma_semaphore, #tpu.memory_space<semaphore_mem>>
        %dma_start3A_382 = arith.constant 0 : i32
        %dma_start3A_383 = tpu.memref_slice %arg5[%run_scoped3A, %add3A_288, %dma_start3A_382] : memref<2x10240x128xf32, #tpu.memory_space<hbm>> -> memref<1x80x128xf32, #tpu.memory_space<hbm>>
        %dma_start3A_384 = tpu.memref_squeeze %dma_start3A_383 : memref<1x80x128xf32, #tpu.memory_space<hbm>> -> memref<80x128xf32, #tpu.memory_space<hbm>>
        %dma_start3A_385 = arith.constant 0 : i32
        %dma_start3A_386 = tpu.memref_slice %arg5[%run_scoped3A, %add3A_288, %dma_start3A_385] : memref<2x10240x128xf32, #tpu.memory_space<hbm>> -> memref<1x80x128xf32, #tpu.memory_space<hbm>>
        %dma_start3A_387 = tpu.memref_squeeze %dma_start3A_386 : memref<1x80x128xf32, #tpu.memory_space<hbm>> -> memref<80x128xf32, #tpu.memory_space<hbm>>
        tpu.enqueue_dma source(%arg18 : memref<80x128xf32, #tpu.memory_space<vmem>>) target(%dma_start3A_387 : memref<80x128xf32, #tpu.memory_space<hbm>>) target_semaphore(%run_scoped3A_381 : memref<!tpu.dma_semaphore, #tpu.memory_space<semaphore_mem>>)
        %dma_wait3A_388 = arith.constant 0 : i32
        %dma_wait3A_389 = tpu.memref_slice %arg5[%run_scoped3A, %add3A_288, %dma_wait3A_388] : memref<2x10240x128xf32, #tpu.memory_space<hbm>> -> memref<1x80x128xf32, #tpu.memory_space<hbm>>
        %dma_wait3A_390 = tpu.memref_squeeze %dma_wait3A_389 : memref<1x80x128xf32, #tpu.memory_space<hbm>> -> memref<80x128xf32, #tpu.memory_space<hbm>>
        %dma_wait3A_391 = arith.constant 0 : i32
        %dma_wait3A_392 = tpu.memref_slice %arg5[%run_scoped3A, %add3A_288, %dma_wait3A_391] : memref<2x10240x128xf32, #tpu.memory_space<hbm>> -> memref<1x80x128xf32, #tpu.memory_space<hbm>>
        %dma_wait3A_393 = tpu.memref_squeeze %dma_wait3A_392 : memref<1x80x128xf32, #tpu.memory_space<hbm>> -> memref<80x128xf32, #tpu.memory_space<hbm>>
        tpu.wait_dma2 semaphore(%run_scoped3A_381 : memref<!tpu.dma_semaphore, #tpu.memory_space<semaphore_mem>>) src(%arg18 : memref<80x128xf32, #tpu.memory_space<vmem>>) dst(%dma_wait3A_393 : memref<80x128xf32, #tpu.memory_space<hbm>>)
        tpu.yield
      }) : () -> ()
    } else {
    }
    %eq3A_294 = arith.constant 1 : i32
    %eq3A_295 = arith.cmpi eq, %arg0, %eq3A_294 : i32
    %convert_element_type3A_296 = arith.extui %eq3A_295 : i1 to i32
    %cond3A_297 = arith.constant 0 : i32
    %cond3A_298 = arith.cmpi ne, %convert_element_type3A_296, %cond3A_297 : i32
    scf.if %cond3A_298 {
      %run_scoped3A = arith.constant 1 : i32
      "tpu.region"() ({
        %run_scoped3A_381 = tpu.sem_alloc : memref<!tpu.dma_semaphore, #tpu.memory_space<semaphore_mem>>
        %dma_start3A_382 = arith.constant 0 : i32
        %dma_start3A_383 = tpu.memref_slice %arg5[%run_scoped3A, %add3A_288, %dma_start3A_382] : memref<2x10240x128xf32, #tpu.memory_space<hbm>> -> memref<1x80x128xf32, #tpu.memory_space<hbm>>
        %dma_start3A_384 = tpu.memref_squeeze %dma_start3A_383 : memref<1x80x128xf32, #tpu.memory_space<hbm>> -> memref<80x128xf32, #tpu.memory_space<hbm>>
        %dma_start3A_385 = arith.constant 0 : i32
        %dma_start3A_386 = tpu.memref_slice %arg5[%run_scoped3A, %add3A_288, %dma_start3A_385] : memref<2x10240x128xf32, #tpu.memory_space<hbm>> -> memref<1x80x128xf32, #tpu.memory_space<hbm>>
        %dma_start3A_387 = tpu.memref_squeeze %dma_start3A_386 : memref<1x80x128xf32, #tpu.memory_space<hbm>> -> memref<80x128xf32, #tpu.memory_space<hbm>>
        tpu.enqueue_dma source(%arg18 : memref<80x128xf32, #tpu.memory_space<vmem>>) target(%dma_start3A_387 : memref<80x128xf32, #tpu.memory_space<hbm>>) target_semaphore(%run_scoped3A_381 : memref<!tpu.dma_semaphore, #tpu.memory_space<semaphore_mem>>)
        %dma_wait3A_388 = arith.constant 0 : i32
        %dma_wait3A_389 = tpu.memref_slice %arg5[%run_scoped3A, %add3A_288, %dma_wait3A_388] : memref<2x10240x128xf32, #tpu.memory_space<hbm>> -> memref<1x80x128xf32, #tpu.memory_space<hbm>>
        %dma_wait3A_390 = tpu.memref_squeeze %dma_wait3A_389 : memref<1x80x128xf32, #tpu.memory_space<hbm>> -> memref<80x128xf32, #tpu.memory_space<hbm>>
        %dma_wait3A_391 = arith.constant 0 : i32
        %dma_wait3A_392 = tpu.memref_slice %arg5[%run_scoped3A, %add3A_288, %dma_wait3A_391] : memref<2x10240x128xf32, #tpu.memory_space<hbm>> -> memref<1x80x128xf32, #tpu.memory_space<hbm>>
        %dma_wait3A_393 = tpu.memref_squeeze %dma_wait3A_392 : memref<1x80x128xf32, #tpu.memory_space<hbm>> -> memref<80x128xf32, #tpu.memory_space<hbm>>
        tpu.wait_dma2 semaphore(%run_scoped3A_381 : memref<!tpu.dma_semaphore, #tpu.memory_space<semaphore_mem>>) src(%arg18 : memref<80x128xf32, #tpu.memory_space<vmem>>) dst(%dma_wait3A_393 : memref<80x128xf32, #tpu.memory_space<hbm>>)
        tpu.yield
      }) : () -> ()
    } else {
    }
    %add3A_299 = arith.constant 160 : i32
    %add3A_300 = arith.addi %mul3A_0, %add3A_299 : i32
    "tpu.region"() ({
      %run_scoped3A = tpu.sem_alloc : memref<!tpu.dma_semaphore, #tpu.memory_space<semaphore_mem>>
      %dma_start3A_381 = arith.constant 0 : i32
      %dma_start3A_382 = tpu.memref_slice %arg23[%add3A_300, %dma_start3A_381] : memref<10240x128xf32, #tpu.memory_space<vmem_shared>> -> memref<80x128xf32, #tpu.memory_space<vmem_shared>>
      %dma_start3A_383 = arith.constant 0 : i32
      %dma_start3A_384 = tpu.memref_slice %arg23[%add3A_300, %dma_start3A_383] : memref<10240x128xf32, #tpu.memory_space<vmem_shared>> -> memref<80x128xf32, #tpu.memory_space<vmem_shared>>
      tpu.enqueue_dma source(%dma_start3A_384 : memref<80x128xf32, #tpu.memory_space<vmem_shared>>) target(%arg17 : memref<80x128xf32, #tpu.memory_space<vmem>>) target_semaphore(%run_scoped3A : memref<!tpu.dma_semaphore, #tpu.memory_space<semaphore_mem>>)
      %dma_wait3A_385 = arith.constant 0 : i32
      %dma_wait3A_386 = tpu.memref_slice %arg23[%add3A_300, %dma_wait3A_385] : memref<10240x128xf32, #tpu.memory_space<vmem_shared>> -> memref<80x128xf32, #tpu.memory_space<vmem_shared>>
      %dma_wait3A_387 = arith.constant 0 : i32
      %dma_wait3A_388 = tpu.memref_slice %arg23[%add3A_300, %dma_wait3A_387] : memref<10240x128xf32, #tpu.memory_space<vmem_shared>> -> memref<80x128xf32, #tpu.memory_space<vmem_shared>>
      tpu.wait_dma2 semaphore(%run_scoped3A : memref<!tpu.dma_semaphore, #tpu.memory_space<semaphore_mem>>) src(%dma_wait3A_388 : memref<80x128xf32, #tpu.memory_space<vmem_shared>>) dst(%arg17 : memref<80x128xf32, #tpu.memory_space<vmem>>)
      tpu.yield
    }) : () -> ()
    %eq3A_301 = arith.constant 0 : i32
    %eq3A_302 = arith.cmpi eq, %arg0, %eq3A_301 : i32
    %convert_element_type3A_303 = arith.extui %eq3A_302 : i1 to i32
    %cond3A_304 = arith.constant 0 : i32
    %cond3A_305 = arith.cmpi ne, %convert_element_type3A_303, %cond3A_304 : i32
    scf.if %cond3A_305 {
      %run_scoped3A = arith.constant 0 : i32
      "tpu.region"() ({
        %run_scoped3A_381 = tpu.sem_alloc : memref<!tpu.dma_semaphore, #tpu.memory_space<semaphore_mem>>
        %dma_start3A_382 = arith.constant 0 : i32
        %dma_start3A_383 = tpu.memref_slice %arg5[%run_scoped3A, %add3A_300, %dma_start3A_382] : memref<2x10240x128xf32, #tpu.memory_space<hbm>> -> memref<1x80x128xf32, #tpu.memory_space<hbm>>
        %dma_start3A_384 = tpu.memref_squeeze %dma_start3A_383 : memref<1x80x128xf32, #tpu.memory_space<hbm>> -> memref<80x128xf32, #tpu.memory_space<hbm>>
        %dma_start3A_385 = arith.constant 0 : i32
        %dma_start3A_386 = tpu.memref_slice %arg5[%run_scoped3A, %add3A_300, %dma_start3A_385] : memref<2x10240x128xf32, #tpu.memory_space<hbm>> -> memref<1x80x128xf32, #tpu.memory_space<hbm>>
        %dma_start3A_387 = tpu.memref_squeeze %dma_start3A_386 : memref<1x80x128xf32, #tpu.memory_space<hbm>> -> memref<80x128xf32, #tpu.memory_space<hbm>>
        tpu.enqueue_dma source(%arg17 : memref<80x128xf32, #tpu.memory_space<vmem>>) target(%dma_start3A_387 : memref<80x128xf32, #tpu.memory_space<hbm>>) target_semaphore(%run_scoped3A_381 : memref<!tpu.dma_semaphore, #tpu.memory_space<semaphore_mem>>)
        %dma_wait3A_388 = arith.constant 0 : i32
        %dma_wait3A_389 = tpu.memref_slice %arg5[%run_scoped3A, %add3A_300, %dma_wait3A_388] : memref<2x10240x128xf32, #tpu.memory_space<hbm>> -> memref<1x80x128xf32, #tpu.memory_space<hbm>>
        %dma_wait3A_390 = tpu.memref_squeeze %dma_wait3A_389 : memref<1x80x128xf32, #tpu.memory_space<hbm>> -> memref<80x128xf32, #tpu.memory_space<hbm>>
        %dma_wait3A_391 = arith.constant 0 : i32
        %dma_wait3A_392 = tpu.memref_slice %arg5[%run_scoped3A, %add3A_300, %dma_wait3A_391] : memref<2x10240x128xf32, #tpu.memory_space<hbm>> -> memref<1x80x128xf32, #tpu.memory_space<hbm>>
        %dma_wait3A_393 = tpu.memref_squeeze %dma_wait3A_392 : memref<1x80x128xf32, #tpu.memory_space<hbm>> -> memref<80x128xf32, #tpu.memory_space<hbm>>
        tpu.wait_dma2 semaphore(%run_scoped3A_381 : memref<!tpu.dma_semaphore, #tpu.memory_space<semaphore_mem>>) src(%arg17 : memref<80x128xf32, #tpu.memory_space<vmem>>) dst(%dma_wait3A_393 : memref<80x128xf32, #tpu.memory_space<hbm>>)
        tpu.yield
      }) : () -> ()
    } else {
    }
    %eq3A_306 = arith.constant 1 : i32
    %eq3A_307 = arith.cmpi eq, %arg0, %eq3A_306 : i32
    %convert_element_type3A_308 = arith.extui %eq3A_307 : i1 to i32
    %cond3A_309 = arith.constant 0 : i32
    %cond3A_310 = arith.cmpi ne, %convert_element_type3A_308, %cond3A_309 : i32
    scf.if %cond3A_310 {
      %run_scoped3A = arith.constant 1 : i32
      "tpu.region"() ({
        %run_scoped3A_381 = tpu.sem_alloc : memref<!tpu.dma_semaphore, #tpu.memory_space<semaphore_mem>>
        %dma_start3A_382 = arith.constant 0 : i32
        %dma_start3A_383 = tpu.memref_slice %arg5[%run_scoped3A, %add3A_300, %dma_start3A_382] : memref<2x10240x128xf32, #tpu.memory_space<hbm>> -> memref<1x80x128xf32, #tpu.memory_space<hbm>>
        %dma_start3A_384 = tpu.memref_squeeze %dma_start3A_383 : memref<1x80x128xf32, #tpu.memory_space<hbm>> -> memref<80x128xf32, #tpu.memory_space<hbm>>
        %dma_start3A_385 = arith.constant 0 : i32
        %dma_start3A_386 = tpu.memref_slice %arg5[%run_scoped3A, %add3A_300, %dma_start3A_385] : memref<2x10240x128xf32, #tpu.memory_space<hbm>> -> memref<1x80x128xf32, #tpu.memory_space<hbm>>
        %dma_start3A_387 = tpu.memref_squeeze %dma_start3A_386 : memref<1x80x128xf32, #tpu.memory_space<hbm>> -> memref<80x128xf32, #tpu.memory_space<hbm>>
        tpu.enqueue_dma source(%arg17 : memref<80x128xf32, #tpu.memory_space<vmem>>) target(%dma_start3A_387 : memref<80x128xf32, #tpu.memory_space<hbm>>) target_semaphore(%run_scoped3A_381 : memref<!tpu.dma_semaphore, #tpu.memory_space<semaphore_mem>>)
        %dma_wait3A_388 = arith.constant 0 : i32
        %dma_wait3A_389 = tpu.memref_slice %arg5[%run_scoped3A, %add3A_300, %dma_wait3A_388] : memref<2x10240x128xf32, #tpu.memory_space<hbm>> -> memref<1x80x128xf32, #tpu.memory_space<hbm>>
        %dma_wait3A_390 = tpu.memref_squeeze %dma_wait3A_389 : memref<1x80x128xf32, #tpu.memory_space<hbm>> -> memref<80x128xf32, #tpu.memory_space<hbm>>
        %dma_wait3A_391 = arith.constant 0 : i32
        %dma_wait3A_392 = tpu.memref_slice %arg5[%run_scoped3A, %add3A_300, %dma_wait3A_391] : memref<2x10240x128xf32, #tpu.memory_space<hbm>> -> memref<1x80x128xf32, #tpu.memory_space<hbm>>
        %dma_wait3A_393 = tpu.memref_squeeze %dma_wait3A_392 : memref<1x80x128xf32, #tpu.memory_space<hbm>> -> memref<80x128xf32, #tpu.memory_space<hbm>>
        tpu.wait_dma2 semaphore(%run_scoped3A_381 : memref<!tpu.dma_semaphore, #tpu.memory_space<semaphore_mem>>) src(%arg17 : memref<80x128xf32, #tpu.memory_space<vmem>>) dst(%dma_wait3A_393 : memref<80x128xf32, #tpu.memory_space<hbm>>)
        tpu.yield
      }) : () -> ()
    } else {
    }
    %add3A_311 = arith.constant 240 : i32
    %add3A_312 = arith.addi %mul3A_0, %add3A_311 : i32
    "tpu.region"() ({
      %run_scoped3A = tpu.sem_alloc : memref<!tpu.dma_semaphore, #tpu.memory_space<semaphore_mem>>
      %dma_start3A_381 = arith.constant 0 : i32
      %dma_start3A_382 = tpu.memref_slice %arg23[%add3A_312, %dma_start3A_381] : memref<10240x128xf32, #tpu.memory_space<vmem_shared>> -> memref<80x128xf32, #tpu.memory_space<vmem_shared>>
      %dma_start3A_383 = arith.constant 0 : i32
      %dma_start3A_384 = tpu.memref_slice %arg23[%add3A_312, %dma_start3A_383] : memref<10240x128xf32, #tpu.memory_space<vmem_shared>> -> memref<80x128xf32, #tpu.memory_space<vmem_shared>>
      tpu.enqueue_dma source(%dma_start3A_384 : memref<80x128xf32, #tpu.memory_space<vmem_shared>>) target(%arg18 : memref<80x128xf32, #tpu.memory_space<vmem>>) target_semaphore(%run_scoped3A : memref<!tpu.dma_semaphore, #tpu.memory_space<semaphore_mem>>)
      %dma_wait3A_385 = arith.constant 0 : i32
      %dma_wait3A_386 = tpu.memref_slice %arg23[%add3A_312, %dma_wait3A_385] : memref<10240x128xf32, #tpu.memory_space<vmem_shared>> -> memref<80x128xf32, #tpu.memory_space<vmem_shared>>
      %dma_wait3A_387 = arith.constant 0 : i32
      %dma_wait3A_388 = tpu.memref_slice %arg23[%add3A_312, %dma_wait3A_387] : memref<10240x128xf32, #tpu.memory_space<vmem_shared>> -> memref<80x128xf32, #tpu.memory_space<vmem_shared>>
      tpu.wait_dma2 semaphore(%run_scoped3A : memref<!tpu.dma_semaphore, #tpu.memory_space<semaphore_mem>>) src(%dma_wait3A_388 : memref<80x128xf32, #tpu.memory_space<vmem_shared>>) dst(%arg18 : memref<80x128xf32, #tpu.memory_space<vmem>>)
      tpu.yield
    }) : () -> ()
    %eq3A_313 = arith.constant 0 : i32
    %eq3A_314 = arith.cmpi eq, %arg0, %eq3A_313 : i32
    %convert_element_type3A_315 = arith.extui %eq3A_314 : i1 to i32
    %cond3A_316 = arith.constant 0 : i32
    %cond3A_317 = arith.cmpi ne, %convert_element_type3A_315, %cond3A_316 : i32
    scf.if %cond3A_317 {
      %run_scoped3A = arith.constant 0 : i32
      "tpu.region"() ({
        %run_scoped3A_381 = tpu.sem_alloc : memref<!tpu.dma_semaphore, #tpu.memory_space<semaphore_mem>>
        %dma_start3A_382 = arith.constant 0 : i32
        %dma_start3A_383 = tpu.memref_slice %arg5[%run_scoped3A, %add3A_312, %dma_start3A_382] : memref<2x10240x128xf32, #tpu.memory_space<hbm>> -> memref<1x80x128xf32, #tpu.memory_space<hbm>>
        %dma_start3A_384 = tpu.memref_squeeze %dma_start3A_383 : memref<1x80x128xf32, #tpu.memory_space<hbm>> -> memref<80x128xf32, #tpu.memory_space<hbm>>
        %dma_start3A_385 = arith.constant 0 : i32
        %dma_start3A_386 = tpu.memref_slice %arg5[%run_scoped3A, %add3A_312, %dma_start3A_385] : memref<2x10240x128xf32, #tpu.memory_space<hbm>> -> memref<1x80x128xf32, #tpu.memory_space<hbm>>
        %dma_start3A_387 = tpu.memref_squeeze %dma_start3A_386 : memref<1x80x128xf32, #tpu.memory_space<hbm>> -> memref<80x128xf32, #tpu.memory_space<hbm>>
        tpu.enqueue_dma source(%arg18 : memref<80x128xf32, #tpu.memory_space<vmem>>) target(%dma_start3A_387 : memref<80x128xf32, #tpu.memory_space<hbm>>) target_semaphore(%run_scoped3A_381 : memref<!tpu.dma_semaphore, #tpu.memory_space<semaphore_mem>>)
        %dma_wait3A_388 = arith.constant 0 : i32
        %dma_wait3A_389 = tpu.memref_slice %arg5[%run_scoped3A, %add3A_312, %dma_wait3A_388] : memref<2x10240x128xf32, #tpu.memory_space<hbm>> -> memref<1x80x128xf32, #tpu.memory_space<hbm>>
        %dma_wait3A_390 = tpu.memref_squeeze %dma_wait3A_389 : memref<1x80x128xf32, #tpu.memory_space<hbm>> -> memref<80x128xf32, #tpu.memory_space<hbm>>
        %dma_wait3A_391 = arith.constant 0 : i32
        %dma_wait3A_392 = tpu.memref_slice %arg5[%run_scoped3A, %add3A_312, %dma_wait3A_391] : memref<2x10240x128xf32, #tpu.memory_space<hbm>> -> memref<1x80x128xf32, #tpu.memory_space<hbm>>
        %dma_wait3A_393 = tpu.memref_squeeze %dma_wait3A_392 : memref<1x80x128xf32, #tpu.memory_space<hbm>> -> memref<80x128xf32, #tpu.memory_space<hbm>>
        tpu.wait_dma2 semaphore(%run_scoped3A_381 : memref<!tpu.dma_semaphore, #tpu.memory_space<semaphore_mem>>) src(%arg18 : memref<80x128xf32, #tpu.memory_space<vmem>>) dst(%dma_wait3A_393 : memref<80x128xf32, #tpu.memory_space<hbm>>)
        tpu.yield
      }) : () -> ()
    } else {
    }
    %eq3A_318 = arith.constant 1 : i32
    %eq3A_319 = arith.cmpi eq, %arg0, %eq3A_318 : i32
    %convert_element_type3A_320 = arith.extui %eq3A_319 : i1 to i32
    %cond3A_321 = arith.constant 0 : i32
    %cond3A_322 = arith.cmpi ne, %convert_element_type3A_320, %cond3A_321 : i32
    scf.if %cond3A_322 {
      %run_scoped3A = arith.constant 1 : i32
      "tpu.region"() ({
        %run_scoped3A_381 = tpu.sem_alloc : memref<!tpu.dma_semaphore, #tpu.memory_space<semaphore_mem>>
        %dma_start3A_382 = arith.constant 0 : i32
        %dma_start3A_383 = tpu.memref_slice %arg5[%run_scoped3A, %add3A_312, %dma_start3A_382] : memref<2x10240x128xf32, #tpu.memory_space<hbm>> -> memref<1x80x128xf32, #tpu.memory_space<hbm>>
        %dma_start3A_384 = tpu.memref_squeeze %dma_start3A_383 : memref<1x80x128xf32, #tpu.memory_space<hbm>> -> memref<80x128xf32, #tpu.memory_space<hbm>>
        %dma_start3A_385 = arith.constant 0 : i32
        %dma_start3A_386 = tpu.memref_slice %arg5[%run_scoped3A, %add3A_312, %dma_start3A_385] : memref<2x10240x128xf32, #tpu.memory_space<hbm>> -> memref<1x80x128xf32, #tpu.memory_space<hbm>>
        %dma_start3A_387 = tpu.memref_squeeze %dma_start3A_386 : memref<1x80x128xf32, #tpu.memory_space<hbm>> -> memref<80x128xf32, #tpu.memory_space<hbm>>
        tpu.enqueue_dma source(%arg18 : memref<80x128xf32, #tpu.memory_space<vmem>>) target(%dma_start3A_387 : memref<80x128xf32, #tpu.memory_space<hbm>>) target_semaphore(%run_scoped3A_381 : memref<!tpu.dma_semaphore, #tpu.memory_space<semaphore_mem>>)
        %dma_wait3A_388 = arith.constant 0 : i32
        %dma_wait3A_389 = tpu.memref_slice %arg5[%run_scoped3A, %add3A_312, %dma_wait3A_388] : memref<2x10240x128xf32, #tpu.memory_space<hbm>> -> memref<1x80x128xf32, #tpu.memory_space<hbm>>
        %dma_wait3A_390 = tpu.memref_squeeze %dma_wait3A_389 : memref<1x80x128xf32, #tpu.memory_space<hbm>> -> memref<80x128xf32, #tpu.memory_space<hbm>>
        %dma_wait3A_391 = arith.constant 0 : i32
        %dma_wait3A_392 = tpu.memref_slice %arg5[%run_scoped3A, %add3A_312, %dma_wait3A_391] : memref<2x10240x128xf32, #tpu.memory_space<hbm>> -> memref<1x80x128xf32, #tpu.memory_space<hbm>>
        %dma_wait3A_393 = tpu.memref_squeeze %dma_wait3A_392 : memref<1x80x128xf32, #tpu.memory_space<hbm>> -> memref<80x128xf32, #tpu.memory_space<hbm>>
        tpu.wait_dma2 semaphore(%run_scoped3A_381 : memref<!tpu.dma_semaphore, #tpu.memory_space<semaphore_mem>>) src(%arg18 : memref<80x128xf32, #tpu.memory_space<vmem>>) dst(%dma_wait3A_393 : memref<80x128xf32, #tpu.memory_space<hbm>>)
        tpu.yield
      }) : () -> ()
    } else {
    }
    %add3A_323 = arith.constant 320 : i32
    %add3A_324 = arith.addi %mul3A_0, %add3A_323 : i32
    "tpu.region"() ({
      %run_scoped3A = tpu.sem_alloc : memref<!tpu.dma_semaphore, #tpu.memory_space<semaphore_mem>>
      %dma_start3A_381 = arith.constant 0 : i32
      %dma_start3A_382 = tpu.memref_slice %arg23[%add3A_324, %dma_start3A_381] : memref<10240x128xf32, #tpu.memory_space<vmem_shared>> -> memref<80x128xf32, #tpu.memory_space<vmem_shared>>
      %dma_start3A_383 = arith.constant 0 : i32
      %dma_start3A_384 = tpu.memref_slice %arg23[%add3A_324, %dma_start3A_383] : memref<10240x128xf32, #tpu.memory_space<vmem_shared>> -> memref<80x128xf32, #tpu.memory_space<vmem_shared>>
      tpu.enqueue_dma source(%dma_start3A_384 : memref<80x128xf32, #tpu.memory_space<vmem_shared>>) target(%arg17 : memref<80x128xf32, #tpu.memory_space<vmem>>) target_semaphore(%run_scoped3A : memref<!tpu.dma_semaphore, #tpu.memory_space<semaphore_mem>>)
      %dma_wait3A_385 = arith.constant 0 : i32
      %dma_wait3A_386 = tpu.memref_slice %arg23[%add3A_324, %dma_wait3A_385] : memref<10240x128xf32, #tpu.memory_space<vmem_shared>> -> memref<80x128xf32, #tpu.memory_space<vmem_shared>>
      %dma_wait3A_387 = arith.constant 0 : i32
      %dma_wait3A_388 = tpu.memref_slice %arg23[%add3A_324, %dma_wait3A_387] : memref<10240x128xf32, #tpu.memory_space<vmem_shared>> -> memref<80x128xf32, #tpu.memory_space<vmem_shared>>
      tpu.wait_dma2 semaphore(%run_scoped3A : memref<!tpu.dma_semaphore, #tpu.memory_space<semaphore_mem>>) src(%dma_wait3A_388 : memref<80x128xf32, #tpu.memory_space<vmem_shared>>) dst(%arg17 : memref<80x128xf32, #tpu.memory_space<vmem>>)
      tpu.yield
    }) : () -> ()
    %eq3A_325 = arith.constant 0 : i32
    %eq3A_326 = arith.cmpi eq, %arg0, %eq3A_325 : i32
    %convert_element_type3A_327 = arith.extui %eq3A_326 : i1 to i32
    %cond3A_328 = arith.constant 0 : i32
    %cond3A_329 = arith.cmpi ne, %convert_element_type3A_327, %cond3A_328 : i32
    scf.if %cond3A_329 {
      %run_scoped3A = arith.constant 0 : i32
      "tpu.region"() ({
        %run_scoped3A_381 = tpu.sem_alloc : memref<!tpu.dma_semaphore, #tpu.memory_space<semaphore_mem>>
        %dma_start3A_382 = arith.constant 0 : i32
        %dma_start3A_383 = tpu.memref_slice %arg5[%run_scoped3A, %add3A_324, %dma_start3A_382] : memref<2x10240x128xf32, #tpu.memory_space<hbm>> -> memref<1x80x128xf32, #tpu.memory_space<hbm>>
        %dma_start3A_384 = tpu.memref_squeeze %dma_start3A_383 : memref<1x80x128xf32, #tpu.memory_space<hbm>> -> memref<80x128xf32, #tpu.memory_space<hbm>>
        %dma_start3A_385 = arith.constant 0 : i32
        %dma_start3A_386 = tpu.memref_slice %arg5[%run_scoped3A, %add3A_324, %dma_start3A_385] : memref<2x10240x128xf32, #tpu.memory_space<hbm>> -> memref<1x80x128xf32, #tpu.memory_space<hbm>>
        %dma_start3A_387 = tpu.memref_squeeze %dma_start3A_386 : memref<1x80x128xf32, #tpu.memory_space<hbm>> -> memref<80x128xf32, #tpu.memory_space<hbm>>
        tpu.enqueue_dma source(%arg17 : memref<80x128xf32, #tpu.memory_space<vmem>>) target(%dma_start3A_387 : memref<80x128xf32, #tpu.memory_space<hbm>>) target_semaphore(%run_scoped3A_381 : memref<!tpu.dma_semaphore, #tpu.memory_space<semaphore_mem>>)
        %dma_wait3A_388 = arith.constant 0 : i32
        %dma_wait3A_389 = tpu.memref_slice %arg5[%run_scoped3A, %add3A_324, %dma_wait3A_388] : memref<2x10240x128xf32, #tpu.memory_space<hbm>> -> memref<1x80x128xf32, #tpu.memory_space<hbm>>
        %dma_wait3A_390 = tpu.memref_squeeze %dma_wait3A_389 : memref<1x80x128xf32, #tpu.memory_space<hbm>> -> memref<80x128xf32, #tpu.memory_space<hbm>>
        %dma_wait3A_391 = arith.constant 0 : i32
        %dma_wait3A_392 = tpu.memref_slice %arg5[%run_scoped3A, %add3A_324, %dma_wait3A_391] : memref<2x10240x128xf32, #tpu.memory_space<hbm>> -> memref<1x80x128xf32, #tpu.memory_space<hbm>>
        %dma_wait3A_393 = tpu.memref_squeeze %dma_wait3A_392 : memref<1x80x128xf32, #tpu.memory_space<hbm>> -> memref<80x128xf32, #tpu.memory_space<hbm>>
        tpu.wait_dma2 semaphore(%run_scoped3A_381 : memref<!tpu.dma_semaphore, #tpu.memory_space<semaphore_mem>>) src(%arg17 : memref<80x128xf32, #tpu.memory_space<vmem>>) dst(%dma_wait3A_393 : memref<80x128xf32, #tpu.memory_space<hbm>>)
        tpu.yield
      }) : () -> ()
    } else {
    }
    %eq3A_330 = arith.constant 1 : i32
    %eq3A_331 = arith.cmpi eq, %arg0, %eq3A_330 : i32
    %convert_element_type3A_332 = arith.extui %eq3A_331 : i1 to i32
    %cond3A_333 = arith.constant 0 : i32
    %cond3A_334 = arith.cmpi ne, %convert_element_type3A_332, %cond3A_333 : i32
    scf.if %cond3A_334 {
      %run_scoped3A = arith.constant 1 : i32
      "tpu.region"() ({
        %run_scoped3A_381 = tpu.sem_alloc : memref<!tpu.dma_semaphore, #tpu.memory_space<semaphore_mem>>
        %dma_start3A_382 = arith.constant 0 : i32
        %dma_start3A_383 = tpu.memref_slice %arg5[%run_scoped3A, %add3A_324, %dma_start3A_382] : memref<2x10240x128xf32, #tpu.memory_space<hbm>> -> memref<1x80x128xf32, #tpu.memory_space<hbm>>
        %dma_start3A_384 = tpu.memref_squeeze %dma_start3A_383 : memref<1x80x128xf32, #tpu.memory_space<hbm>> -> memref<80x128xf32, #tpu.memory_space<hbm>>
        %dma_start3A_385 = arith.constant 0 : i32
        %dma_start3A_386 = tpu.memref_slice %arg5[%run_scoped3A, %add3A_324, %dma_start3A_385] : memref<2x10240x128xf32, #tpu.memory_space<hbm>> -> memref<1x80x128xf32, #tpu.memory_space<hbm>>
        %dma_start3A_387 = tpu.memref_squeeze %dma_start3A_386 : memref<1x80x128xf32, #tpu.memory_space<hbm>> -> memref<80x128xf32, #tpu.memory_space<hbm>>
        tpu.enqueue_dma source(%arg17 : memref<80x128xf32, #tpu.memory_space<vmem>>) target(%dma_start3A_387 : memref<80x128xf32, #tpu.memory_space<hbm>>) target_semaphore(%run_scoped3A_381 : memref<!tpu.dma_semaphore, #tpu.memory_space<semaphore_mem>>)
        %dma_wait3A_388 = arith.constant 0 : i32
        %dma_wait3A_389 = tpu.memref_slice %arg5[%run_scoped3A, %add3A_324, %dma_wait3A_388] : memref<2x10240x128xf32, #tpu.memory_space<hbm>> -> memref<1x80x128xf32, #tpu.memory_space<hbm>>
        %dma_wait3A_390 = tpu.memref_squeeze %dma_wait3A_389 : memref<1x80x128xf32, #tpu.memory_space<hbm>> -> memref<80x128xf32, #tpu.memory_space<hbm>>
        %dma_wait3A_391 = arith.constant 0 : i32
        %dma_wait3A_392 = tpu.memref_slice %arg5[%run_scoped3A, %add3A_324, %dma_wait3A_391] : memref<2x10240x128xf32, #tpu.memory_space<hbm>> -> memref<1x80x128xf32, #tpu.memory_space<hbm>>
        %dma_wait3A_393 = tpu.memref_squeeze %dma_wait3A_392 : memref<1x80x128xf32, #tpu.memory_space<hbm>> -> memref<80x128xf32, #tpu.memory_space<hbm>>
        tpu.wait_dma2 semaphore(%run_scoped3A_381 : memref<!tpu.dma_semaphore, #tpu.memory_space<semaphore_mem>>) src(%arg17 : memref<80x128xf32, #tpu.memory_space<vmem>>) dst(%dma_wait3A_393 : memref<80x128xf32, #tpu.memory_space<hbm>>)
        tpu.yield
      }) : () -> ()
    } else {
    }
    %add3A_335 = arith.constant 400 : i32
    %add3A_336 = arith.addi %mul3A_0, %add3A_335 : i32
    "tpu.region"() ({
      %run_scoped3A = tpu.sem_alloc : memref<!tpu.dma_semaphore, #tpu.memory_space<semaphore_mem>>
      %dma_start3A_381 = arith.constant 0 : i32
      %dma_start3A_382 = tpu.memref_slice %arg23[%add3A_336, %dma_start3A_381] : memref<10240x128xf32, #tpu.memory_space<vmem_shared>> -> memref<80x128xf32, #tpu.memory_space<vmem_shared>>
      %dma_start3A_383 = arith.constant 0 : i32
      %dma_start3A_384 = tpu.memref_slice %arg23[%add3A_336, %dma_start3A_383] : memref<10240x128xf32, #tpu.memory_space<vmem_shared>> -> memref<80x128xf32, #tpu.memory_space<vmem_shared>>
      tpu.enqueue_dma source(%dma_start3A_384 : memref<80x128xf32, #tpu.memory_space<vmem_shared>>) target(%arg18 : memref<80x128xf32, #tpu.memory_space<vmem>>) target_semaphore(%run_scoped3A : memref<!tpu.dma_semaphore, #tpu.memory_space<semaphore_mem>>)
      %dma_wait3A_385 = arith.constant 0 : i32
      %dma_wait3A_386 = tpu.memref_slice %arg23[%add3A_336, %dma_wait3A_385] : memref<10240x128xf32, #tpu.memory_space<vmem_shared>> -> memref<80x128xf32, #tpu.memory_space<vmem_shared>>
      %dma_wait3A_387 = arith.constant 0 : i32
      %dma_wait3A_388 = tpu.memref_slice %arg23[%add3A_336, %dma_wait3A_387] : memref<10240x128xf32, #tpu.memory_space<vmem_shared>> -> memref<80x128xf32, #tpu.memory_space<vmem_shared>>
      tpu.wait_dma2 semaphore(%run_scoped3A : memref<!tpu.dma_semaphore, #tpu.memory_space<semaphore_mem>>) src(%dma_wait3A_388 : memref<80x128xf32, #tpu.memory_space<vmem_shared>>) dst(%arg18 : memref<80x128xf32, #tpu.memory_space<vmem>>)
      tpu.yield
    }) : () -> ()
    %eq3A_337 = arith.constant 0 : i32
    %eq3A_338 = arith.cmpi eq, %arg0, %eq3A_337 : i32
    %convert_element_type3A_339 = arith.extui %eq3A_338 : i1 to i32
    %cond3A_340 = arith.constant 0 : i32
    %cond3A_341 = arith.cmpi ne, %convert_element_type3A_339, %cond3A_340 : i32
    scf.if %cond3A_341 {
      %run_scoped3A = arith.constant 0 : i32
      "tpu.region"() ({
        %run_scoped3A_381 = tpu.sem_alloc : memref<!tpu.dma_semaphore, #tpu.memory_space<semaphore_mem>>
        %dma_start3A_382 = arith.constant 0 : i32
        %dma_start3A_383 = tpu.memref_slice %arg5[%run_scoped3A, %add3A_336, %dma_start3A_382] : memref<2x10240x128xf32, #tpu.memory_space<hbm>> -> memref<1x80x128xf32, #tpu.memory_space<hbm>>
        %dma_start3A_384 = tpu.memref_squeeze %dma_start3A_383 : memref<1x80x128xf32, #tpu.memory_space<hbm>> -> memref<80x128xf32, #tpu.memory_space<hbm>>
        %dma_start3A_385 = arith.constant 0 : i32
        %dma_start3A_386 = tpu.memref_slice %arg5[%run_scoped3A, %add3A_336, %dma_start3A_385] : memref<2x10240x128xf32, #tpu.memory_space<hbm>> -> memref<1x80x128xf32, #tpu.memory_space<hbm>>
        %dma_start3A_387 = tpu.memref_squeeze %dma_start3A_386 : memref<1x80x128xf32, #tpu.memory_space<hbm>> -> memref<80x128xf32, #tpu.memory_space<hbm>>
        tpu.enqueue_dma source(%arg18 : memref<80x128xf32, #tpu.memory_space<vmem>>) target(%dma_start3A_387 : memref<80x128xf32, #tpu.memory_space<hbm>>) target_semaphore(%run_scoped3A_381 : memref<!tpu.dma_semaphore, #tpu.memory_space<semaphore_mem>>)
        %dma_wait3A_388 = arith.constant 0 : i32
        %dma_wait3A_389 = tpu.memref_slice %arg5[%run_scoped3A, %add3A_336, %dma_wait3A_388] : memref<2x10240x128xf32, #tpu.memory_space<hbm>> -> memref<1x80x128xf32, #tpu.memory_space<hbm>>
        %dma_wait3A_390 = tpu.memref_squeeze %dma_wait3A_389 : memref<1x80x128xf32, #tpu.memory_space<hbm>> -> memref<80x128xf32, #tpu.memory_space<hbm>>
        %dma_wait3A_391 = arith.constant 0 : i32
        %dma_wait3A_392 = tpu.memref_slice %arg5[%run_scoped3A, %add3A_336, %dma_wait3A_391] : memref<2x10240x128xf32, #tpu.memory_space<hbm>> -> memref<1x80x128xf32, #tpu.memory_space<hbm>>
        %dma_wait3A_393 = tpu.memref_squeeze %dma_wait3A_392 : memref<1x80x128xf32, #tpu.memory_space<hbm>> -> memref<80x128xf32, #tpu.memory_space<hbm>>
        tpu.wait_dma2 semaphore(%run_scoped3A_381 : memref<!tpu.dma_semaphore, #tpu.memory_space<semaphore_mem>>) src(%arg18 : memref<80x128xf32, #tpu.memory_space<vmem>>) dst(%dma_wait3A_393 : memref<80x128xf32, #tpu.memory_space<hbm>>)
        tpu.yield
      }) : () -> ()
    } else {
    }
    %eq3A_342 = arith.constant 1 : i32
    %eq3A_343 = arith.cmpi eq, %arg0, %eq3A_342 : i32
    %convert_element_type3A_344 = arith.extui %eq3A_343 : i1 to i32
    %cond3A_345 = arith.constant 0 : i32
    %cond3A_346 = arith.cmpi ne, %convert_element_type3A_344, %cond3A_345 : i32
    scf.if %cond3A_346 {
      %run_scoped3A = arith.constant 1 : i32
      "tpu.region"() ({
        %run_scoped3A_381 = tpu.sem_alloc : memref<!tpu.dma_semaphore, #tpu.memory_space<semaphore_mem>>
        %dma_start3A_382 = arith.constant 0 : i32
        %dma_start3A_383 = tpu.memref_slice %arg5[%run_scoped3A, %add3A_336, %dma_start3A_382] : memref<2x10240x128xf32, #tpu.memory_space<hbm>> -> memref<1x80x128xf32, #tpu.memory_space<hbm>>
        %dma_start3A_384 = tpu.memref_squeeze %dma_start3A_383 : memref<1x80x128xf32, #tpu.memory_space<hbm>> -> memref<80x128xf32, #tpu.memory_space<hbm>>
        %dma_start3A_385 = arith.constant 0 : i32
        %dma_start3A_386 = tpu.memref_slice %arg5[%run_scoped3A, %add3A_336, %dma_start3A_385] : memref<2x10240x128xf32, #tpu.memory_space<hbm>> -> memref<1x80x128xf32, #tpu.memory_space<hbm>>
        %dma_start3A_387 = tpu.memref_squeeze %dma_start3A_386 : memref<1x80x128xf32, #tpu.memory_space<hbm>> -> memref<80x128xf32, #tpu.memory_space<hbm>>
        tpu.enqueue_dma source(%arg18 : memref<80x128xf32, #tpu.memory_space<vmem>>) target(%dma_start3A_387 : memref<80x128xf32, #tpu.memory_space<hbm>>) target_semaphore(%run_scoped3A_381 : memref<!tpu.dma_semaphore, #tpu.memory_space<semaphore_mem>>)
        %dma_wait3A_388 = arith.constant 0 : i32
        %dma_wait3A_389 = tpu.memref_slice %arg5[%run_scoped3A, %add3A_336, %dma_wait3A_388] : memref<2x10240x128xf32, #tpu.memory_space<hbm>> -> memref<1x80x128xf32, #tpu.memory_space<hbm>>
        %dma_wait3A_390 = tpu.memref_squeeze %dma_wait3A_389 : memref<1x80x128xf32, #tpu.memory_space<hbm>> -> memref<80x128xf32, #tpu.memory_space<hbm>>
        %dma_wait3A_391 = arith.constant 0 : i32
        %dma_wait3A_392 = tpu.memref_slice %arg5[%run_scoped3A, %add3A_336, %dma_wait3A_391] : memref<2x10240x128xf32, #tpu.memory_space<hbm>> -> memref<1x80x128xf32, #tpu.memory_space<hbm>>
        %dma_wait3A_393 = tpu.memref_squeeze %dma_wait3A_392 : memref<1x80x128xf32, #tpu.memory_space<hbm>> -> memref<80x128xf32, #tpu.memory_space<hbm>>
        tpu.wait_dma2 semaphore(%run_scoped3A_381 : memref<!tpu.dma_semaphore, #tpu.memory_space<semaphore_mem>>) src(%arg18 : memref<80x128xf32, #tpu.memory_space<vmem>>) dst(%dma_wait3A_393 : memref<80x128xf32, #tpu.memory_space<hbm>>)
        tpu.yield
      }) : () -> ()
    } else {
    }
    %add3A_347 = arith.constant 480 : i32
    %add3A_348 = arith.addi %mul3A_0, %add3A_347 : i32
    "tpu.region"() ({
      %run_scoped3A = tpu.sem_alloc : memref<!tpu.dma_semaphore, #tpu.memory_space<semaphore_mem>>
      %dma_start3A_381 = arith.constant 0 : i32
      %dma_start3A_382 = tpu.memref_slice %arg23[%add3A_348, %dma_start3A_381] : memref<10240x128xf32, #tpu.memory_space<vmem_shared>> -> memref<80x128xf32, #tpu.memory_space<vmem_shared>>
      %dma_start3A_383 = arith.constant 0 : i32
      %dma_start3A_384 = tpu.memref_slice %arg23[%add3A_348, %dma_start3A_383] : memref<10240x128xf32, #tpu.memory_space<vmem_shared>> -> memref<80x128xf32, #tpu.memory_space<vmem_shared>>
      tpu.enqueue_dma source(%dma_start3A_384 : memref<80x128xf32, #tpu.memory_space<vmem_shared>>) target(%arg17 : memref<80x128xf32, #tpu.memory_space<vmem>>) target_semaphore(%run_scoped3A : memref<!tpu.dma_semaphore, #tpu.memory_space<semaphore_mem>>)
      %dma_wait3A_385 = arith.constant 0 : i32
      %dma_wait3A_386 = tpu.memref_slice %arg23[%add3A_348, %dma_wait3A_385] : memref<10240x128xf32, #tpu.memory_space<vmem_shared>> -> memref<80x128xf32, #tpu.memory_space<vmem_shared>>
      %dma_wait3A_387 = arith.constant 0 : i32
      %dma_wait3A_388 = tpu.memref_slice %arg23[%add3A_348, %dma_wait3A_387] : memref<10240x128xf32, #tpu.memory_space<vmem_shared>> -> memref<80x128xf32, #tpu.memory_space<vmem_shared>>
      tpu.wait_dma2 semaphore(%run_scoped3A : memref<!tpu.dma_semaphore, #tpu.memory_space<semaphore_mem>>) src(%dma_wait3A_388 : memref<80x128xf32, #tpu.memory_space<vmem_shared>>) dst(%arg17 : memref<80x128xf32, #tpu.memory_space<vmem>>)
      tpu.yield
    }) : () -> ()
    %eq3A_349 = arith.constant 0 : i32
    %eq3A_350 = arith.cmpi eq, %arg0, %eq3A_349 : i32
    %convert_element_type3A_351 = arith.extui %eq3A_350 : i1 to i32
    %cond3A_352 = arith.constant 0 : i32
    %cond3A_353 = arith.cmpi ne, %convert_element_type3A_351, %cond3A_352 : i32
    scf.if %cond3A_353 {
      %run_scoped3A = arith.constant 0 : i32
      "tpu.region"() ({
        %run_scoped3A_381 = tpu.sem_alloc : memref<!tpu.dma_semaphore, #tpu.memory_space<semaphore_mem>>
        %dma_start3A_382 = arith.constant 0 : i32
        %dma_start3A_383 = tpu.memref_slice %arg5[%run_scoped3A, %add3A_348, %dma_start3A_382] : memref<2x10240x128xf32, #tpu.memory_space<hbm>> -> memref<1x80x128xf32, #tpu.memory_space<hbm>>
        %dma_start3A_384 = tpu.memref_squeeze %dma_start3A_383 : memref<1x80x128xf32, #tpu.memory_space<hbm>> -> memref<80x128xf32, #tpu.memory_space<hbm>>
        %dma_start3A_385 = arith.constant 0 : i32
        %dma_start3A_386 = tpu.memref_slice %arg5[%run_scoped3A, %add3A_348, %dma_start3A_385] : memref<2x10240x128xf32, #tpu.memory_space<hbm>> -> memref<1x80x128xf32, #tpu.memory_space<hbm>>
        %dma_start3A_387 = tpu.memref_squeeze %dma_start3A_386 : memref<1x80x128xf32, #tpu.memory_space<hbm>> -> memref<80x128xf32, #tpu.memory_space<hbm>>
        tpu.enqueue_dma source(%arg17 : memref<80x128xf32, #tpu.memory_space<vmem>>) target(%dma_start3A_387 : memref<80x128xf32, #tpu.memory_space<hbm>>) target_semaphore(%run_scoped3A_381 : memref<!tpu.dma_semaphore, #tpu.memory_space<semaphore_mem>>)
        %dma_wait3A_388 = arith.constant 0 : i32
        %dma_wait3A_389 = tpu.memref_slice %arg5[%run_scoped3A, %add3A_348, %dma_wait3A_388] : memref<2x10240x128xf32, #tpu.memory_space<hbm>> -> memref<1x80x128xf32, #tpu.memory_space<hbm>>
        %dma_wait3A_390 = tpu.memref_squeeze %dma_wait3A_389 : memref<1x80x128xf32, #tpu.memory_space<hbm>> -> memref<80x128xf32, #tpu.memory_space<hbm>>
        %dma_wait3A_391 = arith.constant 0 : i32
        %dma_wait3A_392 = tpu.memref_slice %arg5[%run_scoped3A, %add3A_348, %dma_wait3A_391] : memref<2x10240x128xf32, #tpu.memory_space<hbm>> -> memref<1x80x128xf32, #tpu.memory_space<hbm>>
        %dma_wait3A_393 = tpu.memref_squeeze %dma_wait3A_392 : memref<1x80x128xf32, #tpu.memory_space<hbm>> -> memref<80x128xf32, #tpu.memory_space<hbm>>
        tpu.wait_dma2 semaphore(%run_scoped3A_381 : memref<!tpu.dma_semaphore, #tpu.memory_space<semaphore_mem>>) src(%arg17 : memref<80x128xf32, #tpu.memory_space<vmem>>) dst(%dma_wait3A_393 : memref<80x128xf32, #tpu.memory_space<hbm>>)
        tpu.yield
      }) : () -> ()
    } else {
    }
    %eq3A_354 = arith.constant 1 : i32
    %eq3A_355 = arith.cmpi eq, %arg0, %eq3A_354 : i32
    %convert_element_type3A_356 = arith.extui %eq3A_355 : i1 to i32
    %cond3A_357 = arith.constant 0 : i32
    %cond3A_358 = arith.cmpi ne, %convert_element_type3A_356, %cond3A_357 : i32
    scf.if %cond3A_358 {
      %run_scoped3A = arith.constant 1 : i32
      "tpu.region"() ({
        %run_scoped3A_381 = tpu.sem_alloc : memref<!tpu.dma_semaphore, #tpu.memory_space<semaphore_mem>>
        %dma_start3A_382 = arith.constant 0 : i32
        %dma_start3A_383 = tpu.memref_slice %arg5[%run_scoped3A, %add3A_348, %dma_start3A_382] : memref<2x10240x128xf32, #tpu.memory_space<hbm>> -> memref<1x80x128xf32, #tpu.memory_space<hbm>>
        %dma_start3A_384 = tpu.memref_squeeze %dma_start3A_383 : memref<1x80x128xf32, #tpu.memory_space<hbm>> -> memref<80x128xf32, #tpu.memory_space<hbm>>
        %dma_start3A_385 = arith.constant 0 : i32
        %dma_start3A_386 = tpu.memref_slice %arg5[%run_scoped3A, %add3A_348, %dma_start3A_385] : memref<2x10240x128xf32, #tpu.memory_space<hbm>> -> memref<1x80x128xf32, #tpu.memory_space<hbm>>
        %dma_start3A_387 = tpu.memref_squeeze %dma_start3A_386 : memref<1x80x128xf32, #tpu.memory_space<hbm>> -> memref<80x128xf32, #tpu.memory_space<hbm>>
        tpu.enqueue_dma source(%arg17 : memref<80x128xf32, #tpu.memory_space<vmem>>) target(%dma_start3A_387 : memref<80x128xf32, #tpu.memory_space<hbm>>) target_semaphore(%run_scoped3A_381 : memref<!tpu.dma_semaphore, #tpu.memory_space<semaphore_mem>>)
        %dma_wait3A_388 = arith.constant 0 : i32
        %dma_wait3A_389 = tpu.memref_slice %arg5[%run_scoped3A, %add3A_348, %dma_wait3A_388] : memref<2x10240x128xf32, #tpu.memory_space<hbm>> -> memref<1x80x128xf32, #tpu.memory_space<hbm>>
        %dma_wait3A_390 = tpu.memref_squeeze %dma_wait3A_389 : memref<1x80x128xf32, #tpu.memory_space<hbm>> -> memref<80x128xf32, #tpu.memory_space<hbm>>
        %dma_wait3A_391 = arith.constant 0 : i32
        %dma_wait3A_392 = tpu.memref_slice %arg5[%run_scoped3A, %add3A_348, %dma_wait3A_391] : memref<2x10240x128xf32, #tpu.memory_space<hbm>> -> memref<1x80x128xf32, #tpu.memory_space<hbm>>
        %dma_wait3A_393 = tpu.memref_squeeze %dma_wait3A_392 : memref<1x80x128xf32, #tpu.memory_space<hbm>> -> memref<80x128xf32, #tpu.memory_space<hbm>>
        tpu.wait_dma2 semaphore(%run_scoped3A_381 : memref<!tpu.dma_semaphore, #tpu.memory_space<semaphore_mem>>) src(%arg17 : memref<80x128xf32, #tpu.memory_space<vmem>>) dst(%dma_wait3A_393 : memref<80x128xf32, #tpu.memory_space<hbm>>)
        tpu.yield
      }) : () -> ()
    } else {
    }
    %add3A_359 = arith.constant 560 : i32
    %add3A_360 = arith.addi %mul3A_0, %add3A_359 : i32
    "tpu.region"() ({
      %run_scoped3A = tpu.sem_alloc : memref<!tpu.dma_semaphore, #tpu.memory_space<semaphore_mem>>
      %dma_start3A_381 = arith.constant 0 : i32
      %dma_start3A_382 = tpu.memref_slice %arg23[%add3A_360, %dma_start3A_381] : memref<10240x128xf32, #tpu.memory_space<vmem_shared>> -> memref<80x128xf32, #tpu.memory_space<vmem_shared>>
      %dma_start3A_383 = arith.constant 0 : i32
      %dma_start3A_384 = tpu.memref_slice %arg23[%add3A_360, %dma_start3A_383] : memref<10240x128xf32, #tpu.memory_space<vmem_shared>> -> memref<80x128xf32, #tpu.memory_space<vmem_shared>>
      tpu.enqueue_dma source(%dma_start3A_384 : memref<80x128xf32, #tpu.memory_space<vmem_shared>>) target(%arg18 : memref<80x128xf32, #tpu.memory_space<vmem>>) target_semaphore(%run_scoped3A : memref<!tpu.dma_semaphore, #tpu.memory_space<semaphore_mem>>)
      %dma_wait3A_385 = arith.constant 0 : i32
      %dma_wait3A_386 = tpu.memref_slice %arg23[%add3A_360, %dma_wait3A_385] : memref<10240x128xf32, #tpu.memory_space<vmem_shared>> -> memref<80x128xf32, #tpu.memory_space<vmem_shared>>
      %dma_wait3A_387 = arith.constant 0 : i32
      %dma_wait3A_388 = tpu.memref_slice %arg23[%add3A_360, %dma_wait3A_387] : memref<10240x128xf32, #tpu.memory_space<vmem_shared>> -> memref<80x128xf32, #tpu.memory_space<vmem_shared>>
      tpu.wait_dma2 semaphore(%run_scoped3A : memref<!tpu.dma_semaphore, #tpu.memory_space<semaphore_mem>>) src(%dma_wait3A_388 : memref<80x128xf32, #tpu.memory_space<vmem_shared>>) dst(%arg18 : memref<80x128xf32, #tpu.memory_space<vmem>>)
      tpu.yield
    }) : () -> ()
    %eq3A_361 = arith.constant 0 : i32
    %eq3A_362 = arith.cmpi eq, %arg0, %eq3A_361 : i32
    %convert_element_type3A_363 = arith.extui %eq3A_362 : i1 to i32
    %cond3A_364 = arith.constant 0 : i32
    %cond3A_365 = arith.cmpi ne, %convert_element_type3A_363, %cond3A_364 : i32
    scf.if %cond3A_365 {
      %run_scoped3A = arith.constant 0 : i32
      "tpu.region"() ({
        %run_scoped3A_381 = tpu.sem_alloc : memref<!tpu.dma_semaphore, #tpu.memory_space<semaphore_mem>>
        %dma_start3A_382 = arith.constant 0 : i32
        %dma_start3A_383 = tpu.memref_slice %arg5[%run_scoped3A, %add3A_360, %dma_start3A_382] : memref<2x10240x128xf32, #tpu.memory_space<hbm>> -> memref<1x80x128xf32, #tpu.memory_space<hbm>>
        %dma_start3A_384 = tpu.memref_squeeze %dma_start3A_383 : memref<1x80x128xf32, #tpu.memory_space<hbm>> -> memref<80x128xf32, #tpu.memory_space<hbm>>
        %dma_start3A_385 = arith.constant 0 : i32
        %dma_start3A_386 = tpu.memref_slice %arg5[%run_scoped3A, %add3A_360, %dma_start3A_385] : memref<2x10240x128xf32, #tpu.memory_space<hbm>> -> memref<1x80x128xf32, #tpu.memory_space<hbm>>
        %dma_start3A_387 = tpu.memref_squeeze %dma_start3A_386 : memref<1x80x128xf32, #tpu.memory_space<hbm>> -> memref<80x128xf32, #tpu.memory_space<hbm>>
        tpu.enqueue_dma source(%arg18 : memref<80x128xf32, #tpu.memory_space<vmem>>) target(%dma_start3A_387 : memref<80x128xf32, #tpu.memory_space<hbm>>) target_semaphore(%run_scoped3A_381 : memref<!tpu.dma_semaphore, #tpu.memory_space<semaphore_mem>>)
        %dma_wait3A_388 = arith.constant 0 : i32
        %dma_wait3A_389 = tpu.memref_slice %arg5[%run_scoped3A, %add3A_360, %dma_wait3A_388] : memref<2x10240x128xf32, #tpu.memory_space<hbm>> -> memref<1x80x128xf32, #tpu.memory_space<hbm>>
        %dma_wait3A_390 = tpu.memref_squeeze %dma_wait3A_389 : memref<1x80x128xf32, #tpu.memory_space<hbm>> -> memref<80x128xf32, #tpu.memory_space<hbm>>
        %dma_wait3A_391 = arith.constant 0 : i32
        %dma_wait3A_392 = tpu.memref_slice %arg5[%run_scoped3A, %add3A_360, %dma_wait3A_391] : memref<2x10240x128xf32, #tpu.memory_space<hbm>> -> memref<1x80x128xf32, #tpu.memory_space<hbm>>
        %dma_wait3A_393 = tpu.memref_squeeze %dma_wait3A_392 : memref<1x80x128xf32, #tpu.memory_space<hbm>> -> memref<80x128xf32, #tpu.memory_space<hbm>>
        tpu.wait_dma2 semaphore(%run_scoped3A_381 : memref<!tpu.dma_semaphore, #tpu.memory_space<semaphore_mem>>) src(%arg18 : memref<80x128xf32, #tpu.memory_space<vmem>>) dst(%dma_wait3A_393 : memref<80x128xf32, #tpu.memory_space<hbm>>)
        tpu.yield
      }) : () -> ()
    } else {
    }
    %eq3A_366 = arith.constant 1 : i32
    %eq3A_367 = arith.cmpi eq, %arg0, %eq3A_366 : i32
    %convert_element_type3A_368 = arith.extui %eq3A_367 : i1 to i32
    %cond3A_369 = arith.constant 0 : i32
    %cond3A_370 = arith.cmpi ne, %convert_element_type3A_368, %cond3A_369 : i32
    scf.if %cond3A_370 {
      %run_scoped3A = arith.constant 1 : i32
      "tpu.region"() ({
        %run_scoped3A_381 = tpu.sem_alloc : memref<!tpu.dma_semaphore, #tpu.memory_space<semaphore_mem>>
        %dma_start3A_382 = arith.constant 0 : i32
        %dma_start3A_383 = tpu.memref_slice %arg5[%run_scoped3A, %add3A_360, %dma_start3A_382] : memref<2x10240x128xf32, #tpu.memory_space<hbm>> -> memref<1x80x128xf32, #tpu.memory_space<hbm>>
        %dma_start3A_384 = tpu.memref_squeeze %dma_start3A_383 : memref<1x80x128xf32, #tpu.memory_space<hbm>> -> memref<80x128xf32, #tpu.memory_space<hbm>>
        %dma_start3A_385 = arith.constant 0 : i32
        %dma_start3A_386 = tpu.memref_slice %arg5[%run_scoped3A, %add3A_360, %dma_start3A_385] : memref<2x10240x128xf32, #tpu.memory_space<hbm>> -> memref<1x80x128xf32, #tpu.memory_space<hbm>>
        %dma_start3A_387 = tpu.memref_squeeze %dma_start3A_386 : memref<1x80x128xf32, #tpu.memory_space<hbm>> -> memref<80x128xf32, #tpu.memory_space<hbm>>
        tpu.enqueue_dma source(%arg18 : memref<80x128xf32, #tpu.memory_space<vmem>>) target(%dma_start3A_387 : memref<80x128xf32, #tpu.memory_space<hbm>>) target_semaphore(%run_scoped3A_381 : memref<!tpu.dma_semaphore, #tpu.memory_space<semaphore_mem>>)
        %dma_wait3A_388 = arith.constant 0 : i32
        %dma_wait3A_389 = tpu.memref_slice %arg5[%run_scoped3A, %add3A_360, %dma_wait3A_388] : memref<2x10240x128xf32, #tpu.memory_space<hbm>> -> memref<1x80x128xf32, #tpu.memory_space<hbm>>
        %dma_wait3A_390 = tpu.memref_squeeze %dma_wait3A_389 : memref<1x80x128xf32, #tpu.memory_space<hbm>> -> memref<80x128xf32, #tpu.memory_space<hbm>>
        %dma_wait3A_391 = arith.constant 0 : i32
        %dma_wait3A_392 = tpu.memref_slice %arg5[%run_scoped3A, %add3A_360, %dma_wait3A_391] : memref<2x10240x128xf32, #tpu.memory_space<hbm>> -> memref<1x80x128xf32, #tpu.memory_space<hbm>>
        %dma_wait3A_393 = tpu.memref_squeeze %dma_wait3A_392 : memref<1x80x128xf32, #tpu.memory_space<hbm>> -> memref<80x128xf32, #tpu.memory_space<hbm>>
        tpu.wait_dma2 semaphore(%run_scoped3A_381 : memref<!tpu.dma_semaphore, #tpu.memory_space<semaphore_mem>>) src(%arg18 : memref<80x128xf32, #tpu.memory_space<vmem>>) dst(%dma_wait3A_393 : memref<80x128xf32, #tpu.memory_space<hbm>>)
        tpu.yield
      }) : () -> ()
    } else {
    }
    "tpu.region"() ({
      %run_scoped3A = tpu.sem_alloc : memref<!tpu.dma_semaphore, #tpu.memory_space<semaphore_mem>>
      %dma_start3A_381 = tpu.memref_slice %arg24[%mul3A_0] : memref<10240xf32, #tpu.memory_space<vmem_shared>> -> memref<640xf32, #tpu.memory_space<vmem_shared>>
      %dma_start3A_382 = tpu.memref_slice %arg24[%mul3A_0] : memref<10240xf32, #tpu.memory_space<vmem_shared>> -> memref<640xf32, #tpu.memory_space<vmem_shared>>
      tpu.enqueue_dma source(%dma_start3A_382 : memref<640xf32, #tpu.memory_space<vmem_shared>>) target(%arg22 : memref<640xf32, #tpu.memory_space<vmem>>) target_semaphore(%run_scoped3A : memref<!tpu.dma_semaphore, #tpu.memory_space<semaphore_mem>>)
      %dma_wait3A_383 = tpu.memref_slice %arg24[%mul3A_0] : memref<10240xf32, #tpu.memory_space<vmem_shared>> -> memref<640xf32, #tpu.memory_space<vmem_shared>>
      %dma_wait3A_384 = tpu.memref_slice %arg24[%mul3A_0] : memref<10240xf32, #tpu.memory_space<vmem_shared>> -> memref<640xf32, #tpu.memory_space<vmem_shared>>
      tpu.wait_dma2 semaphore(%run_scoped3A : memref<!tpu.dma_semaphore, #tpu.memory_space<semaphore_mem>>) src(%dma_wait3A_384 : memref<640xf32, #tpu.memory_space<vmem_shared>>) dst(%arg22 : memref<640xf32, #tpu.memory_space<vmem>>)
      tpu.yield
    }) : () -> ()
    %eq3A_371 = arith.constant 0 : i32
    %eq3A_372 = arith.cmpi eq, %arg0, %eq3A_371 : i32
    %convert_element_type3A_373 = arith.extui %eq3A_372 : i1 to i32
    %cond3A_374 = arith.constant 0 : i32
    %cond3A_375 = arith.cmpi ne, %convert_element_type3A_373, %cond3A_374 : i32
    scf.if %cond3A_375 {
      %run_scoped3A = arith.constant 0 : i32
      "tpu.region"() ({
        %run_scoped3A_381 = tpu.sem_alloc : memref<!tpu.dma_semaphore, #tpu.memory_space<semaphore_mem>>
        %dma_start3A_382 = tpu.memref_slice %arg6[%run_scoped3A, %mul3A_0] : memref<2x10240xf32, #tpu.memory_space<hbm>> -> memref<1x640xf32, #tpu.memory_space<hbm>>
        %dma_start3A_383 = tpu.memref_squeeze %dma_start3A_382 : memref<1x640xf32, #tpu.memory_space<hbm>> -> memref<640xf32, #tpu.memory_space<hbm>>
        %dma_start3A_384 = tpu.memref_slice %arg6[%run_scoped3A, %mul3A_0] : memref<2x10240xf32, #tpu.memory_space<hbm>> -> memref<1x640xf32, #tpu.memory_space<hbm>>
        %dma_start3A_385 = tpu.memref_squeeze %dma_start3A_384 : memref<1x640xf32, #tpu.memory_space<hbm>> -> memref<640xf32, #tpu.memory_space<hbm>>
        tpu.enqueue_dma source(%arg22 : memref<640xf32, #tpu.memory_space<vmem>>) target(%dma_start3A_385 : memref<640xf32, #tpu.memory_space<hbm>>) target_semaphore(%run_scoped3A_381 : memref<!tpu.dma_semaphore, #tpu.memory_space<semaphore_mem>>)
        %dma_wait3A_386 = tpu.memref_slice %arg6[%run_scoped3A, %mul3A_0] : memref<2x10240xf32, #tpu.memory_space<hbm>> -> memref<1x640xf32, #tpu.memory_space<hbm>>
        %dma_wait3A_387 = tpu.memref_squeeze %dma_wait3A_386 : memref<1x640xf32, #tpu.memory_space<hbm>> -> memref<640xf32, #tpu.memory_space<hbm>>
        %dma_wait3A_388 = tpu.memref_slice %arg6[%run_scoped3A, %mul3A_0] : memref<2x10240xf32, #tpu.memory_space<hbm>> -> memref<1x640xf32, #tpu.memory_space<hbm>>
        %dma_wait3A_389 = tpu.memref_squeeze %dma_wait3A_388 : memref<1x640xf32, #tpu.memory_space<hbm>> -> memref<640xf32, #tpu.memory_space<hbm>>
        tpu.wait_dma2 semaphore(%run_scoped3A_381 : memref<!tpu.dma_semaphore, #tpu.memory_space<semaphore_mem>>) src(%arg22 : memref<640xf32, #tpu.memory_space<vmem>>) dst(%dma_wait3A_389 : memref<640xf32, #tpu.memory_space<hbm>>)
        tpu.yield
      }) : () -> ()
    } else {
    }
    %eq3A_376 = arith.constant 1 : i32
    %eq3A_377 = arith.cmpi eq, %arg0, %eq3A_376 : i32
    %convert_element_type3A_378 = arith.extui %eq3A_377 : i1 to i32
    %cond3A_379 = arith.constant 0 : i32
    %cond3A_380 = arith.cmpi ne, %convert_element_type3A_378, %cond3A_379 : i32
    scf.if %cond3A_380 {
      %run_scoped3A = arith.constant 1 : i32
      "tpu.region"() ({
        %run_scoped3A_381 = tpu.sem_alloc : memref<!tpu.dma_semaphore, #tpu.memory_space<semaphore_mem>>
        %dma_start3A_382 = tpu.memref_slice %arg6[%run_scoped3A, %mul3A_0] : memref<2x10240xf32, #tpu.memory_space<hbm>> -> memref<1x640xf32, #tpu.memory_space<hbm>>
        %dma_start3A_383 = tpu.memref_squeeze %dma_start3A_382 : memref<1x640xf32, #tpu.memory_space<hbm>> -> memref<640xf32, #tpu.memory_space<hbm>>
        %dma_start3A_384 = tpu.memref_slice %arg6[%run_scoped3A, %mul3A_0] : memref<2x10240xf32, #tpu.memory_space<hbm>> -> memref<1x640xf32, #tpu.memory_space<hbm>>
        %dma_start3A_385 = tpu.memref_squeeze %dma_start3A_384 : memref<1x640xf32, #tpu.memory_space<hbm>> -> memref<640xf32, #tpu.memory_space<hbm>>
        tpu.enqueue_dma source(%arg22 : memref<640xf32, #tpu.memory_space<vmem>>) target(%dma_start3A_385 : memref<640xf32, #tpu.memory_space<hbm>>) target_semaphore(%run_scoped3A_381 : memref<!tpu.dma_semaphore, #tpu.memory_space<semaphore_mem>>)
        %dma_wait3A_386 = tpu.memref_slice %arg6[%run_scoped3A, %mul3A_0] : memref<2x10240xf32, #tpu.memory_space<hbm>> -> memref<1x640xf32, #tpu.memory_space<hbm>>
        %dma_wait3A_387 = tpu.memref_squeeze %dma_wait3A_386 : memref<1x640xf32, #tpu.memory_space<hbm>> -> memref<640xf32, #tpu.memory_space<hbm>>
        %dma_wait3A_388 = tpu.memref_slice %arg6[%run_scoped3A, %mul3A_0] : memref<2x10240xf32, #tpu.memory_space<hbm>> -> memref<1x640xf32, #tpu.memory_space<hbm>>
        %dma_wait3A_389 = tpu.memref_squeeze %dma_wait3A_388 : memref<1x640xf32, #tpu.memory_space<hbm>> -> memref<640xf32, #tpu.memory_space<hbm>>
        tpu.wait_dma2 semaphore(%run_scoped3A_381 : memref<!tpu.dma_semaphore, #tpu.memory_space<semaphore_mem>>) src(%arg22 : memref<640xf32, #tpu.memory_space<vmem>>) dst(%dma_wait3A_389 : memref<640xf32, #tpu.memory_space<hbm>>)
        tpu.yield
      }) : () -> ()
    } else {
    }
    return
  }
}

</mosaic_0001>

<sc_bundles>
// kernel: _sc_aggregate.3.cloned.1.call-start
scs
__scs_entry_jumppad:
0x0: {  	(pc) =	sbr.rel $0x88, $3  }
0x1: {  	(tag) =	ssettag $0x0;
	lr =	simm.s32 $0x1  }
0x2: {  	[smem:$0x3F9E] =	sst lr;
	_ =	strace $0xD0000000  }
0x3: {  	_ = 	snop  }
0x4: {  	_ = 	snop  }
0x5: {  	_ = 	snop  }
0x6: {  	_ = 	snop  }
0x7: {  	_ = 	snop  }
__scs_overlays_trampoline_lowered:
0x8: {  	[smem:$0x3FAD] =	sst s0  }
0x9: {  	[smem:$0x3FAE] =	sst s1  }
0xa: {  	[smem:$0x3FAF] =	sst s2  }
0xb: {  	[smem:$0x3FB0] =	sst s3  }
0xc: {  	[smem:$0x3FB1] =	sst s4  }
0xd: {  	[smem:$0x3FB2] =	sst s5  }
0xe: {  	[smem:$0x3FB3] =	sst s6  }
0xf: {  	[smem:$0x3FB4] =	sst s7  }
0x10: {  	[smem:$0x3FB5] =	sst s8  }
0x11: {  	[smem:$0x3FB6] =	sst s9;
	s0 =	simm.s32 @!p0 $0x0  }
0x12: {  	s1 =	sld [smem:$0x3F9C];
	s0 =	simm.s32 @p0 $0x1  }
0x13: {  	[smem:$0x3FB7] =	sst s0;
	s0 =	simm.s32 @!p1 $0x0  }
0x14: {  	s2 =	sld [smem:$0x3F9B];
	s0 =	simm.s32 @p1 $0x1  }
0x15: {  	[smem:$0x3FB8] =	sst s0;
	s0 =	simm.s32 @!p2 $0x0  }
0x16: {  	s3 =	sld [smem:$0x3FDB];
	s0 =	simm.s32 @p2 $0x1  }
0x17: {  	s4 =	simm.s32 $0x1BF5;
	[smem:$0x3FBA] =	sst s0  }
0x18: {  	s0 =	sld [smem:$0x3F9D];
	_ =	swait.ge [sflag:s4], $0x0  }
0x19: {  	s7 =	sld [smem:$0x3F9E]  }
0x1a: {  	s8 =	sadd.s32 $0xFFFFE003, lr  }
0x1b: {  	s9 =	sadd.s32 $0xFFFFFEF7, lr;
	s5 =	simm.s32 $0xFFFFFFFF;
	p2 =	slt.u32 s8, $0xFFFFF086  }
0x1c: {  	p1 =	slt.u32 s9, $0xF7A;
	s5 =	simm.s32 @!p2 $0x0  }
0x1d: {  	s5 =	simm.s32 @p1 $0x1;
	p0 =	seq.s32 s7, s2  }
0x1e: {  	s7 =	smul.u32 @!p0 $0xF7A, s2;
	p2 =	seq.s32 @!p0 s5, $0x0  }
0x1f: {  	s9 =	smul.u32 $0xF7A, s1;
	s8 =	simm.s32 @!p0 $0x1BF5;
	p2 =	por !p2, p0  }
0x20: {  	[sflag:s8] =	ssyncset.s32 @!p0 $0xFFFFF086;
	s6 =	sadd.s32 @!p0 s3, s7;
	s7 =	simm.s32 @!p0 $0x108  }
0x21: {  	s3 =	sadd.s32 s3, s9;
	s6 =	sadd.s32 @!p0 $0x88, s6;
	s7 =	simm.s32 @p2 $0x1082  }
0x22: {  	[simem:s7], [sflag:s8] =	dma.local @!p0 [hbm:s6], $0xF7A  }
0x23: {  	s9 =	sor.u32 $0xD0000000, s2;
	s6 =	simm.s32 $0x108;
	_ =	swait.ge @!p0 [sflag:s8], $0x0  }
0x24: {  	s3 =	sadd.s32 $0x88, s3;
	s6 =	simm.s32 @!p1 $0x1082;
	[sflag:s4] =	ssyncset.s32 $0xFFFFF086  }
0x25: {  	[simem:s6], [sflag:s4] =	dma.local [hbm:s3], $0xF7A  }
0x26: {  	[smem:$0x3F9E] =	sst s1;
	(tag) =	ssettag s2;
	_ =	strace s9  }
0x27: {  	s1 =	sld [smem:$0x3FAE]  }
0x28: {  	s2 =	sld [smem:$0x3FAF]  }
0x29: {  	s4 =	sld [smem:$0x3FB1]  }
0x2a: {  	p0 =	seq.s32 s5, $0x0;
	s5 =	sld [smem:$0x3FB2]  }
0x2b: {  	s6 =	sld [smem:$0x3FB3]  }
0x2c: {  	s7 =	sld [smem:$0x3FB4]  }
0x2d: {  	s3 =	simm.s32 $0x108;
	s8 =	sld [smem:$0x3FB5]  }
0x2e: {  	s3 =	simm.s32 @!p0 $0x1082;
	s9 =	sld [smem:$0x3FB6]  }
0x2f: {  	lr =	sadd.s32 s0, s3;
	s0 =	sld [smem:$0x3FAD]  }
0x30: {  	s3 =	sld [smem:$0x3FB0]  }
0x31: {  	[smem:$0x3FB9] =	sst s10  }
0x32: {  	s10 =	sld [smem:$0x3FB7];
	_ =	sdelay $0x3  }
0x33: {  	p0 =	seq.s32 s10, $0x1;
	s10 =	sld [smem:$0x3FB9];
	_ =	sdelay $0x3  }
0x34: {  	[smem:$0x3FB9] =	sst s10  }
0x35: {  	s10 =	sld [smem:$0x3FB8];
	_ =	sdelay $0x3  }
0x36: {  	p1 =	seq.s32 s10, $0x1;
	s10 =	sld [smem:$0x3FB9];
	_ =	sdelay $0x3  }
0x37: {  	[smem:$0x3FB9] =	sst s10  }
0x38: {  	s10 =	sld [smem:$0x3FBA]  }
0x39: {  	_ = 	snop;
	(pc) =	sbr.ind lr, $3  }
0x3a: {  	_ = 	snop  }
0x3b: {  	_ = 	snop  }
0x3c: {  	p2 =	seq.s32 s10, $0x1;
	s10 =	sld [smem:$0x3FB9]  }
0x3d: {  	_ =	shalt  }
0x3e: {  	_ =	shalt  }
0x3f: {  	_ =	shalt  }
0x40: {  	_ =	shalt  }
0x41: {  	_ =	shalt  }
0x42: {  	_ =	shalt  }
0x43: {  	_ =	shalt  }
0x44: {  	_ =	shalt  }
0x45: {  	_ =	shalt  }
0x46: {  	_ =	shalt  }
0x47: {  	_ =	shalt  }
0x48: {  	_ =	shalt  }
0x49: {  	_ =	shalt  }
0x4a: {  	_ =	shalt  }
0x4b: {  	_ =	shalt  }
0x4c: {  	_ =	shalt  }
0x4d: {  	_ =	shalt  }
0x4e: {  	_ =	shalt  }
0x4f: {  	_ =	shalt  }
0x50: {  	_ =	shalt  }
0x51: {  	_ =	shalt  }
0x52: {  	_ =	shalt  }
0x53: {  	_ =	shalt  }
0x54: {  	_ =	shalt  }
0x55: {  	_ =	shalt  }
0x56: {  	_ =	shalt  }
0x57: {  	_ =	shalt  }
0x58: {  	_ =	shalt  }
0x59: {  	_ =	shalt  }
0x5a: {  	_ =	shalt  }
0x5b: {  	_ =	shalt  }
0x5c: {  	_ =	shalt  }
0x5d: {  	_ =	shalt  }
0x5e: {  	_ =	shalt  }
0x5f: {  	_ =	shalt  }
0x60: {  	_ =	shalt  }
0x61: {  	_ =	shalt  }
0x62: {  	_ =	shalt  }
0x63: {  	_ =	shalt  }
0x64: {  	_ =	shalt  }
0x65: {  	_ =	shalt  }
0x66: {  	_ =	shalt  }
0x67: {  	_ =	shalt  }
0x68: {  	_ =	shalt  }
0x69: {  	_ =	shalt  }
0x6a: {  	_ =	shalt  }
0x6b: {  	_ =	shalt  }
0x6c: {  	_ =	shalt  }
0x6d: {  	_ =	shalt  }
0x6e: {  	_ =	shalt  }
0x6f: {  	_ =	shalt  }
0x70: {  	_ =	shalt  }
0x71: {  	_ =	shalt  }
0x72: {  	_ =	shalt  }
0x73: {  	_ =	shalt  }
0x74: {  	_ =	shalt  }
0x75: {  	_ =	shalt  }
0x76: {  	_ =	shalt  }
0x77: {  	_ =	shalt  }
0x78: {  	_ =	shalt  }
0x79: {  	_ =	shalt  }
0x7a: {  	_ =	shalt  }
0x7b: {  	_ =	shalt  }
0x7c: {  	_ =	shalt  }
0x7d: {  	_ =	shalt  }
0x7e: {  	_ =	shalt  }
0x7f: {  	_ =	shalt  }
0x80: {  	_ =	shalt  }
0x81: {  	_ =	shalt  }
0x82: {  	_ =	shalt  }
0x83: {  	_ =	shalt  }
0x84: {  	_ =	shalt  }
0x85: {  	_ =	shalt  }
0x86: {  	_ =	shalt  }
0x87: {  	_ =	shalt  }
.Lfunc_end0:
.L_simem_size_0:
called_computation_lowered:
.L_overlay_start_0:
0x88: {  	s2 =	sld [smem:$0x3FD9]  }
0x89: {  	s3 =	sld [smem:$0x3FFE];
	_ =	sdelay $0x1  }
0x8a: {  	s1 =	srdreg.scid  }
0x8b: {  	s0 =	sand.u32 $0x1, s1  }
0x8c: {  	s15 =	sshll.u32 s0, $0xA;
	s2 =	sadd.s32 s3, s2  }
0x8d: {  	s2 =	sadd.s32 s2, s15  }
0x8e: {  	[smem:$0x3FC5] =	sst s2  }
0x8f: {  	_ = 	snop  }
0x90: {  	s2 =	sld [smem:$0x3FD0]  }
0x91: {  	s16 =	sld [smem:$0x3FC9]  }
0x92: {  	s4 =	sld [smem:$0x3FC8]  }
0x93: {  	s6 =	simm.s32 $0xA;
	s7 =	simm.s32 $0x10;
	s5 =	sld [smem:$0x3FC7]  }
0x94: {  	[smem:s7], [sflag:s6] =	dma.local [hbm:s2], $0x1  }
0x95: {  	_ =	swait.eq [sflag:s6], $0x1  }
0x96: {  	[sflag:s6] =	ssyncset.done $0x0  }
0x97: {  	s17 =	sld [smem:$0x10];
	[sflag:s6] =	ssyncadd.s32 $0xFFFFFFFF  }
0x98: {  	s18 =	sld [smem:$0x11];
	(tm) =	ssettm $0x1  }
0x99: {  	s19 =	sld [smem:$0x3FFB];
	_ =	sdelay $0x3  }
0x9a: {  	_ =	strace s19  }
0x9b: {  	s7 =	sld [smem:$0x3FFC];
	_ =	sdelay $0x3  }
0x9c: {  	_ =	strace s7  }
0x9d: {  	s7 =	sld [smem:$0x3FFD];
	_ =	sdelay $0x3  }
0x9e: {  	_ =	strace s7  }
0x9f: {  	_ =	strace $0x8FFFFFFF  }
0xa0: {  	s20 =	sld [smem:$0x3FDB];
	_ =	sdelay $0x1  }
0xa1: {  	s8 =	simm.s32 $_scs_section_size  }
0xa2: {  	s9 =	simm.s32 $_size__tile_overlayer_lowered;
	s10 =	simm.s32 $_tile_overlayer_lowered  }
0xa3: {  	s23 =	simm.s32 $0x1BFF;
	s22 =	sshll.u32 s10, $0x1;
	s7 =	sadd.s32 s8, s20  }
0xa4: {  	s11 =	simm.s32 $0x0;
	s21 =	sshll.u32 s9, $0x1;
	s9 =	sadd.s32 s22, s7  }
0xa5: {  	[timem:s11], [sflag:s23] =	dma.local [hbm:s9], s21  }
0xa6: {  	_ =	swait.ge [sflag:s23], s21  }
0xa7: {  	s8 =	ssub.s32 $0x0, s21;
	[sflag:s23] =	ssyncset.done $0x0  }
0xa8: {  	[sflag:s23] =	ssyncadd.s32 s8;
	_ =	sdelay $0x1  }
0xa9: {  	s24 =	simm.s32 $0x1B8B  }
0xaa: {  	_ =	swait.ge [sflag:s24], $0x1  }
0xab: {  	[sflag:s24] =	ssyncset.done $0x0  }
0xac: {  	s25 =	simm.s32 $0x1B8E;
	[sflag:s24] =	ssyncadd.s32 $0xFFFFFFFF  }
0xad: {  	s26 =	simm.s32 $execute0_lowered;
	[smem:$0x3FD2] =	sst s25  }
0xae: {  	s8 =	sshll.u32 s26, $0x1;
	_ =	strace $0x80000046;
	[dreg:$0x1] =	wrdreg $0xFFFFFFFF  }
0xaf: {  	s28 =	simm.s32 $_size_execute0_lowered;
	s7 =	sadd.s32 s7, s8;
	[dreg:$0x0] =	wrdreg $0x0  }
0xb0: {  	s8 =	sshll.u32 s28, $0x1;
	[dreg:$0x2] =	wrdreg s7  }
0xb1: {  	[dreg:$0x3] =	wrdreg s8  }
0xb2: {  	[dreg:$0x4] =	wrdreg $0xC0  }
0xb3: {  	_ =	task [dreg:s11], $0x5FFFF  }
0xb4: {  	[dreg:$0x1] =	wrdreg $0xFFFFFFFF  }
0xb5: {  	[dreg:$0x0] =	wrdreg $0x60  }
0xb6: {  	[dreg:$0x2] =	wrdreg s16  }
0xb7: {  	[dreg:$0x3] =	wrdreg s4  }
0xb8: {  	[dreg:$0x4] =	wrdreg s5  }
0xb9: {  	[dreg:$0x5] =	wrdreg s17  }
0xba: {  	[dreg:$0x6] =	wrdreg s18  }
0xbb: {  	[dreg:$0x7] =	wrdreg $0xA8000  }
0xbc: {  	[dreg:$0x8] =	wrdreg $0x1E8000  }
0xbd: {  	[dreg:$0x9] =	wrdreg $0x9  }
0xbe: {  	_ =	task.clear_ibuf [dreg:s11], $0xAFFFF;
	_ =	strace $0x90000046  }
0xbf: {  	s29 =	simm.s32 $0x9;
	_ =	strace $0x80000048  }
0xc0: {  	_ =	swait.ge [sflag:s29], $0x1  }
0xc1: {  	[sflag:s29] =	ssyncadd.s32 $0xFFFFFFFF  }
0xc2: {  	_ =	strace $0x90000048  }
0xc3: {  	_ =	sfence  }
0xc4: {  	s30 =	sld [smem:$0x0];
	_ =	sdelay $0x2  }
0xc5: {  	s31 =	sshll.u32 s1, $0xD;
	s1 =	sshrl.u32 s1, $0x2  }
0xc6: {  	s3 =	sand.u32 $0x4000, s31;
	s1 =	sadd.s32 s1, s30  }
0xc7: {  	s0 =	sor.u32 s3, s0;
	s1 =	sshll.u32 s1, $0x11  }
0xc8: {  	s0 =	sor.u32 s1, s0  }
0xc9: {  	s0 =	sadd.s32 $0x8F2B, s0  }
0xca: {  	[sflag:s0] =	ssyncadd.remote.s32 $0x1  }
0xcb: {  	_ =	sfence.sel $0xFFFF  }
0xcc: {  	[dreg:$0x0] =	wrdreg $0xFFFFFFFF;
	(pc) =	sbr.abs _section_cstart, $3  }
0xcd: {  	[dreg:$0x1] =	wrdreg $0xFFFFFFFF  }
0xce: {  	_ =	task.clear_ibuf [dreg:s11], $0x2FFFF;
	_ =	strace $0x9FFFFFFF  }
0xcf: {  	(tm) =	ssettm $0x7FFFFFFF  }
tec
execute0_lowered:
.L_overlay_start_1:
0x0: {  	(tag) =	ssettag $0x1  }
0x1: {  	s29 =	rddreg [dreg:$0x0]  }
0x2: {  	s7 =	rddreg [dreg:$0x1]  }
0x3: {  	s6 =	rddreg [dreg:$0x2]  }
0x4: {  	s13 =	rddreg [dreg:$0x3]  }
0x5: {  	s14 =	rddreg [dreg:$0x4]  }
0x6: {  	s1 =	srdreg.scid;
	s24 =	stileid.u32  }
0x7: {  	s3 =	rddreg [dreg:$0x5];
	s15 =	sand.u32 $0x1, s1;
	s1 =	smul.u32 $0x280, s24  }
0x8: {  	s25 =	rddreg [dreg:$0x6];
	s5 =	simm.s32 $0x0;
	s16 =	smul.u32 $0x14000, s24  }
0x9: {  	[smem:$0x7FF] =	sst s5;
	s17 =	smul.u32 $0x2800, s24  }
0xa: {  	s19 =	sadd.s32 $0x28000, s13;
	s23 =	smul.u32 $0x2710, s24;
	s4 =	ssub.s32 $0x2, s15  }
0xb: {  	_ =	strace $0x80000047;
	p0 =	seq.s32 s15, $0x0;
	s8 =	sshrl.u32 s4, $0x1  }
0xc: {  	s12 =	sor.u32 $0x50, s1;
	s10 =	sadd.s32 $0xA0, s1;
	s11 =	sadd.s32 $0xF0, s1  }
0xd: {  	s9 =	sadd.s32 $0x140, s1;
	s16 =	sshrl.u32 s16, $0x3;
	s19 =	smov.u32 @p0 s13  }
0xe: {  	s4 =	ssub.s32 s4, s8;
	s8 =	sadd.s32 $0x190, s1;
	s16 =	sadd.s32 $0x28000, s16  }
0xf: {  	s18 =	sshll.u32 s12, $0x4;
	s20 =	sshll.u32 s10, $0x4;
	s21 =	sshll.u32 s11, $0x4  }
0x10: {  	s22 =	sshll.u32 s9, $0x4;
	s16 =	smov.u32 @p0 s17;
	s0 =	sadd.s32 s19, s18  }
0x11: {  	s17 =	smul.u32 $0x27100, s15;
	s2 =	sadd.s32 s19, s20;
	[dreg:$0x11] =	wrdreg s0  }
0x12: {  	s26 =	sshll.u32 s8, $0x4;
	s18 =	sadd.s32 s19, s21;
	[dreg:$0x12] =	wrdreg s2  }
0x13: {  	s20 =	sadd.s32 s19, s22;
	s15 =	sshll.u32 s15, $0x4;
	[dreg:$0x13] =	wrdreg s18  }
0x14: {  	s13 =	sadd.s32 s13, s16;
	[dreg:$0x14] =	wrdreg s20;
	s18 =	sadd.s32 $0x1E0, s1  }
0x15: {  	s0 =	smul.u32 $0xA0, s24;
	s14 =	sadd.s32 s15, s14;
	[dreg:$0x10] =	wrdreg s13  }
0x16: {  	s16 =	sadd.s32 s23, s17;
	s13 =	sadd.s32 s19, s26;
	s22 =	sshll.u32 s18, $0x4  }
0x17: {  	[dreg:$0x15] =	wrdreg s13;
	s21 =	sadd.s32 $0x280, s16;
	s20 =	sadd.s32 s19, s22  }
0x18: {  	s13 =	sadd.s32 $0x230, s1;
	s14 =	sadd.s32 s14, s0;
	[dreg:$0x16] =	wrdreg s20  }
0x19: {  	s1 =	sadd.s32 s1, s25;
	s23 =	sshll.u32 s13, $0x4;
	[dreg:$0x18] =	wrdreg s14  }
0x1a: {  	s17 =	sshrl.u32 s21, $0x3;
	[smem:$0x7F9] =	sst s1;
	s19 =	sadd.s32 s19, s23  }
0x1b: {  	s28 =	simm.s32 $0x180;
	s26 =	sadd.s32 s17, s7;
	[dreg:$0x17] =	wrdreg s19  }
0x1c: {  	s2 =	sadd.s32 $0x230, s16;
	s17 =	sadd.s32 s17, s6;
	[dreg:$0x8] =	wrdreg s26  }
0x1d: {  	s20 =	sshrl.u32 s2, $0x3;
	s21 =	sor.u32 s24, s15;
	[dreg:$0x9] =	wrdreg s17  }
0x1e: {  	s17 =	sadd.s32 s20, s7;
	s19 =	sadd.s32 s20, s6;
	s20 =	sadd.s32 $0x1E0, s16  }
0x1f: {  	s14 =	smul.u32 $0x2710, s21;
	[dreg:$0xa] =	wrdreg s17;
	s22 =	sshrl.u32 s20, $0x3  }
0x20: {  	s16 =	sadd.s32 $0x190, s16;
	[dreg:$0xb] =	wrdreg s19;
	s17 =	sadd.s32 s22, s7  }
0x21: {  	s16 =	sshrl.u32 s16, $0x3;
	s15 =	sadd.s32 s22, s6;
	[dreg:$0xc] =	wrdreg s17  }
0x22: {  	s14 =	sshrl.u32 s14, $0x3;
	s23 =	sadd.s32 s16, s7;
	[dreg:$0xd] =	wrdreg s15  }
0x23: {  	s30 =	simm.s32 $0x10;
	s21 =	sadd.s32 s7, s14;
	[dreg:$0xe] =	wrdreg s23  }
0x24: {  	s26 =	sadd.s32 $0xA, s14;
	s22 =	sadd.s32 s6, s14;
	[dreg:$0x1d] =	wrdreg s21  }
0x25: {  	s31 =	simm.s32 $0x3;
	s2 =	sadd.s32 s7, s26;
	[dreg:$0x1e] =	wrdreg s22  }
0x26: {  	s0 =	sadd.s32 $0x14, s14;
	s15 =	sadd.s32 s6, s26;
	[dreg:$0x19] =	wrdreg s2  }
0x27: {  	s24 =	smul.u32 $0x50000, s24;
	s19 =	sadd.s32 s7, s0;
	[dreg:$0x1a] =	wrdreg s15  }
0x28: {  	s20 =	sadd.s32 s6, s0;
	s23 =	sadd.s32 $0x1E, s14;
	[dreg:$0x1b] =	wrdreg s19  }
0x29: {  	s14 =	sadd.s32 $0x28, s14;
	[dreg:$0x1c] =	wrdreg s20;
	s26 =	sadd.s32 s6, s23  }
0x2a: {  	s17 =	sshll.u32 s9, $0x7;
	s15 =	sadd.s32 s7, s23;
	[dreg:$0x1f] =	wrdreg s26  }
0x2b: {  	s22 =	sshll.u32 s13, $0x7;
	s7 =	sadd.s32 s7, s14;
	[smem:$0x7F1] =	sst s15  }
0x2c: {  	s0 =	sadd.s32 s6, s14;
	s6 =	sadd.s32 s16, s6;
	[smem:$0x7F2] =	sst s7  }
0x2d: {  	s2 =	sshrl.u32 s24, $0x2;
	s19 =	sshll.u32 s8, $0x7;
	[smem:$0x7F3] =	sst s0  }
0x2e: {  	s20 =	sshll.u32 s18, $0x7;
	s23 =	smax.u32 s4, $0x1;
	[dreg:$0xf] =	wrdreg s6  }
0x2f: {  	s18 =	simm.s32 $0x1;
	s6 =	sadd.s32 s17, s3;
	[smem:$0x7FA] =	sst s23  }
0x30: {  	s14 =	sadd.s32 s2, s3;
	s21 =	sadd.s32 s20, s3;
	[smem:$0x7F5] =	sst s6  }
0x31: {  	s7 =	sshll.u32 s12, $0x7;
	s15 =	sshll.u32 s11, $0x7;
	[smem:$0x7F7] =	sst s21  }
0x32: {  	s12 =	sshll.u32 s10, $0x7;
	s16 =	sadd.s32 s15, s3;
	[smem:$0x7FB] =	sst s14  }
0x33: {  	s10 =	simm.s32 $0x12;
	s6 =	sadd.s32 s19, s3;
	[smem:$0x7F4] =	sst s16  }
0x34: {  	s0 =	simm.s32 $0x0;
	s24 =	sadd.s32 s7, s3;
	[smem:$0x7F6] =	sst s6  }
0x35: {  	s26 =	sadd.s32 s12, s3;
	s12 =	simm.s32 $0x50;
	[smem:$0x7FC] =	sst s24  }
0x36: {  	s19 =	simm.s32 $0x11;
	s6 =	sadd.s32 s22, s3;
	[smem:$0x7FD] =	sst s26  }
0x37: {  	v0 =	vimm.f32 $0.0e+00;
	v1 =	vimm.f32 $1.000000000e+00;
	s7 =	simm.s32 $0xF;
	s16 =	simm.s32 $0xA;
	[smem:$0x7F8] =	sst s6  }
.LBB2_1:
0x38: {  	[smem:$0x7F0] =	sst s0;
	s15 =	simm.s32 $0x0;
	s21 =	simm.s32 $0x200  }
.LBB2_2:
0x39: {  	p0 =	sne.s32 s21, $0x9E00;
	[tilespmem:s15+$0x570] =	vst v0  }
0x3a: {  	[tilespmem:s15+$0x500] =	vst v0  }
0x3b: {  	[tilespmem:s15+$0x510] =	vst v0  }
.Ltmp0:
0x3c: {  	[tilespmem:s15+$0x520] =	vst v0;
	(pc) =	sbr.rel @p0 .LBB2_2-.Ltmp0, $4  }
0x3d: {  	[tilespmem:s15+$0x530] =	vst v0  }
0x3e: {  	[tilespmem:s15+$0x540] =	vst v0  }
0x3f: {  	[tilespmem:s15+$0x550] =	vst v0  }
0x40: {  	[tilespmem:s15+$0x560] =	vst v0;
	s15 =	sshra.s32 s21, $0x2;
	s21 =	sadd.s32 $0x200, s21  }
0x41: {  	[tilespmem:s15+$0x570] =	vst v0  }
0x42: {  	[tilespmem:s15+$0x500] =	vst v0  }
0x43: {  	[tilespmem:s15+$0x510] =	vst v0  }
0x44: {  	[tilespmem:s15+$0x520] =	vst v0  }
0x45: {  	[tilespmem:s15+$0x530] =	vst v0  }
0x46: {  	[tilespmem:s15+$0x540] =	vst v0  }
0x47: {  	[tilespmem:s15+$0x550] =	vst v0  }
0x48: {  	[tilespmem:s15+$0x560] =	vst v0  }
0x49: {  	[tilespmem:$0xA500] =	vst v1  }
0x4a: {  	[tilespmem:$0xA510] =	vst v1  }
0x4b: {  	[tilespmem:$0xA520] =	vst v1  }
0x4c: {  	[tilespmem:$0xA530] =	vst v1  }
0x4d: {  	[tilespmem:$0xA540] =	vst v1  }
0x4e: {  	[tilespmem:$0xA580] =	vst v0  }
0x4f: {  	[tilespmem:$0xA590] =	vst v0  }
0x50: {  	[tilespmem:$0xA5A0] =	vst v0  }
0x51: {  	[tilespmem:$0xA5B0] =	vst v0  }
0x52: {  	[tilespmem:$0xA5C0] =	vst v0  }
0x53: {  	[tilespmem:$0xA5D0] =	vst v0  }
0x54: {  	[tilespmem:$0xA5E0] =	vst v0  }
0x55: {  	[tilespmem:$0xA5F0] =	vst v0  }
0x56: {  	[tilespmem:$0xA600] =	vst v0  }
0x57: {  	[tilespmem:$0xA610] =	vst v0  }
0x58: {  	[tilespmem:$0xA620] =	vst v0  }
0x59: {  	[tilespmem:$0xA630] =	vst v0  }
0x5a: {  	[tilespmem:$0xA640] =	vst v0  }
0x5b: {  	[tilespmem:$0xA650] =	vst v0  }
0x5c: {  	[tilespmem:$0xA660] =	vst v0  }
0x5d: {  	[tilespmem:$0xA670] =	vst v0  }
0x5e: {  	[tilespmem:$0xA680] =	vst v0  }
0x5f: {  	[tilespmem:$0xA690] =	vst v0  }
0x60: {  	[tilespmem:$0xA6A0] =	vst v0  }
0x61: {  	[tilespmem:$0xA6B0] =	vst v0  }
0x62: {  	[tilespmem:$0xA6C0] =	vst v0  }
0x63: {  	[tilespmem:$0xA6D0] =	vst v0  }
0x64: {  	[tilespmem:$0xA6E0] =	vst v0  }
0x65: {  	[tilespmem:$0xA6F0] =	vst v0  }
0x66: {  	[tilespmem:$0xA700] =	vst v0  }
0x67: {  	[tilespmem:$0xA710] =	vst v0  }
0x68: {  	[tilespmem:$0xA720] =	vst v0  }
0x69: {  	[tilespmem:$0xA730] =	vst v0  }
0x6a: {  	[tilespmem:$0xA740] =	vst v0  }
0x6b: {  	[tilespmem:$0xA750] =	vst v0  }
0x6c: {  	[tilespmem:$0xA760] =	vst v0  }
0x6d: {  	[tilespmem:$0xA770] =	vst v0  }
0x6e: {  	[tilespmem:$0xA780] =	vst v0  }
0x6f: {  	[tilespmem:$0xA790] =	vst v0  }
0x70: {  	[tilespmem:$0xA7A0] =	vst v0  }
0x71: {  	[tilespmem:$0xA7B0] =	vst v0  }
0x72: {  	[tilespmem:$0xA7C0] =	vst v0  }
0x73: {  	[tilespmem:$0xA7D0] =	vst v0  }
0x74: {  	[tilespmem:$0xA7E0] =	vst v0  }
0x75: {  	s21 =	simm.s32 $0x500;
	s23 =	simm.s32 $0x13;
	[tilespmem:$0xA7F0] =	vst v0  }
0x76: {  	[spmem:s14] =	stream.linear.scatter [tilespmem:s21], [sflag:$0x13], $0x2800, $0x38;
	[tilespmem:$0x1EA80] =	vst v63  }
0x77: {  	_ =	swait.ge [sflag:s23], $0x2800  }
0x78: {  	[sflag:s23] =	ssyncset.done $0x0  }
0x79: {  	[sflag:s23] =	ssyncadd.s32 $0xFFFFD800  }
0x7a: {  	[spmem:s24] =	stream.linear.scatter [tilespmem:s21], [sflag:$0x13], $0x2800, $0x38;
	[tilespmem:$0x1EA80] =	vst v63  }
0x7b: {  	_ =	swait.ge [sflag:s23], $0x2800  }
0x7c: {  	[sflag:s23] =	ssyncset.done $0x0  }
0x7d: {  	[sflag:s23] =	ssyncadd.s32 $0xFFFFD800  }
0x7e: {  	[spmem:s26] =	stream.linear.scatter [tilespmem:s21], [sflag:$0x13], $0x2800, $0x38;
	[tilespmem:$0x1EA80] =	vst v63  }
0x7f: {  	_ =	swait.ge [sflag:s23], $0x2800  }
0x80: {  	s22 =	sld [smem:$0x7F4]  }
0x81: {  	[sflag:s23] =	ssyncset.done $0x0  }
0x82: {  	s24 =	simm.s32 $0x500;
	[sflag:s23] =	ssyncadd.s32 $0xFFFFD800  }
0x83: {  	[spmem:s22] =	stream.linear.scatter [tilespmem:s24], [sflag:$0x13], $0x2800, $0x38;
	[tilespmem:$0x1EA80] =	vst v63  }
0x84: {  	_ =	swait.ge [sflag:s23], $0x2800  }
0x85: {  	s26 =	sld [smem:$0x7F5]  }
0x86: {  	[sflag:s23] =	ssyncset.done $0x0  }
0x87: {  	[sflag:s23] =	ssyncadd.s32 $0xFFFFD800  }
0x88: {  	[spmem:s26] =	stream.linear.scatter [tilespmem:s24], [sflag:$0x13], $0x2800, $0x38;
	[tilespmem:$0x1EA80] =	vst v63  }
0x89: {  	_ =	swait.ge [sflag:s23], $0x2800  }
0x8a: {  	s0 =	sld [smem:$0x7F6]  }
0x8b: {  	[sflag:s23] =	ssyncset.done $0x0  }
0x8c: {  	[sflag:s23] =	ssyncadd.s32 $0xFFFFD800  }
0x8d: {  	[spmem:s0] =	stream.linear.scatter [tilespmem:s24], [sflag:$0x13], $0x2800, $0x38;
	[tilespmem:$0x1EA80] =	vst v63  }
0x8e: {  	_ =	swait.ge [sflag:s23], $0x2800  }
0x8f: {  	s1 =	sld [smem:$0x7F7]  }
0x90: {  	[sflag:s23] =	ssyncset.done $0x0  }
0x91: {  	[sflag:s23] =	ssyncadd.s32 $0xFFFFD800  }
0x92: {  	[spmem:s1] =	stream.linear.scatter [tilespmem:s24], [sflag:$0x13], $0x2800, $0x38;
	[tilespmem:$0x1EA80] =	vst v63  }
0x93: {  	_ =	swait.ge [sflag:s23], $0x2800  }
0x94: {  	s2 =	sld [smem:$0x7F8]  }
0x95: {  	[sflag:s23] =	ssyncset.done $0x0  }
0x96: {  	[sflag:s23] =	ssyncadd.s32 $0xFFFFD800  }
0x97: {  	[spmem:s2] =	stream.linear.scatter [tilespmem:s24], [sflag:$0x13], $0x2800, $0x38;
	[tilespmem:$0x1EA80] =	vst v63  }
0x98: {  	_ =	swait.ge [sflag:s23], $0x2800  }
0x99: {  	s4 =	sld [smem:$0x7F9]  }
0x9a: {  	[sflag:s23] =	ssyncset.done $0x0  }
0x9b: {  	s21 =	simm.s32 $0xA580;
	[sflag:s23] =	ssyncadd.s32 $0xFFFFD800  }
0x9c: {  	[spmem:s4] =	stream.linear.scatter [tilespmem:s21], [sflag:$0x13], $0x280, $0x38;
	[tilespmem:$0x1EA80] =	vst v63  }
0x9d: {  	_ =	swait.ge [sflag:s23], $0x280  }
0x9e: {  	[sflag:s23] =	ssyncset.done $0x0  }
0x9f: {  	[sflag:s23] =	ssyncadd.s32 $0xFFFFFD80  }
0xa0: {  	[bflag:$0x0] =	sbarrier.arrive $0xFFFF  }
0xa1: {  	s15 =	simm.s32 $0x0;
	s6 =	rddreg [dreg:$0x1d]  }
0xa2: {  	[tilespmem:s15], [sflag:$0x13] =	stream.linear.gather [hbm4b:s6+s15], $0x50, $0x38;
	[tilespmem:$0x1EA80] =	vst v63  }
0xa3: {  	_ =	swait.ge [sflag:s23], $0x50  }
0xa4: {  	[sflag:s23] =	ssyncset.done $0x0  }
0xa5: {  	s17 =	simm.s32 $0x200;
	s8 =	rddreg [dreg:$0x1e];
	[sflag:s23] =	ssyncadd.s32 $0xFFFFFFB0  }
0xa6: {  	[tilespmem:s17], [sflag:$0x13] =	stream.linear.gather [hbm4b:s8+s15], $0x50, $0x38;
	[tilespmem:$0x1EA80] =	vst v63  }
0xa7: {  	_ =	swait.ge [sflag:s23], $0x50  }
0xa8: {  	[sflag:s23] =	ssyncset.done $0x0  }
0xa9: {  	[sflag:s23] =	ssyncadd.s32 $0xFFFFFFB0  }
0xaa: {  	[tilespmem:s24], [sflag:$0x1] =	stream.indirect.gather [hbm4b:s29+s12], $0x80, s15, s12, $0xb8;
	[tilespmem:$0x1EA80] =	vst v63  }
0xab: {  	s0 =	simm.s32 $0x80;
	s9 =	rddreg [dreg:$0x19]  }
0xac: {  	[tilespmem:s0], [sflag:$0x13] =	stream.linear.gather [hbm4b:s9+s15], $0x50, $0x38;
	[tilespmem:$0x1EA80] =	vst v63  }
0xad: {  	_ =	swait.ge [sflag:s23], $0x50  }
0xae: {  	[sflag:s23] =	ssyncset.done $0x0  }
0xaf: {  	s6 =	simm.s32 $0x280;
	s11 =	rddreg [dreg:$0x1a];
	[sflag:s23] =	ssyncadd.s32 $0xFFFFFFB0  }
0xb0: {  	[tilespmem:s6], [sflag:$0x13] =	stream.linear.gather [hbm4b:s11+s15], $0x50, $0x38;
	[tilespmem:$0x1EA80] =	vst v63  }
0xb1: {  	_ =	swait.ge [sflag:s23], $0x50  }
0xb2: {  	[sflag:s23] =	ssyncset.done $0x0  }
0xb3: {  	s1 =	simm.s32 $0x2D00;
	[sflag:s23] =	ssyncadd.s32 $0xFFFFFFB0  }
0xb4: {  	[tilespmem:s1], [sflag:$0x2] =	stream.indirect.gather [hbm4b:s29+s12], $0x80, s0, s12, $0xb8;
	[tilespmem:$0x1EA80] =	vst v63  }
0xb5: {  	s2 =	simm.s32 $0x100;
	s13 =	rddreg [dreg:$0x1b]  }
0xb6: {  	[tilespmem:s2], [sflag:$0xF] =	stream.linear.gather [hbm4b:s13+s15], $0x50, $0x38;
	[tilespmem:$0x1EA80] =	vst v63  }
0xb7: {  	s22 =	simm.s32 $0x400;
	s14 =	rddreg [dreg:$0x1c]  }
0xb8: {  	[tilespmem:s22], [sflag:$0x11] =	stream.linear.gather [hbm4b:s14+s15], $0x50, $0x38;
	[tilespmem:$0x1EA80] =	vst v63  }
0xb9: {  	_ =	swait.ge [sflag:s18], $0x2800  }
0xba: {  	[sflag:s18] =	ssyncset.done $0x0  }
0xbb: {  	[sflag:s18] =	ssyncadd.s32 $0xFFFFD800  }
0xbc: {  	_ =	swait.ge [sflag:s19], $0x50  }
0xbd: {  	[sflag:s19] =	ssyncset.done $0x0  }
0xbe: {  	[sflag:s19] =	ssyncadd.s32 $0xFFFFFFB0  }
0xbf: {  	v2 =	vld [tilespmem:$0x400]  }
0xc0: {  	v3 =	vld [tilespmem:$0x410]  }
0xc1: {  	v4 =	vld [tilespmem:$0x420]  }
0xc2: {  	v5 =	vld [tilespmem:$0x430]  }
0xc3: {  	v6 =	vld [tilespmem:$0x440]  }
0xc4: {  	[tilespmem:$0x300] =	vst v2  }
0xc5: {  	[tilespmem:$0x310] =	vst v3  }
0xc6: {  	[tilespmem:$0x320] =	vst v4  }
0xc7: {  	[tilespmem:$0x330] =	vst v5  }
0xc8: {  	[tilespmem:$0x340] =	vst v6  }
0xc9: {  	_ =	swait.ge [sflag:s7], $0x50  }
0xca: {  	[sflag:s7] =	ssyncset.done $0x0  }
0xcb: {  	s4 =	simm.s32 $0x5500;
	[sflag:s7] =	ssyncadd.s32 $0xFFFFFFB0  }
0xcc: {  	[tilespmem:s4], [sflag:$0x3] =	stream.indirect.gather [hbm4b:s29+s12], $0x80, s2, s12, $0xb8;
	[tilespmem:$0x1EA80] =	vst v63  }
0xcd: {  	_ = 	snop  }
0xce: {  	[spmem:s3] =	stream.indirect.scatter.add.f32 [tilespmem:s24], [sflag:$0x5], $0x80, s17, s12, $0xb8;
	[tilespmem:$0x1EA80] =	vst v63  }
0xcf: {  	s13 =	simm.s32 $0xA500;
	s18 =	rddreg [dreg:$0x1f]  }
0xd0: {  	[spmem:s25] =	stream.indirect.scatter.add.f32 [tilespmem:s13], [sflag:$0x9], $0x1, s17, s12, $0xb8;
	[tilespmem:$0x1EA80] =	vst v63  }
0xd1: {  	s23 =	sld [smem:$0x7F1];
	s7 =	simm.s32 $0x480  }
0xd2: {  	[tilespmem:s7], [sflag:$0x12] =	stream.linear.gather [hbm4b:s18+s15], $0x50, $0x38;
	[tilespmem:$0x1EA80] =	vst v63  }
0xd3: {  	_ = 	snop  }
0xd4: {  	[tilespmem:s28], [sflag:$0x10] =	stream.linear.gather [hbm4b:s23+s15], $0x50, $0x38;
	[tilespmem:$0x1EA80] =	vst v63  }
0xd5: {  	s28 =	simm.s32 $0x2  }
0xd6: {  	_ =	swait.ge [sflag:s28], $0x2800  }
0xd7: {  	[sflag:s28] =	ssyncset.done $0x0  }
0xd8: {  	[sflag:s28] =	ssyncadd.s32 $0xFFFFD800  }
0xd9: {  	_ =	swait.ge [sflag:s10], $0x50  }
0xda: {  	[sflag:s10] =	ssyncset.done $0x0  }
0xdb: {  	[sflag:s10] =	ssyncadd.s32 $0xFFFFFFB0  }
0xdc: {  	v2 =	vld [tilespmem:$0x480]  }
0xdd: {  	v3 =	vld [tilespmem:$0x490]  }
0xde: {  	v4 =	vld [tilespmem:$0x4A0]  }
0xdf: {  	v5 =	vld [tilespmem:$0x4B0]  }
0xe0: {  	v6 =	vld [tilespmem:$0x4C0]  }
0xe1: {  	[tilespmem:$0x380] =	vst v2  }
0xe2: {  	[tilespmem:$0x390] =	vst v3  }
0xe3: {  	[tilespmem:$0x3A0] =	vst v4  }
0xe4: {  	[tilespmem:$0x3B0] =	vst v5  }
0xe5: {  	[tilespmem:$0x3C0] =	vst v6  }
0xe6: {  	_ =	swait.ge [sflag:s30], $0x50  }
0xe7: {  	[sflag:s30] =	ssyncset.done $0x0  }
0xe8: {  	s9 =	simm.s32 $0x180;
	s23 =	simm.s32 $0x7D00;
	[sflag:s30] =	ssyncadd.s32 $0xFFFFFFB0  }
0xe9: {  	[tilespmem:s23], [sflag:$0x4] =	stream.indirect.gather [hbm4b:s29+s12], $0x80, s9, s12, $0xb8;
	[tilespmem:$0x1EA80] =	vst v63  }
0xea: {  	_ = 	snop  }
0xeb: {  	[spmem:s3] =	stream.indirect.scatter.add.f32 [tilespmem:s1], [sflag:$0x6], $0x80, s6, s12, $0xb8;
	[tilespmem:$0x1EA80] =	vst v63  }
0xec: {  	_ = 	snop  }
0xed: {  	[spmem:s25] =	stream.indirect.scatter.add.f32 [tilespmem:s13], [sflag:$0xA], $0x1, s6, s12, $0xb8;
	[tilespmem:$0x1EA80] =	vst v63  }
0xee: {  	s6 =	sld [smem:$0x7F3];
	_ =	sdelay $0x1  }
0xef: {  	s8 =	sld [smem:$0x7F2]  }
0xf0: {  	[tilespmem:s22], [sflag:$0x11] =	stream.linear.gather [hbm4b:s6+s15], $0x50, $0x38;
	[tilespmem:$0x1EA80] =	vst v63  }
0xf1: {  	_ = 	snop  }
0xf2: {  	[tilespmem:s15], [sflag:$0xD] =	stream.linear.gather [hbm4b:s8+s15], $0x50, $0x38;
	[tilespmem:$0x1EA80] =	vst v63  }
0xf3: {  	_ =	swait.ge [sflag:s31], $0x2800  }
0xf4: {  	[sflag:s31] =	ssyncset.done $0x0  }
0xf5: {  	s11 =	simm.s32 $0x5;
	[sflag:s31] =	ssyncadd.s32 $0xFFFFD800  }
0xf6: {  	_ =	swait.ge [sflag:s11], $0x2800  }
0xf7: {  	[sflag:s11] =	ssyncset.done $0x0  }
0xf8: {  	s14 =	simm.s32 $0x9;
	[sflag:s11] =	ssyncadd.s32 $0xFFFFD800  }
0xf9: {  	_ =	swait.ge [sflag:s14], $0x50  }
0xfa: {  	[sflag:s14] =	ssyncset.done $0x0  }
0xfb: {  	[sflag:s14] =	ssyncadd.s32 $0xFFFFFFB0  }
0xfc: {  	_ =	swait.ge [sflag:s19], $0x50  }
0xfd: {  	[sflag:s19] =	ssyncset.done $0x0  }
0xfe: {  	[sflag:s19] =	ssyncadd.s32 $0xFFFFFFB0  }
0xff: {  	v2 =	vld [tilespmem:$0x440]  }
0x100: {  	v3 =	vld [tilespmem:$0x430]  }
0x101: {  	v4 =	vld [tilespmem:$0x400]  }
0x102: {  	v5 =	vld [tilespmem:$0x420]  }
0x103: {  	v6 =	vld [tilespmem:$0x410]  }
0x104: {  	[tilespmem:$0x240] =	vst v2  }
0x105: {  	[tilespmem:$0x230] =	vst v3  }
0x106: {  	[tilespmem:$0x200] =	vst v4  }
0x107: {  	[tilespmem:$0x220] =	vst v5  }
0x108: {  	s11 =	simm.s32 $0xD;
	[tilespmem:$0x210] =	vst v6  }
0x109: {  	_ =	swait.ge [sflag:s11], $0x50  }
0x10a: {  	[sflag:s11] =	ssyncset.done $0x0  }
0x10b: {  	[sflag:s11] =	ssyncadd.s32 $0xFFFFFFB0  }
0x10c: {  	[tilespmem:s24], [sflag:$0x1] =	stream.indirect.gather [hbm4b:s29+s12], $0x80, s5, s12, $0xb8;
	[tilespmem:$0x1EA80] =	vst v63  }
0x10d: {  	s14 =	simm.s32 $0x300  }
0x10e: {  	[spmem:s3] =	stream.indirect.scatter.add.f32 [tilespmem:s4], [sflag:$0x7], $0x80, s14, s12, $0xb8;
	[tilespmem:$0x1EA80] =	vst v63  }
0x10f: {  	s18 =	rddreg [dreg:$0xf]  }
0x110: {  	[spmem:s25] =	stream.indirect.scatter.add.f32 [tilespmem:s13], [sflag:$0xB], $0x1, s14, s12, $0xb8;
	[tilespmem:$0x1EA80] =	vst v63  }
0x111: {  	s8 =	rddreg [dreg:$0xe];
	s21 =	sadd.s32 $0x0, s18  }
0x112: {  	[tilespmem:s7], [sflag:$0x12] =	stream.linear.gather [hbm4b:s21+s5], $0x50, $0x38;
	[tilespmem:$0x1EA80] =	vst v63  }
0x113: {  	s18 =	sadd.s32 $0x0, s8;
	s14 =	simm.s32 $0x4  }
0x114: {  	[tilespmem:s0], [sflag:$0xE] =	stream.linear.gather [hbm4b:s18+s5], $0x50, $0x38;
	[tilespmem:$0x1EA80] =	vst v63  }
0x115: {  	_ =	swait.ge [sflag:s14], $0x2800  }
0x116: {  	[sflag:s14] =	ssyncset.done $0x0  }
0x117: {  	s8 =	simm.s32 $0x6;
	[sflag:s14] =	ssyncadd.s32 $0xFFFFD800  }
0x118: {  	_ =	swait.ge [sflag:s8], $0x2800  }
0x119: {  	[sflag:s8] =	ssyncset.done $0x0  }
0x11a: {  	[sflag:s8] =	ssyncadd.s32 $0xFFFFD800  }
0x11b: {  	_ =	swait.ge [sflag:s16], $0x50  }
0x11c: {  	[sflag:s16] =	ssyncset.done $0x0  }
0x11d: {  	[sflag:s16] =	ssyncadd.s32 $0xFFFFFFB0  }
0x11e: {  	_ =	swait.ge [sflag:s10], $0x50  }
0x11f: {  	[sflag:s10] =	ssyncset.done $0x0  }
0x120: {  	[sflag:s10] =	ssyncadd.s32 $0xFFFFFFB0  }
0x121: {  	v2 =	vld [tilespmem:$0x4C0]  }
0x122: {  	v3 =	vld [tilespmem:$0x490]  }
0x123: {  	v4 =	vld [tilespmem:$0x4B0]  }
0x124: {  	v5 =	vld [tilespmem:$0x480]  }
0x125: {  	v6 =	vld [tilespmem:$0x4A0]  }
0x126: {  	[tilespmem:$0x2C0] =	vst v2  }
0x127: {  	[tilespmem:$0x290] =	vst v3  }
0x128: {  	[tilespmem:$0x2B0] =	vst v4  }
0x129: {  	[tilespmem:$0x280] =	vst v5  }
0x12a: {  	s18 =	simm.s32 $0xE;
	[tilespmem:$0x2A0] =	vst v6  }
0x12b: {  	_ =	swait.ge [sflag:s18], $0x50  }
0x12c: {  	[sflag:s18] =	ssyncset.done $0x0  }
0x12d: {  	[sflag:s18] =	ssyncadd.s32 $0xFFFFFFB0  }
0x12e: {  	[tilespmem:s1], [sflag:$0x2] =	stream.indirect.gather [hbm4b:s29+s12], $0x80, s0, s12, $0xb8;
	[tilespmem:$0x1EA80] =	vst v63  }
0x12f: {  	s1 =	simm.s32 $0x380  }
0x130: {  	[spmem:s3] =	stream.indirect.scatter.add.f32 [tilespmem:s23], [sflag:$0x8], $0x80, s1, s12, $0xb8;
	[tilespmem:$0x1EA80] =	vst v63  }
0x131: {  	s21 =	rddreg [dreg:$0xd]  }
0x132: {  	[spmem:s25] =	stream.indirect.scatter.add.f32 [tilespmem:s13], [sflag:$0xC], $0x1, s1, s12, $0xb8;
	[tilespmem:$0x1EA80] =	vst v63  }
0x133: {  	s6 =	rddreg [dreg:$0xc];
	s21 =	sadd.s32 $0x0, s21  }
0x134: {  	[tilespmem:s22], [sflag:$0x11] =	stream.linear.gather [hbm4b:s21+s5], $0x50, $0x38;
	[tilespmem:$0x1EA80] =	vst v63  }
0x135: {  	s20 =	simm.s32 $0x1;
	s13 =	sadd.s32 $0x0, s6  }
0x136: {  	[tilespmem:s2], [sflag:$0xF] =	stream.linear.gather [hbm4b:s13+s5], $0x50, $0x38;
	[tilespmem:$0x1EA80] =	vst v63  }
0x137: {  	_ =	swait.ge [sflag:s20], $0x2800  }
0x138: {  	[sflag:s20] =	ssyncset.done $0x0  }
0x139: {  	s13 =	simm.s32 $0x7;
	[sflag:s20] =	ssyncadd.s32 $0xFFFFD800  }
0x13a: {  	_ =	swait.ge [sflag:s13], $0x2800  }
0x13b: {  	[sflag:s13] =	ssyncset.done $0x0  }
0x13c: {  	s1 =	simm.s32 $0xB;
	[sflag:s13] =	ssyncadd.s32 $0xFFFFD800  }
0x13d: {  	_ =	swait.ge [sflag:s1], $0x50  }
0x13e: {  	[sflag:s1] =	ssyncset.done $0x0  }
0x13f: {  	[sflag:s1] =	ssyncadd.s32 $0xFFFFFFB0  }
0x140: {  	_ =	swait.ge [sflag:s19], $0x50  }
0x141: {  	[sflag:s19] =	ssyncset.done $0x0  }
0x142: {  	[sflag:s19] =	ssyncadd.s32 $0xFFFFFFB0  }
0x143: {  	v2 =	vld [tilespmem:$0x440]  }
0x144: {  	v3 =	vld [tilespmem:$0x430]  }
0x145: {  	v4 =	vld [tilespmem:$0x400]  }
0x146: {  	v5 =	vld [tilespmem:$0x410]  }
0x147: {  	v6 =	vld [tilespmem:$0x420]  }
0x148: {  	[tilespmem:$0x340] =	vst v2  }
0x149: {  	[tilespmem:$0x330] =	vst v3  }
0x14a: {  	[tilespmem:$0x300] =	vst v4  }
0x14b: {  	[tilespmem:$0x310] =	vst v5  }
0x14c: {  	s26 =	simm.s32 $0xF;
	[tilespmem:$0x320] =	vst v6  }
0x14d: {  	_ =	swait.ge [sflag:s26], $0x50  }
0x14e: {  	[sflag:s26] =	ssyncset.done $0x0  }
0x14f: {  	[sflag:s26] =	ssyncadd.s32 $0xFFFFFFB0  }
0x150: {  	[tilespmem:s4], [sflag:$0x3] =	stream.indirect.gather [hbm4b:s29+s12], $0x80, s2, s12, $0xb8;
	[tilespmem:$0x1EA80] =	vst v63  }
0x151: {  	_ = 	snop  }
0x152: {  	[spmem:s3] =	stream.indirect.scatter.add.f32 [tilespmem:s24], [sflag:$0x5], $0x80, s17, s12, $0xb8;
	[tilespmem:$0x1EA80] =	vst v63  }
0x153: {  	s22 =	rddreg [dreg:$0xb];
	s4 =	simm.s32 $0xA500  }
0x154: {  	[spmem:s25] =	stream.indirect.scatter.add.f32 [tilespmem:s4], [sflag:$0x9], $0x1, s17, s12, $0xb8;
	[tilespmem:$0x1EA80] =	vst v63  }
0x155: {  	s23 =	rddreg [dreg:$0xa];
	s21 =	sadd.s32 $0x0, s22  }
0x156: {  	[tilespmem:s7], [sflag:$0x12] =	stream.linear.gather [hbm4b:s21+s5], $0x50, $0x38;
	[tilespmem:$0x1EA80] =	vst v63  }
0x157: {  	s24 =	sadd.s32 $0x0, s23  }
0x158: {  	[tilespmem:s9], [sflag:$0x10] =	stream.linear.gather [hbm4b:s24+s5], $0x50, $0x38;
	[tilespmem:$0x1EA80] =	vst v63  }
0x159: {  	_ =	swait.ge [sflag:s28], $0x2800  }
0x15a: {  	[sflag:s28] =	ssyncset.done $0x0  }
0x15b: {  	s26 =	simm.s32 $0x8;
	[sflag:s28] =	ssyncadd.s32 $0xFFFFD800  }
0x15c: {  	_ =	swait.ge [sflag:s26], $0x2800  }
0x15d: {  	[sflag:s26] =	ssyncset.done $0x0  }
0x15e: {  	s0 =	simm.s32 $0xC;
	[sflag:s26] =	ssyncadd.s32 $0xFFFFD800  }
0x15f: {  	_ =	swait.ge [sflag:s0], $0x50  }
0x160: {  	[sflag:s0] =	ssyncset.done $0x0  }
0x161: {  	[sflag:s0] =	ssyncadd.s32 $0xFFFFFFB0  }
0x162: {  	_ =	swait.ge [sflag:s10], $0x50  }
0x163: {  	[sflag:s10] =	ssyncset.done $0x0  }
0x164: {  	[sflag:s10] =	ssyncadd.s32 $0xFFFFFFB0  }
0x165: {  	v6 =	vld [tilespmem:$0x480]  }
0x166: {  	v2 =	vld [tilespmem:$0x4B0]  }
0x167: {  	v3 =	vld [tilespmem:$0x490]  }
0x168: {  	v4 =	vld [tilespmem:$0x4C0]  }
0x169: {  	s21 =	simm.s32 $0x28;
	v5 =	vld [tilespmem:$0x4A0]  }
.LBB2_4:
0x16a: {  	[tilespmem:$0x380] =	vst v6  }
0x16b: {  	[tilespmem:$0x3B0] =	vst v2  }
0x16c: {  	[tilespmem:$0x390] =	vst v3  }
0x16d: {  	[tilespmem:$0x3C0] =	vst v4  }
0x16e: {  	[tilespmem:$0x3A0] =	vst v5  }
0x16f: {  	_ =	swait.ge [sflag:s30], $0x50  }
0x170: {  	[sflag:s30] =	ssyncset.done $0x0  }
0x171: {  	s6 =	simm.s32 $0x7D00;
	s9 =	simm.s32 $0x180;
	[sflag:s30] =	ssyncadd.s32 $0xFFFFFFB0  }
0x172: {  	[tilespmem:s6], [sflag:$0x4] =	stream.indirect.gather [hbm4b:s29+s12], $0x80, s9, s12, $0xb8;
	[tilespmem:$0x1EA80] =	vst v63  }
0x173: {  	s17 =	simm.s32 $0x2D00;
	s2 =	simm.s32 $0x280  }
0x174: {  	[spmem:s3] =	stream.indirect.scatter.add.f32 [tilespmem:s17], [sflag:$0x6], $0x80, s2, s12, $0xb8;
	[tilespmem:$0x1EA80] =	vst v63  }
0x175: {  	s24 =	rddreg [dreg:$0x9]  }
0x176: {  	[spmem:s25] =	stream.indirect.scatter.add.f32 [tilespmem:s4], [sflag:$0xA], $0x1, s2, s12, $0xb8;
	[tilespmem:$0x1EA80] =	vst v63  }
0x177: {  	s22 =	simm.s32 $0x400;
	s26 =	rddreg [dreg:$0x8];
	s24 =	sadd.s32 s15, s24  }
0x178: {  	[tilespmem:s22], [sflag:$0x11] =	stream.linear.gather [hbm4b:s24+s5], $0x50, $0x38;
	[tilespmem:$0x1EA80] =	vst v63  }
0x179: {  	s26 =	sadd.s32 s15, s26  }
0x17a: {  	[tilespmem:s5], [sflag:$0xD] =	stream.linear.gather [hbm4b:s26+s5], $0x50, $0x38;
	[tilespmem:$0x1EA80] =	vst v63  }
0x17b: {  	_ =	swait.ge [sflag:s31], $0x2800  }
0x17c: {  	[sflag:s31] =	ssyncset.done $0x0  }
0x17d: {  	s24 =	simm.s32 $0x5;
	[sflag:s31] =	ssyncadd.s32 $0xFFFFD800  }
0x17e: {  	_ =	swait.ge [sflag:s24], $0x2800  }
0x17f: {  	[sflag:s24] =	ssyncset.done $0x0  }
0x180: {  	s4 =	simm.s32 $0x9;
	[sflag:s24] =	ssyncadd.s32 $0xFFFFD800  }
0x181: {  	_ =	swait.ge [sflag:s4], $0x50  }
0x182: {  	[sflag:s4] =	ssyncset.done $0x0  }
0x183: {  	[sflag:s4] =	ssyncadd.s32 $0xFFFFFFB0  }
0x184: {  	_ =	swait.ge [sflag:s19], $0x50  }
0x185: {  	[sflag:s19] =	ssyncset.done $0x0  }
0x186: {  	[sflag:s19] =	ssyncadd.s32 $0xFFFFFFB0  }
0x187: {  	v2 =	vld [tilespmem:$0x440]  }
0x188: {  	v3 =	vld [tilespmem:$0x430]  }
0x189: {  	v4 =	vld [tilespmem:$0x400]  }
0x18a: {  	v5 =	vld [tilespmem:$0x420]  }
0x18b: {  	v6 =	vld [tilespmem:$0x410]  }
0x18c: {  	[tilespmem:$0x240] =	vst v2  }
0x18d: {  	[tilespmem:$0x230] =	vst v3  }
0x18e: {  	[tilespmem:$0x200] =	vst v4  }
0x18f: {  	[tilespmem:$0x220] =	vst v5  }
0x190: {  	[tilespmem:$0x210] =	vst v6  }
0x191: {  	_ =	swait.ge [sflag:s11], $0x50  }
0x192: {  	[sflag:s11] =	ssyncset.done $0x0  }
0x193: {  	s26 =	simm.s32 $0x500;
	[sflag:s11] =	ssyncadd.s32 $0xFFFFFFB0  }
0x194: {  	[tilespmem:s26], [sflag:$0x1] =	stream.indirect.gather [hbm4b:s29+s12], $0x80, s5, s12, $0xb8;
	[tilespmem:$0x1EA80] =	vst v63  }
0x195: {  	s23 =	smov.u32 s21;
	s7 =	simm.s32 $0x300;
	s4 =	simm.s32 $0x5500  }
0x196: {  	[spmem:s3] =	stream.indirect.scatter.add.f32 [tilespmem:s4], [sflag:$0x7], $0x80, s7, s12, $0xb8;
	[tilespmem:$0x1EA80] =	vst v63  }
0x197: {  	s20 =	simm.s32 $0xA500;
	s15 =	smov.u32 s23;
	s23 =	rddreg [dreg:$0xf]  }
0x198: {  	[spmem:s25] =	stream.indirect.scatter.add.f32 [tilespmem:s20], [sflag:$0xB], $0x1, s7, s12, $0xb8;
	[tilespmem:$0x1EA80] =	vst v63  }
0x199: {  	s24 =	rddreg [dreg:$0xe];
	s23 =	sadd.s32 s15, s23;
	s7 =	simm.s32 $0x480  }
0x19a: {  	[tilespmem:s7], [sflag:$0x12] =	stream.linear.gather [hbm4b:s23+s5], $0x50, $0x38;
	[tilespmem:$0x1EA80] =	vst v63  }
0x19b: {  	s2 =	sadd.s32 s15, s24;
	s24 =	simm.s32 $0x80  }
0x19c: {  	[tilespmem:s24], [sflag:$0xE] =	stream.linear.gather [hbm4b:s2+s5], $0x50, $0x38;
	[tilespmem:$0x1EA80] =	vst v63  }
0x19d: {  	_ =	swait.ge [sflag:s14], $0x2800  }
0x19e: {  	[sflag:s14] =	ssyncset.done $0x0  }
0x19f: {  	[sflag:s14] =	ssyncadd.s32 $0xFFFFD800  }
0x1a0: {  	_ =	swait.ge [sflag:s8], $0x2800  }
0x1a1: {  	[sflag:s8] =	ssyncset.done $0x0  }
0x1a2: {  	[sflag:s8] =	ssyncadd.s32 $0xFFFFD800  }
0x1a3: {  	_ =	swait.ge [sflag:s16], $0x50  }
0x1a4: {  	[sflag:s16] =	ssyncset.done $0x0  }
0x1a5: {  	[sflag:s16] =	ssyncadd.s32 $0xFFFFFFB0  }
0x1a6: {  	_ =	swait.ge [sflag:s10], $0x50  }
0x1a7: {  	[sflag:s10] =	ssyncset.done $0x0  }
0x1a8: {  	[sflag:s10] =	ssyncadd.s32 $0xFFFFFFB0  }
0x1a9: {  	v2 =	vld [tilespmem:$0x4C0]  }
0x1aa: {  	v3 =	vld [tilespmem:$0x490]  }
0x1ab: {  	v4 =	vld [tilespmem:$0x4B0]  }
0x1ac: {  	v5 =	vld [tilespmem:$0x480]  }
0x1ad: {  	v6 =	vld [tilespmem:$0x4A0]  }
0x1ae: {  	[tilespmem:$0x2C0] =	vst v2  }
0x1af: {  	[tilespmem:$0x290] =	vst v3  }
0x1b0: {  	[tilespmem:$0x2B0] =	vst v4  }
0x1b1: {  	[tilespmem:$0x280] =	vst v5  }
0x1b2: {  	[tilespmem:$0x2A0] =	vst v6  }
0x1b3: {  	_ =	swait.ge [sflag:s18], $0x50  }
0x1b4: {  	[sflag:s18] =	ssyncset.done $0x0  }
0x1b5: {  	[sflag:s18] =	ssyncadd.s32 $0xFFFFFFB0  }
0x1b6: {  	[tilespmem:s17], [sflag:$0x2] =	stream.indirect.gather [hbm4b:s29+s12], $0x80, s24, s12, $0xb8;
	[tilespmem:$0x1EA80] =	vst v63  }
0x1b7: {  	s17 =	simm.s32 $0x380  }
0x1b8: {  	[spmem:s3] =	stream.indirect.scatter.add.f32 [tilespmem:s6], [sflag:$0x8], $0x80, s17, s12, $0xb8;
	[tilespmem:$0x1EA80] =	vst v63  }
0x1b9: {  	s23 =	rddreg [dreg:$0xd]  }
0x1ba: {  	[spmem:s25] =	stream.indirect.scatter.add.f32 [tilespmem:s20], [sflag:$0xC], $0x1, s17, s12, $0xb8;
	[tilespmem:$0x1EA80] =	vst v63  }
0x1bb: {  	s23 =	sadd.s32 s15, s23;
	s24 =	rddreg [dreg:$0xc]  }
0x1bc: {  	[tilespmem:s22], [sflag:$0x11] =	stream.linear.gather [hbm4b:s23+s5], $0x50, $0x38;
	[tilespmem:$0x1EA80] =	vst v63  }
0x1bd: {  	s17 =	sadd.s32 s15, s24;
	s24 =	simm.s32 $0x100;
	s22 =	simm.s32 $0x1  }
0x1be: {  	[tilespmem:s24], [sflag:$0xF] =	stream.linear.gather [hbm4b:s17+s5], $0x50, $0x38;
	[tilespmem:$0x1EA80] =	vst v63  }
0x1bf: {  	_ =	swait.ge [sflag:s22], $0x2800  }
0x1c0: {  	[sflag:s22] =	ssyncset.done $0x0  }
0x1c1: {  	[sflag:s22] =	ssyncadd.s32 $0xFFFFD800  }
0x1c2: {  	_ =	swait.ge [sflag:s13], $0x2800  }
0x1c3: {  	[sflag:s13] =	ssyncset.done $0x0  }
0x1c4: {  	[sflag:s13] =	ssyncadd.s32 $0xFFFFD800  }
0x1c5: {  	_ =	swait.ge [sflag:s1], $0x50  }
0x1c6: {  	[sflag:s1] =	ssyncset.done $0x0  }
0x1c7: {  	[sflag:s1] =	ssyncadd.s32 $0xFFFFFFB0  }
0x1c8: {  	_ =	swait.ge [sflag:s19], $0x50  }
0x1c9: {  	[sflag:s19] =	ssyncset.done $0x0  }
0x1ca: {  	[sflag:s19] =	ssyncadd.s32 $0xFFFFFFB0  }
0x1cb: {  	v2 =	vld [tilespmem:$0x440]  }
0x1cc: {  	v3 =	vld [tilespmem:$0x430]  }
0x1cd: {  	v4 =	vld [tilespmem:$0x400]  }
0x1ce: {  	v5 =	vld [tilespmem:$0x410]  }
0x1cf: {  	v6 =	vld [tilespmem:$0x420]  }
0x1d0: {  	[tilespmem:$0x340] =	vst v2  }
0x1d1: {  	[tilespmem:$0x330] =	vst v3  }
0x1d2: {  	[tilespmem:$0x300] =	vst v4  }
0x1d3: {  	[tilespmem:$0x310] =	vst v5  }
0x1d4: {  	s23 =	simm.s32 $0xF;
	[tilespmem:$0x320] =	vst v6  }
0x1d5: {  	_ =	swait.ge [sflag:s23], $0x50  }
0x1d6: {  	[sflag:s23] =	ssyncset.done $0x0  }
0x1d7: {  	[sflag:s23] =	ssyncadd.s32 $0xFFFFFFB0  }
0x1d8: {  	[tilespmem:s4], [sflag:$0x3] =	stream.indirect.gather [hbm4b:s29+s12], $0x80, s24, s12, $0xb8;
	[tilespmem:$0x1EA80] =	vst v63  }
0x1d9: {  	s4 =	simm.s32 $0x200  }
0x1da: {  	[spmem:s3] =	stream.indirect.scatter.add.f32 [tilespmem:s26], [sflag:$0x5], $0x80, s4, s12, $0xb8;
	[tilespmem:$0x1EA80] =	vst v63  }
0x1db: {  	s23 =	rddreg [dreg:$0xb]  }
0x1dc: {  	[spmem:s25] =	stream.indirect.scatter.add.f32 [tilespmem:s20], [sflag:$0x9], $0x1, s4, s12, $0xb8;
	[tilespmem:$0x1EA80] =	vst v63  }
0x1dd: {  	s24 =	rddreg [dreg:$0xa];
	s23 =	sadd.s32 s15, s23  }
0x1de: {  	[tilespmem:s7], [sflag:$0x12] =	stream.linear.gather [hbm4b:s23+s5], $0x50, $0x38;
	[tilespmem:$0x1EA80] =	vst v63  }
0x1df: {  	s7 =	sadd.s32 s15, s24  }
0x1e0: {  	[tilespmem:s9], [sflag:$0x10] =	stream.linear.gather [hbm4b:s7+s5], $0x50, $0x38;
	[tilespmem:$0x1EA80] =	vst v63  }
0x1e1: {  	_ =	swait.ge [sflag:s28], $0x2800  }
0x1e2: {  	[sflag:s28] =	ssyncset.done $0x0  }
0x1e3: {  	s24 =	simm.s32 $0x8;
	[sflag:s28] =	ssyncadd.s32 $0xFFFFD800  }
0x1e4: {  	_ =	swait.ge [sflag:s24], $0x2800  }
0x1e5: {  	[sflag:s24] =	ssyncset.done $0x0  }
0x1e6: {  	[sflag:s24] =	ssyncadd.s32 $0xFFFFD800  }
0x1e7: {  	_ =	swait.ge [sflag:s0], $0x50  }
0x1e8: {  	[sflag:s0] =	ssyncset.done $0x0  }
0x1e9: {  	[sflag:s0] =	ssyncadd.s32 $0xFFFFFFB0  }
0x1ea: {  	_ =	swait.ge [sflag:s10], $0x50  }
0x1eb: {  	[sflag:s10] =	ssyncset.done $0x0  }
0x1ec: {  	p0 =	sne.s32 s21, $0x488;
	[sflag:s10] =	ssyncadd.s32 $0xFFFFFFB0  }
.Ltmp1:
0x1ed: {  	v6 =	vld [tilespmem:$0x480];
	(pc) =	sbr.rel @p0 .LBB2_4-.Ltmp1, $4  }
0x1ee: {  	v2 =	vld [tilespmem:$0x4B0]  }
0x1ef: {  	s21 =	sadd.s32 $0x28, s21;
	v3 =	vld [tilespmem:$0x490]  }
0x1f0: {  	s2 =	simm.s32 $0x80;
	s6 =	simm.s32 $0x400;
	s17 =	simm.s32 $0x100;
	v4 =	vld [tilespmem:$0x4C0]  }
0x1f1: {  	s22 =	simm.s32 $0x5500;
	s4 =	simm.s32 $0xA500;
	s20 =	simm.s32 $0x180;
	v5 =	vld [tilespmem:$0x4A0]  }
0x1f2: {  	[tilespmem:$0x380] =	vst v6  }
0x1f3: {  	[tilespmem:$0x3B0] =	vst v2  }
0x1f4: {  	[tilespmem:$0x390] =	vst v3  }
0x1f5: {  	[tilespmem:$0x3C0] =	vst v4  }
0x1f6: {  	[tilespmem:$0x3A0] =	vst v5  }
0x1f7: {  	_ =	swait.ge [sflag:s30], $0x50  }
0x1f8: {  	[sflag:s30] =	ssyncset.done $0x0  }
0x1f9: {  	s9 =	simm.s32 $0x7D00;
	[sflag:s30] =	ssyncadd.s32 $0xFFFFFFB0  }
0x1fa: {  	[tilespmem:s9], [sflag:$0x4] =	stream.indirect.gather [hbm4b:s29+s12], $0x80, s20, s12, $0xb8;
	[tilespmem:$0x1EA80] =	vst v63  }
0x1fb: {  	s7 =	simm.s32 $0x2D00;
	s18 =	simm.s32 $0x280  }
0x1fc: {  	[spmem:s3] =	stream.indirect.scatter.add.f32 [tilespmem:s7], [sflag:$0x6], $0x80, s18, s12, $0xb8;
	[tilespmem:$0x1EA80] =	vst v63  }
0x1fd: {  	s21 =	rddreg [dreg:$0x9]  }
0x1fe: {  	[spmem:s25] =	stream.indirect.scatter.add.f32 [tilespmem:s4], [sflag:$0xA], $0x1, s18, s12, $0xb8;
	[tilespmem:$0x1EA80] =	vst v63  }
0x1ff: {  	s23 =	rddreg [dreg:$0x8];
	s21 =	sadd.s32 s15, s21  }
0x200: {  	[tilespmem:s6], [sflag:$0x11] =	stream.linear.gather [hbm4b:s21+s5], $0x50, $0x38;
	[tilespmem:$0x1EA80] =	vst v63  }
0x201: {  	s6 =	sadd.s32 s15, s23  }
0x202: {  	[tilespmem:s5], [sflag:$0xD] =	stream.linear.gather [hbm4b:s6+s5], $0x50, $0x38;
	[tilespmem:$0x1EA80] =	vst v63  }
0x203: {  	_ =	swait.ge [sflag:s31], $0x2800  }
0x204: {  	[sflag:s31] =	ssyncset.done $0x0  }
0x205: {  	s15 =	simm.s32 $0x5;
	[sflag:s31] =	ssyncadd.s32 $0xFFFFD800  }
0x206: {  	_ =	swait.ge [sflag:s15], $0x2800  }
0x207: {  	[sflag:s15] =	ssyncset.done $0x0  }
0x208: {  	s18 =	simm.s32 $0x9;
	[sflag:s15] =	ssyncadd.s32 $0xFFFFD800  }
0x209: {  	_ =	swait.ge [sflag:s18], $0x50  }
0x20a: {  	[sflag:s18] =	ssyncset.done $0x0  }
0x20b: {  	[sflag:s18] =	ssyncadd.s32 $0xFFFFFFB0  }
0x20c: {  	_ =	swait.ge [sflag:s19], $0x50  }
0x20d: {  	[sflag:s19] =	ssyncset.done $0x0  }
0x20e: {  	[sflag:s19] =	ssyncadd.s32 $0xFFFFFFB0  }
0x20f: {  	v2 =	vld [tilespmem:$0x400]  }
0x210: {  	v3 =	vld [tilespmem:$0x410]  }
0x211: {  	v61 =	vld [tilespmem:$0x420]  }
0x212: {  	v62 =	vld [tilespmem:$0x430]  }
0x213: {  	v63 =	vld [tilespmem:$0x440]  }
0x214: {  	[tilespmem:$0x200] =	vst v2  }
0x215: {  	[tilespmem:$0x210] =	vst v3  }
0x216: {  	[tilespmem:$0x220] =	vst v61  }
0x217: {  	[tilespmem:$0x230] =	vst v62  }
0x218: {  	[tilespmem:$0x240] =	vst v63  }
0x219: {  	_ =	swait.ge [sflag:s11], $0x50  }
0x21a: {  	[sflag:s11] =	ssyncset.done $0x0  }
0x21b: {  	[sflag:s11] =	ssyncadd.s32 $0xFFFFFFB0  }
0x21c: {  	[tilespmem:s26], [sflag:$0x1] =	stream.indirect.gather [hbm4b:s29+s12], $0x80, s5, s12, $0xb8;
	[tilespmem:$0x1EA80] =	vst v63  }
0x21d: {  	s20 =	simm.s32 $0x300  }
0x21e: {  	[spmem:s3] =	stream.indirect.scatter.add.f32 [tilespmem:s22], [sflag:$0x7], $0x80, s20, s12, $0xb8;
	[tilespmem:$0x1EA80] =	vst v63  }
0x21f: {  	_ = 	snop  }
0x220: {  	[spmem:s25] =	stream.indirect.scatter.add.f32 [tilespmem:s4], [sflag:$0xB], $0x1, s20, s12, $0xb8;
	[tilespmem:$0x1EA80] =	vst v63  }
0x221: {  	_ =	swait.ge [sflag:s14], $0x2800  }
0x222: {  	[sflag:s14] =	ssyncset.done $0x0  }
0x223: {  	[sflag:s14] =	ssyncadd.s32 $0xFFFFD800  }
0x224: {  	_ =	swait.ge [sflag:s8], $0x2800  }
0x225: {  	[sflag:s8] =	ssyncset.done $0x0  }
0x226: {  	[sflag:s8] =	ssyncadd.s32 $0xFFFFD800  }
0x227: {  	_ =	swait.ge [sflag:s16], $0x50  }
0x228: {  	[sflag:s16] =	ssyncset.done $0x0  }
0x229: {  	s21 =	simm.s32 $0x380;
	[sflag:s16] =	ssyncadd.s32 $0xFFFFFFB0  }
0x22a: {  	[spmem:s3] =	stream.indirect.scatter.add.f32 [tilespmem:s9], [sflag:$0x8], $0x80, s21, s12, $0xb8;
	[tilespmem:$0x1EA80] =	vst v63  }
0x22b: {  	s22 =	simm.s32 $0x1  }
0x22c: {  	[spmem:s25] =	stream.indirect.scatter.add.f32 [tilespmem:s4], [sflag:$0xC], $0x1, s21, s12, $0xb8;
	[tilespmem:$0x1EA80] =	vst v63  }
0x22d: {  	_ =	swait.ge [sflag:s22], $0x2800  }
0x22e: {  	[sflag:s22] =	ssyncset.done $0x0  }
0x22f: {  	[sflag:s22] =	ssyncadd.s32 $0xFFFFD800  }
0x230: {  	_ =	swait.ge [sflag:s13], $0x2800  }
0x231: {  	[sflag:s13] =	ssyncset.done $0x0  }
0x232: {  	[sflag:s13] =	ssyncadd.s32 $0xFFFFD800  }
0x233: {  	_ =	swait.ge [sflag:s1], $0x50  }
0x234: {  	[sflag:s1] =	ssyncset.done $0x0  }
0x235: {  	s23 =	simm.s32 $0x200;
	[sflag:s1] =	ssyncadd.s32 $0xFFFFFFB0  }
0x236: {  	[spmem:s3] =	stream.indirect.scatter.add.f32 [tilespmem:s26], [sflag:$0x5], $0x80, s23, s12, $0xb8;
	[tilespmem:$0x1EA80] =	vst v63  }
0x237: {  	_ = 	snop  }
0x238: {  	[spmem:s25] =	stream.indirect.scatter.add.f32 [tilespmem:s4], [sflag:$0x9], $0x1, s23, s12, $0xb8;
	[tilespmem:$0x1EA80] =	vst v63  }
0x239: {  	_ =	swait.ge [sflag:s24], $0x2800  }
0x23a: {  	[sflag:s24] =	ssyncset.done $0x0  }
0x23b: {  	[sflag:s24] =	ssyncadd.s32 $0xFFFFD800  }
0x23c: {  	_ =	swait.ge [sflag:s0], $0x50  }
0x23d: {  	[sflag:s0] =	ssyncset.done $0x0  }
0x23e: {  	[sflag:s0] =	ssyncadd.s32 $0xFFFFFFB0  }
0x23f: {  	_ =	swait.ge [sflag:s15], $0x2800  }
0x240: {  	[sflag:s15] =	ssyncset.done $0x0  }
0x241: {  	[sflag:s15] =	ssyncadd.s32 $0xFFFFD800  }
0x242: {  	_ =	swait.ge [sflag:s18], $0x50  }
0x243: {  	[sflag:s18] =	ssyncset.done $0x0  }
0x244: {  	[sflag:s18] =	ssyncadd.s32 $0xFFFFFFB0  }
0x245: {  	[bflag:$0x0] =	sbarrier.arrive $0xFFFF  }
0x246: {  	s14 =	sld [smem:$0x7FB];
	_ =	sdelay $0x1  }
0x247: {  	s23 =	simm.s32 $0x13  }
0x248: {  	[tilespmem:s26], [sflag:$0x13] =	stream.linear.gather [spmem:s14], $0x2800, $0x38;
	[tilespmem:$0x1EA80] =	vst v63  }
0x249: {  	_ =	swait.ge [sflag:s23], $0x2800  }
0x24a: {  	[sflag:s23] =	ssyncset.done $0x0  }
0x24b: {  	s8 =	rddreg [dreg:$0x10];
	[sflag:s23] =	ssyncadd.s32 $0xFFFFD800  }
0x24c: {  	[hbm4b:s8+s5] =	stream.linear.scatter [tilespmem:s26], [sflag:$0x13], $0x2800, $0x38;
	[tilespmem:$0x1EA80] =	vst v63  }
0x24d: {  	_ =	swait.ge [sflag:s23], $0x2800  }
0x24e: {  	s24 =	sld [smem:$0x7FC]  }
0x24f: {  	[sflag:s23] =	ssyncset.done $0x0  }
0x250: {  	[sflag:s23] =	ssyncadd.s32 $0xFFFFD800  }
0x251: {  	[tilespmem:s7], [sflag:$0x13] =	stream.linear.gather [spmem:s24], $0x2800, $0x38;
	[tilespmem:$0x1EA80] =	vst v63  }
0x252: {  	_ =	swait.ge [sflag:s23], $0x2800  }
0x253: {  	[sflag:s23] =	ssyncset.done $0x0  }
0x254: {  	s9 =	rddreg [dreg:$0x11];
	[sflag:s23] =	ssyncadd.s32 $0xFFFFD800  }
0x255: {  	[hbm4b:s9+s5] =	stream.linear.scatter [tilespmem:s7], [sflag:$0x13], $0x2800, $0x38;
	[tilespmem:$0x1EA80] =	vst v63  }
0x256: {  	_ =	swait.ge [sflag:s23], $0x2800  }
0x257: {  	s26 =	sld [smem:$0x7FD]  }
0x258: {  	[sflag:s23] =	ssyncset.done $0x0  }
0x259: {  	s11 =	simm.s32 $0x500;
	[sflag:s23] =	ssyncadd.s32 $0xFFFFD800  }
0x25a: {  	[tilespmem:s11], [sflag:$0x13] =	stream.linear.gather [spmem:s26], $0x2800, $0x38;
	[tilespmem:$0x1EA80] =	vst v63  }
0x25b: {  	_ =	swait.ge [sflag:s23], $0x2800  }
0x25c: {  	[sflag:s23] =	ssyncset.done $0x0  }
0x25d: {  	s13 =	rddreg [dreg:$0x12];
	[sflag:s23] =	ssyncadd.s32 $0xFFFFD800  }
0x25e: {  	[hbm4b:s13+s5] =	stream.linear.scatter [tilespmem:s11], [sflag:$0x13], $0x2800, $0x38;
	[tilespmem:$0x1EA80] =	vst v63  }
0x25f: {  	_ =	swait.ge [sflag:s23], $0x2800  }
0x260: {  	s18 =	sld [smem:$0x7F4]  }
0x261: {  	[sflag:s23] =	ssyncset.done $0x0  }
0x262: {  	[sflag:s23] =	ssyncadd.s32 $0xFFFFD800  }
0x263: {  	[tilespmem:s7], [sflag:$0x13] =	stream.linear.gather [spmem:s18], $0x2800, $0x38;
	[tilespmem:$0x1EA80] =	vst v63  }
0x264: {  	_ =	swait.ge [sflag:s23], $0x2800  }
0x265: {  	[sflag:s23] =	ssyncset.done $0x0  }
0x266: {  	s20 =	rddreg [dreg:$0x13];
	[sflag:s23] =	ssyncadd.s32 $0xFFFFD800  }
0x267: {  	[hbm4b:s20+s5] =	stream.linear.scatter [tilespmem:s7], [sflag:$0x13], $0x2800, $0x38;
	[tilespmem:$0x1EA80] =	vst v63  }
0x268: {  	_ =	swait.ge [sflag:s23], $0x2800  }
0x269: {  	s22 =	sld [smem:$0x7F5]  }
0x26a: {  	[sflag:s23] =	ssyncset.done $0x0  }
0x26b: {  	[sflag:s23] =	ssyncadd.s32 $0xFFFFD800  }
0x26c: {  	[tilespmem:s11], [sflag:$0x13] =	stream.linear.gather [spmem:s22], $0x2800, $0x38;
	[tilespmem:$0x1EA80] =	vst v63  }
0x26d: {  	_ =	swait.ge [sflag:s23], $0x2800  }
0x26e: {  	[sflag:s23] =	ssyncset.done $0x0  }
0x26f: {  	s0 =	rddreg [dreg:$0x14];
	[sflag:s23] =	ssyncadd.s32 $0xFFFFD800  }
0x270: {  	[hbm4b:s0+s5] =	stream.linear.scatter [tilespmem:s11], [sflag:$0x13], $0x2800, $0x38;
	[tilespmem:$0x1EA80] =	vst v63  }
0x271: {  	_ =	swait.ge [sflag:s23], $0x2800  }
0x272: {  	s1 =	sld [smem:$0x7F6]  }
0x273: {  	[sflag:s23] =	ssyncset.done $0x0  }
0x274: {  	[sflag:s23] =	ssyncadd.s32 $0xFFFFD800  }
0x275: {  	[tilespmem:s7], [sflag:$0x13] =	stream.linear.gather [spmem:s1], $0x2800, $0x38;
	[tilespmem:$0x1EA80] =	vst v63  }
0x276: {  	_ =	swait.ge [sflag:s23], $0x2800  }
0x277: {  	[sflag:s23] =	ssyncset.done $0x0  }
0x278: {  	s4 =	rddreg [dreg:$0x15];
	[sflag:s23] =	ssyncadd.s32 $0xFFFFD800  }
0x279: {  	[hbm4b:s4+s5] =	stream.linear.scatter [tilespmem:s7], [sflag:$0x13], $0x2800, $0x38;
	[tilespmem:$0x1EA80] =	vst v63  }
0x27a: {  	_ =	swait.ge [sflag:s23], $0x2800  }
0x27b: {  	s6 =	sld [smem:$0x7F7]  }
0x27c: {  	[sflag:s23] =	ssyncset.done $0x0  }
0x27d: {  	[sflag:s23] =	ssyncadd.s32 $0xFFFFD800  }
0x27e: {  	[tilespmem:s11], [sflag:$0x13] =	stream.linear.gather [spmem:s6], $0x2800, $0x38;
	[tilespmem:$0x1EA80] =	vst v63  }
0x27f: {  	_ =	swait.ge [sflag:s23], $0x2800  }
0x280: {  	[sflag:s23] =	ssyncset.done $0x0  }
0x281: {  	s8 =	rddreg [dreg:$0x16];
	[sflag:s23] =	ssyncadd.s32 $0xFFFFD800  }
0x282: {  	[hbm4b:s8+s5] =	stream.linear.scatter [tilespmem:s11], [sflag:$0x13], $0x2800, $0x38;
	[tilespmem:$0x1EA80] =	vst v63  }
0x283: {  	_ =	swait.ge [sflag:s23], $0x2800  }
0x284: {  	s9 =	sld [smem:$0x7F8]  }
0x285: {  	[sflag:s23] =	ssyncset.done $0x0  }
0x286: {  	[sflag:s23] =	ssyncadd.s32 $0xFFFFD800  }
0x287: {  	[tilespmem:s7], [sflag:$0x13] =	stream.linear.gather [spmem:s9], $0x2800, $0x38;
	[tilespmem:$0x1EA80] =	vst v63  }
0x288: {  	_ =	swait.ge [sflag:s23], $0x2800  }
0x289: {  	[sflag:s23] =	ssyncset.done $0x0  }
0x28a: {  	s11 =	rddreg [dreg:$0x17];
	[sflag:s23] =	ssyncadd.s32 $0xFFFFD800  }
0x28b: {  	[hbm4b:s11+s5] =	stream.linear.scatter [tilespmem:s7], [sflag:$0x13], $0x2800, $0x38;
	[tilespmem:$0x1EA80] =	vst v63  }
0x28c: {  	_ =	swait.ge [sflag:s23], $0x2800  }
0x28d: {  	s13 =	sld [smem:$0x7F9]  }
0x28e: {  	[sflag:s23] =	ssyncset.done $0x0  }
0x28f: {  	s18 =	simm.s32 $0xA580;
	[sflag:s23] =	ssyncadd.s32 $0xFFFFD800  }
0x290: {  	[tilespmem:s18], [sflag:$0x13] =	stream.linear.gather [spmem:s13], $0x280, $0x38;
	[tilespmem:$0x1EA80] =	vst v63  }
0x291: {  	_ =	swait.ge [sflag:s23], $0x280  }
0x292: {  	[sflag:s23] =	ssyncset.done $0x0  }
0x293: {  	s20 =	rddreg [dreg:$0x18];
	[sflag:s23] =	ssyncadd.s32 $0xFFFFFD80  }
0x294: {  	[hbm4b:s20+s2] =	stream.strided.scatter [tilespmem:s18], [sflag:$0x13], $0x280, s17, s2, $0x38;
	[tilespmem:$0x1EA80] =	vst v63  }
0x295: {  	_ =	swait.ge [sflag:s23], $0x280  }
0x296: {  	s21 =	sld [smem:$0x7F0]  }
0x297: {  	s22 =	sld [smem:$0x7FA];
	_ =	sdelay $0x1  }
0x298: {  	s0 =	sadd.s32 $0x1, s21  }
0x299: {  	p0 =	sne.s32 s0, s22  }
.Ltmp2:
0x29a: {  	_ = 	snop;
	(pc) =	sbr.rel @p0 .LBB2_1-.Ltmp2, $3  }
0x29b: {  	_ =	sdelay $0x1  }
0x29c: {  	s28 =	simm.s32 $0x180;
	[sflag:s23] =	ssyncset.done $0x0  }
0x29d: {  	s7 =	simm.s32 $0xF;
	s18 =	simm.s32 $0x1;
	[sflag:s23] =	ssyncadd.s32 $0xFFFFFD80  }
0x29e: {  	_ =	sfence.sel $0x180000  }
0x29f: {  	[bflag:$0x0] =	sbarrier.arrive $0xFFFF  }
0x2a0: {  	_ =	strace $0x90000047  }
0x2a1: {  	s0 =	stileid.u32;
	[bflag:$0x2] =	sbarrier.arrive $0xFFFF  }
0x2a2: {  	p0 =	sne.s32 s0, $0x0;
	s0 =	rddreg [dreg:$0x7]  }
0x2a3: {  	s0 =	sadd.s32 @!p0 $0x100000, s0  }
0x2a4: {  	[sflag:s0] =	ssyncadd.tile.s32 @!p0 $0x1;
	_ =	shalt  }
.Lfunc_end2:
_tile_overlayer_lowered:
.L_overlay_start_2:
0x2a5: {  	(tag) =	ssettag $0x2  }
0x2a6: {  	s0 =	rddreg [dreg:$0x0];
	s2 =	stileid.u32  }
0x2a7: {  	s1 =	rddreg [dreg:$0x1];
	p0 =	sne.s32 s2, $0x0  }
0x2a8: {  	s3 =	rddreg [dreg:$0x2];
	[bflag:$0x3] =	sbarrier.arrive $0xFFFF;
	s2 =	simm.s32 @!p0 $0x1C13  }
0x2a9: {  	[timem:s3], [sflag:s2] =	dma.local @!p0 [hbm:s0], s1  }
0x2aa: {  	s0 =	simm.s32 @!p0 $0x13  }
0x2ab: {  	_ =	swait.ge @!p0 [sflag:s0], s1  }
0x2ac: {  	s1 =	ssub.s32 @!p0 $0x0, s1;
	[sflag:s0] =	ssyncset.done @!p0 $0x0  }
0x2ad: {  	[sflag:s0] =	ssyncadd.s32 @!p0 s1  }
0x2ae: {  	[bflag:$0x3] =	sbarrier.arrive $0xFFFF  }
0x2af: {  	_ =	shalt  }

</sc_bundles>
